<compile_context>
chip_gen: v7x
topology: tpu7x:2x2x1
jax: 0.10.2.dev20260603
libtpu: 0.0.44.dev20260713+nightly
codegen_flags: <defaults>
</compile_context>

<pallas_src>
import functools

import jax
import jax.numpy as jnp
from jax import lax
from jax.experimental import pallas as pl
from jax.experimental.pallas import tpu as pltpu
from jax.experimental.pallas import tpu_sc as plsc

N = 10000
E = 320000
IN_DIM = 16
OUT_DIM = 16
EDGE_DIM = 16
HIDDEN = 64

_NC = 2
_NS = 16
_NW = _NC * _NS
_NSPLIT = 2
_ESLAB = E // _NSPLIT
_EPW = _ESLAB // _NW
_CHUNK = 1000
_NCHUNK = _EPW // _CHUNK

def _sc_mesh():
    return plsc.VectorSubcoreMesh(
        core_axis_name="c", subcore_axis_name="s",
        num_cores=_NC, num_subcores=_NS,
    )


@functools.cache
def _gather_kernel(ebase):
    @functools.partial(
        pl.kernel,
        out_type=jax.ShapeDtypeStruct((_ESLAB, IN_DIM), jnp.float32),
        mesh=_sc_mesh(),
        scratch_types=[
            pltpu.VMEM((_CHUNK,), jnp.int32),
            pltpu.VMEM((_CHUNK, IN_DIM), jnp.float32),
            pltpu.SemaphoreType.DMA,
        ],
        compiler_params=pltpu.CompilerParams(use_tc_tiling_on_sc=False),
    )
    def _gather_k(nf_hbm, ei_hbm, out_hbm, idx_v, rows_v, sem):
        wid = lax.axis_index("s") * _NC + lax.axis_index("c")
        base_w = wid * _EPW
        for c in range(_NCHUNK):
            base = base_w + c * _CHUNK
            pltpu.sync_copy(ei_hbm.at[0, pl.ds(ebase + base, _CHUNK)], idx_v)
            pltpu.async_copy(nf_hbm.at[idx_v], rows_v, sem).wait()
            pltpu.sync_copy(rows_v, out_hbm.at[pl.ds(base, _CHUNK)])

    return _gather_k


@functools.cache
def _scatter_kernel(ebase):
    @functools.partial(
        pl.kernel,
        out_type=(
            jax.ShapeDtypeStruct((_NC, N, OUT_DIM), jnp.float32),
            jax.ShapeDtypeStruct((_NC, N, OUT_DIM), jnp.float32),
        ),
        mesh=_sc_mesh(),
        scratch_types=[
            pltpu.VMEM_SHARED((N, OUT_DIM), jnp.float32),
            pltpu.VMEM_SHARED((N, OUT_DIM), jnp.float32),
            pltpu.VMEM((_CHUNK,), jnp.int32),
            pltpu.VMEM((_CHUNK, OUT_DIM), jnp.float32),
            pltpu.VMEM((_CHUNK, OUT_DIM), jnp.float32),
        ],
        compiler_params=pltpu.CompilerParams(use_tc_tiling_on_sc=False),
    )
    def _scatter_k(msg_hbm, ei_hbm, zeros_hbm, ones_hbm,
                   agg_out, cnt_out, agg_sh, cnt_sh, idx_v, msg_v, ones_v):
        cid = lax.axis_index("c")
        sid = lax.axis_index("s")
        wid = sid * _NC + cid
        pltpu.sync_copy(ones_hbm, ones_v)

        @pl.when(sid == 0)
        def _init():
            pltpu.sync_copy(zeros_hbm, agg_sh)
            pltpu.sync_copy(zeros_hbm, cnt_sh)

        plsc.subcore_barrier()
        base_w = wid * _EPW
        for c in range(_NCHUNK):
            base = base_w + c * _CHUNK
            pltpu.sync_copy(ei_hbm.at[1, pl.ds(ebase + base, _CHUNK)], idx_v)
            pltpu.sync_copy(msg_hbm.at[pl.ds(base, _CHUNK)], msg_v)
            pltpu.sync_copy(msg_v, agg_sh.at[idx_v], add=True)
            pltpu.sync_copy(ones_v, cnt_sh.at[idx_v], add=True)
        plsc.subcore_barrier()

        @pl.when(sid == 0)
        def _flush():
            pltpu.sync_copy(agg_sh, agg_out.at[cid])
            pltpu.sync_copy(cnt_sh, cnt_out.at[cid])

    return _scatter_k


_BE = 8000


def _mlp_body(ef_ref, xs_ref, w1_ref, b1_ref, w2_ref, b2_ref, r_ref, s_ref,
              out_ref):
    ef = ef_ref[...].astype(jnp.bfloat16)
    xs = xs_ref[...].astype(jnp.bfloat16)
    h = jnp.dot(ef, w1_ref[...], preferred_element_type=jnp.float32)
    h = h + b1_ref[...]
    h = jnp.where(h >= 0, h, 0.01 * h).astype(jnp.bfloat16)
    w = jnp.dot(h, w2_ref[...], preferred_element_type=jnp.float32)
    w = w + b2_ref[...]
    xrep = jnp.dot(xs, r_ref[...], preferred_element_type=jnp.float32)
    p = (w * xrep).astype(jnp.bfloat16)
    out_ref[...] = jnp.dot(p, s_ref[...], preferred_element_type=jnp.float32)


def _edge_mlp(edge_feat_p, x_src_p, W1, b1, W2, b2):
    grid = (_ESLAB // _BE,)
    eye8 = jnp.eye(8, dtype=jnp.float32)
    rmat = jnp.repeat(jnp.eye(IN_DIM, dtype=jnp.float32), OUT_DIM, axis=1)
    smat = jnp.tile(jnp.eye(OUT_DIM, dtype=jnp.float32), (IN_DIM, 1))
    w1bd = jnp.kron(eye8, W1).astype(jnp.bfloat16)
    w2bd = jnp.kron(eye8, W2).astype(jnp.bfloat16)
    rbd = jnp.kron(eye8, rmat).astype(jnp.bfloat16)
    sbd = jnp.kron(eye8, smat).astype(jnp.bfloat16)
    b1p = jnp.tile(b1, 8).reshape(1, 8 * HIDDEN)
    b2p = jnp.tile(b2, 8).reshape(1, 8 * IN_DIM * OUT_DIM)
    b8 = _BE // 8
    return pl.pallas_call(
        _mlp_body,
        grid=grid,
        in_specs=[
            pl.BlockSpec((b8, 8 * EDGE_DIM), lambda i: (i, 0)),
            pl.BlockSpec((b8, 8 * IN_DIM), lambda i: (i, 0)),
            pl.BlockSpec((8 * EDGE_DIM, 8 * HIDDEN), lambda i: (0, 0)),
            pl.BlockSpec((1, 8 * HIDDEN), lambda i: (0, 0)),
            pl.BlockSpec((8 * HIDDEN, 8 * IN_DIM * OUT_DIM), lambda i: (0, 0)),
            pl.BlockSpec((1, 8 * IN_DIM * OUT_DIM), lambda i: (0, 0)),
            pl.BlockSpec((8 * IN_DIM, 8 * IN_DIM * OUT_DIM), lambda i: (0, 0)),
            pl.BlockSpec((8 * IN_DIM * OUT_DIM, 8 * OUT_DIM), lambda i: (0, 0)),
        ],
        out_specs=pl.BlockSpec((b8, 8 * OUT_DIM), lambda i: (i, 0)),
        out_shape=jax.ShapeDtypeStruct((_ESLAB // 8, 8 * OUT_DIM),
                                       jnp.float32),
    )(edge_feat_p, x_src_p, w1bd, b1p, w2bd, b2p, rbd, sbd)


def _final_body(agg_a, cnt_a, agg_b, cnt_b, nf_ref, root_ref, bias_ref,
                out_ref):
    agg = (agg_a[0] + agg_a[1]) + (agg_b[0] + agg_b[1])
    cnt = (cnt_a[0] + cnt_a[1]) + (cnt_b[0] + cnt_b[1])
    mean = agg / jnp.maximum(cnt, 1.0)
    out = mean + jnp.dot(nf_ref[...], root_ref[...],
                         preferred_element_type=jnp.float32) + bias_ref[...]
    out_ref[...] = jnp.where(out >= 0, out, 0.01 * out)


def _finalize(parts, node_feat, root, bias):
    rootbd = jnp.kron(jnp.eye(8, dtype=jnp.float32), root)
    biasp = jnp.tile(bias, 8).reshape(1, 8 * OUT_DIM)
    outp = pl.pallas_call(
        _final_body,
        out_shape=jax.ShapeDtypeStruct((N // 8, 8 * OUT_DIM), jnp.float32),
    )(*parts, node_feat.reshape(N // 8, 8 * IN_DIM), rootbd, biasp)
    return outp.reshape(N, OUT_DIM)


def kernel(node_feat, edge_feat, W1, b1, W2, b2, root, bias, edge_index,
           batch_index, num_sampled_nodes_per_hop, num_sampled_edges_per_hop):
    ef_p = edge_feat.reshape(E // 8, 8 * EDGE_DIM)
    zeros = jnp.zeros((N, OUT_DIM), jnp.float32)
    ones = jnp.ones((_CHUNK, OUT_DIM), jnp.float32)
    sl8 = _ESLAB // 8
    parts = []
    for s in range(_NSPLIT):
        x_s = _gather_kernel(s * _ESLAB)(node_feat, edge_index)
        msg_s = _edge_mlp(
            lax.slice_in_dim(ef_p, s * sl8, (s + 1) * sl8, axis=0),
            x_s.reshape(sl8, 8 * IN_DIM), W1, b1, W2, b2)
        agg_s, cnt_s = _scatter_kernel(s * _ESLAB)(
            msg_s.reshape(_ESLAB, OUT_DIM), edge_index, zeros, ones)
        parts.append(agg_s.reshape(_NC, N // 8, 8 * OUT_DIM))
        parts.append(cnt_s.reshape(_NC, N // 8, 8 * OUT_DIM))
    out = _finalize(parts, node_feat, root, bias)
    return (out, edge_index, edge_feat)

# --- scband reference (transcript-rebuilt; emitter-appended) ---
"""Pipeline reference for scband-nnconv-layer-55430847922647 (READ-ONLY COPY).

The authoritative reference and input builder live on the scoring server;
editing this copy changes nothing except your own understanding.
"""

import jax, jax.numpy as jnp
import numpy as np

N = 10000
E = 320000
IN_DIM = 16
OUT_DIM = 16
EDGE_DIM = 16
HIDDEN = 64


def setup_inputs(seed: int = 0) -> dict:
    key = jax.random.key(seed)
    ks = jax.random.split(key, 12)
    node_feat = jax.random.normal(ks[0], (N, IN_DIM), dtype=jnp.float32)
    edge_feat = jax.random.normal(ks[1], (E, EDGE_DIM), dtype=jnp.float32)
    edge_index = jax.random.randint(ks[2], (2, E), 0, N, dtype=jnp.int32)
    batch_index = jnp.zeros((N,), dtype=jnp.int32)
    num_sampled_nodes_per_hop = jnp.array([N], dtype=jnp.int32)
    num_sampled_edges_per_hop = jnp.array([E], dtype=jnp.int32)
    # edge-net MLP params: EDGE_DIM -> HIDDEN -> IN_DIM*OUT_DIM
    W1 = jax.random.normal(ks[3], (EDGE_DIM, HIDDEN), dtype=jnp.float32) / np.sqrt(EDGE_DIM)
    b1 = jnp.zeros((HIDDEN,), dtype=jnp.float32)
    W2 = jax.random.normal(ks[4], (HIDDEN, IN_DIM * OUT_DIM), dtype=jnp.float32) / np.sqrt(HIDDEN)
    b2 = jnp.zeros((IN_DIM * OUT_DIM,), dtype=jnp.float32)
    # NNConv root weight + bias
    root = jax.random.normal(ks[5], (IN_DIM, OUT_DIM), dtype=jnp.float32) / np.sqrt(IN_DIM)
    bias = jnp.zeros((OUT_DIM,), dtype=jnp.float32)
    return {
        "node_feat": node_feat,
        "edge_feat": edge_feat,
        "W1": W1,
        "b1": b1,
        "W2": W2,
        "b2": b2,
        "root": root,
        "bias": bias,
        "edge_index": edge_index,
        "batch_index": batch_index,
        "num_sampled_nodes_per_hop": num_sampled_nodes_per_hop,
        "num_sampled_edges_per_hop": num_sampled_edges_per_hop,
    }


def reference(node_feat, edge_feat, W1, b1, W2, b2, root, bias,
              edge_index, batch_index,
              num_sampled_nodes_per_hop, num_sampled_edges_per_hop):
    n = node_feat.shape[0]
    e = edge_feat.shape[0]
    # edge net: MLP edge_feat -> per-edge weight matrix [E, IN, OUT]
    h = jax.nn.leaky_relu(edge_feat @ W1 + b1)  # hidden_act='leaky_relu'
    w_edge = (h @ W2 + b2).reshape(e, IN_DIM, OUT_DIM)  # out_act=None
    src = edge_index[0]
    dst = edge_index[1]
    # message: x_src @ W_edge per edge (gather + per-edge matvec)
    x_src = jnp.take(node_feat, src, axis=0)
    msg = jnp.einsum('ei,eio->eo', x_src, w_edge)
    # aggr='mean': scatter-add then divide by in-degree
    agg = jax.ops.segment_sum(msg, dst, num_segments=n)
    cnt = jax.ops.segment_sum(jnp.ones((e,), dtype=jnp.float32), dst, num_segments=n)
    agg = agg / jnp.clip(cnt, 1.0)[:, None]
    # root_weight=True
    out = agg + node_feat @ root + bias
    # act='leaky_relu' (bn=None, dp=0, residual=False)
    out = jax.nn.leaky_relu(out)
    return (out, edge_index, edge_feat)

if __name__ == "__main__":
    import jax
    _d = setup_inputs()
    print(jax.jit(kernel)(*tuple(_d.values())))

</pallas_src>

<mosaic_0001>
#map = affine_map<(d0, d1) -> (0, 0)>
module attributes {stable_mosaic.version = 14 : i64} {
  func.func @_gather_k(%arg0: i32, %arg1: i32, %arg2: memref<10000x16xf32, #tpu.memory_space<hbm>>, %arg3: memref<2x320000xi32, #tpu.memory_space<hbm>>, %arg4: memref<160000x16xf32, #tpu.memory_space<hbm>>, %arg5: memref<1000xi32, #tpu.memory_space<vmem>>, %arg6: memref<1000x16xf32, #tpu.memory_space<vmem>>, %arg7: memref<!tpu.dma_semaphore, #tpu.memory_space<semaphore_mem>>) attributes {dimension_semantics = [#tpu.dimension_semantics<core_parallel>, #tpu.dimension_semantics<subcore_parallel>], iteration_bounds = array<i64: 2, 16>, scalar_prefetch = 0 : i64, scratch_operands = 3 : i64, tpu.core_type = #tpu.core_type<sc_vector_subcore>, window_params = [{transform_indices = #map}, {transform_indices = #map}, {transform_indices = #map}]} {
    %mul3A = arith.constant 2 : i32
    %mul3A_0 = arith.muli %arg1, %mul3A : i32
    %add3A = arith.addi %mul3A_0, %arg0 : i32
    %mul3A_1 = arith.constant 5000 : i32
    %mul3A_2 = arith.muli %add3A, %mul3A_1 : i32
    %add3A_3 = arith.constant 0 : i32
    %add3A_4 = arith.addi %mul3A_2, %add3A_3 : i32
    %add3A_5 = arith.constant 160000 : i32
    %add3A_6 = arith.addi %add3A_5, %add3A_4 : i32
    %run_scoped3A = arith.constant 0 : i32
    "tpu.region"() ({
      %run_scoped3A_55 = tpu.sem_alloc : memref<!tpu.dma_semaphore, #tpu.memory_space<semaphore_mem>>
      %dma_start3A_56 = tpu.memref_slice %arg3[%run_scoped3A, %add3A_6] : memref<2x320000xi32, #tpu.memory_space<hbm>> -> memref<1x1000xi32, #tpu.memory_space<hbm>>
      %dma_start3A_57 = tpu.memref_squeeze %dma_start3A_56 : memref<1x1000xi32, #tpu.memory_space<hbm>> -> memref<1000xi32, #tpu.memory_space<hbm>>
      %dma_start3A_58 = tpu.memref_slice %arg3[%run_scoped3A, %add3A_6] : memref<2x320000xi32, #tpu.memory_space<hbm>> -> memref<1x1000xi32, #tpu.memory_space<hbm>>
      %dma_start3A_59 = tpu.memref_squeeze %dma_start3A_58 : memref<1x1000xi32, #tpu.memory_space<hbm>> -> memref<1000xi32, #tpu.memory_space<hbm>>
      tpu.enqueue_dma source(%dma_start3A_59 : memref<1000xi32, #tpu.memory_space<hbm>>) target(%arg5 : memref<1000xi32, #tpu.memory_space<vmem>>) target_semaphore(%run_scoped3A_55 : memref<!tpu.dma_semaphore, #tpu.memory_space<semaphore_mem>>)
      %dma_wait3A_60 = tpu.memref_slice %arg3[%run_scoped3A, %add3A_6] : memref<2x320000xi32, #tpu.memory_space<hbm>> -> memref<1x1000xi32, #tpu.memory_space<hbm>>
      %dma_wait3A_61 = tpu.memref_squeeze %dma_wait3A_60 : memref<1x1000xi32, #tpu.memory_space<hbm>> -> memref<1000xi32, #tpu.memory_space<hbm>>
      %dma_wait3A_62 = tpu.memref_slice %arg3[%run_scoped3A, %add3A_6] : memref<2x320000xi32, #tpu.memory_space<hbm>> -> memref<1x1000xi32, #tpu.memory_space<hbm>>
      %dma_wait3A_63 = tpu.memref_squeeze %dma_wait3A_62 : memref<1x1000xi32, #tpu.memory_space<hbm>> -> memref<1000xi32, #tpu.memory_space<hbm>>
      tpu.wait_dma2 semaphore(%run_scoped3A_55 : memref<!tpu.dma_semaphore, #tpu.memory_space<semaphore_mem>>) src(%dma_wait3A_63 : memref<1000xi32, #tpu.memory_space<hbm>>) dst(%arg5 : memref<1000xi32, #tpu.memory_space<vmem>>)
      tpu.yield
    }) : () -> ()
    %dma_start3A = arith.constant 0 : i32
    %dma_start3A_7 = arith.constant 0 : i32
    %dma_start3A_8 = tpu.memref_slice %arg2[%dma_start3A, %dma_start3A_7] : memref<10000x16xf32, #tpu.memory_space<hbm>> -> memref<10000x16xf32, #tpu.memory_space<hbm>>
    tpu.enqueue_indirect_dma source(%dma_start3A_8 : memref<10000x16xf32, #tpu.memory_space<hbm>>) target(%arg6 : memref<1000x16xf32, #tpu.memory_space<vmem>>) offsets(%arg5 : memref<1000xi32, #tpu.memory_space<vmem>>) semaphore(%arg7 : memref<!tpu.dma_semaphore, #tpu.memory_space<semaphore_mem>>)
    %dma_wait3A = arith.constant 0 : i32
    %dma_wait3A_9 = arith.constant 0 : i32
    %dma_wait3A_10 = tpu.memref_slice %arg2[%dma_wait3A, %dma_wait3A_9] : memref<10000x16xf32, #tpu.memory_space<hbm>> -> memref<10000x16xf32, #tpu.memory_space<hbm>>
    tpu.wait_indirect_dma semaphore(%arg7 : memref<!tpu.dma_semaphore, #tpu.memory_space<semaphore_mem>>) src(%dma_wait3A_10 : memref<10000x16xf32, #tpu.memory_space<hbm>>) dst(%arg6 : memref<1000x16xf32, #tpu.memory_space<vmem>>)
    "tpu.region"() ({
      %run_scoped3A_55 = tpu.sem_alloc : memref<!tpu.dma_semaphore, #tpu.memory_space<semaphore_mem>>
      %dma_start3A_56 = arith.constant 0 : i32
      %dma_start3A_57 = tpu.memref_slice %arg4[%add3A_4, %dma_start3A_56] : memref<160000x16xf32, #tpu.memory_space<hbm>> -> memref<1000x16xf32, #tpu.memory_space<hbm>>
      %dma_start3A_58 = arith.constant 0 : i32
      %dma_start3A_59 = tpu.memref_slice %arg4[%add3A_4, %dma_start3A_58] : memref<160000x16xf32, #tpu.memory_space<hbm>> -> memref<1000x16xf32, #tpu.memory_space<hbm>>
      tpu.enqueue_dma source(%arg6 : memref<1000x16xf32, #tpu.memory_space<vmem>>) target(%dma_start3A_59 : memref<1000x16xf32, #tpu.memory_space<hbm>>) target_semaphore(%run_scoped3A_55 : memref<!tpu.dma_semaphore, #tpu.memory_space<semaphore_mem>>)
      %dma_wait3A_60 = arith.constant 0 : i32
      %dma_wait3A_61 = tpu.memref_slice %arg4[%add3A_4, %dma_wait3A_60] : memref<160000x16xf32, #tpu.memory_space<hbm>> -> memref<1000x16xf32, #tpu.memory_space<hbm>>
      %dma_wait3A_62 = arith.constant 0 : i32
      %dma_wait3A_63 = tpu.memref_slice %arg4[%add3A_4, %dma_wait3A_62] : memref<160000x16xf32, #tpu.memory_space<hbm>> -> memref<1000x16xf32, #tpu.memory_space<hbm>>
      tpu.wait_dma2 semaphore(%run_scoped3A_55 : memref<!tpu.dma_semaphore, #tpu.memory_space<semaphore_mem>>) src(%arg6 : memref<1000x16xf32, #tpu.memory_space<vmem>>) dst(%dma_wait3A_63 : memref<1000x16xf32, #tpu.memory_space<hbm>>)
      tpu.yield
    }) : () -> ()
    %add3A_11 = arith.constant 1000 : i32
    %add3A_12 = arith.addi %mul3A_2, %add3A_11 : i32
    %add3A_13 = arith.constant 160000 : i32
    %add3A_14 = arith.addi %add3A_13, %add3A_12 : i32
    %run_scoped3A_15 = arith.constant 0 : i32
    "tpu.region"() ({
      %run_scoped3A_55 = tpu.sem_alloc : memref<!tpu.dma_semaphore, #tpu.memory_space<semaphore_mem>>
      %dma_start3A_56 = tpu.memref_slice %arg3[%run_scoped3A_15, %add3A_14] : memref<2x320000xi32, #tpu.memory_space<hbm>> -> memref<1x1000xi32, #tpu.memory_space<hbm>>
      %dma_start3A_57 = tpu.memref_squeeze %dma_start3A_56 : memref<1x1000xi32, #tpu.memory_space<hbm>> -> memref<1000xi32, #tpu.memory_space<hbm>>
      %dma_start3A_58 = tpu.memref_slice %arg3[%run_scoped3A_15, %add3A_14] : memref<2x320000xi32, #tpu.memory_space<hbm>> -> memref<1x1000xi32, #tpu.memory_space<hbm>>
      %dma_start3A_59 = tpu.memref_squeeze %dma_start3A_58 : memref<1x1000xi32, #tpu.memory_space<hbm>> -> memref<1000xi32, #tpu.memory_space<hbm>>
      tpu.enqueue_dma source(%dma_start3A_59 : memref<1000xi32, #tpu.memory_space<hbm>>) target(%arg5 : memref<1000xi32, #tpu.memory_space<vmem>>) target_semaphore(%run_scoped3A_55 : memref<!tpu.dma_semaphore, #tpu.memory_space<semaphore_mem>>)
      %dma_wait3A_60 = tpu.memref_slice %arg3[%run_scoped3A_15, %add3A_14] : memref<2x320000xi32, #tpu.memory_space<hbm>> -> memref<1x1000xi32, #tpu.memory_space<hbm>>
      %dma_wait3A_61 = tpu.memref_squeeze %dma_wait3A_60 : memref<1x1000xi32, #tpu.memory_space<hbm>> -> memref<1000xi32, #tpu.memory_space<hbm>>
      %dma_wait3A_62 = tpu.memref_slice %arg3[%run_scoped3A_15, %add3A_14] : memref<2x320000xi32, #tpu.memory_space<hbm>> -> memref<1x1000xi32, #tpu.memory_space<hbm>>
      %dma_wait3A_63 = tpu.memref_squeeze %dma_wait3A_62 : memref<1x1000xi32, #tpu.memory_space<hbm>> -> memref<1000xi32, #tpu.memory_space<hbm>>
      tpu.wait_dma2 semaphore(%run_scoped3A_55 : memref<!tpu.dma_semaphore, #tpu.memory_space<semaphore_mem>>) src(%dma_wait3A_63 : memref<1000xi32, #tpu.memory_space<hbm>>) dst(%arg5 : memref<1000xi32, #tpu.memory_space<vmem>>)
      tpu.yield
    }) : () -> ()
    %dma_start3A_16 = arith.constant 0 : i32
    %dma_start3A_17 = arith.constant 0 : i32
    %dma_start3A_18 = tpu.memref_slice %arg2[%dma_start3A_16, %dma_start3A_17] : memref<10000x16xf32, #tpu.memory_space<hbm>> -> memref<10000x16xf32, #tpu.memory_space<hbm>>
    tpu.enqueue_indirect_dma source(%dma_start3A_18 : memref<10000x16xf32, #tpu.memory_space<hbm>>) target(%arg6 : memref<1000x16xf32, #tpu.memory_space<vmem>>) offsets(%arg5 : memref<1000xi32, #tpu.memory_space<vmem>>) semaphore(%arg7 : memref<!tpu.dma_semaphore, #tpu.memory_space<semaphore_mem>>)
    %dma_wait3A_19 = arith.constant 0 : i32
    %dma_wait3A_20 = arith.constant 0 : i32
    %dma_wait3A_21 = tpu.memref_slice %arg2[%dma_wait3A_19, %dma_wait3A_20] : memref<10000x16xf32, #tpu.memory_space<hbm>> -> memref<10000x16xf32, #tpu.memory_space<hbm>>
    tpu.wait_indirect_dma semaphore(%arg7 : memref<!tpu.dma_semaphore, #tpu.memory_space<semaphore_mem>>) src(%dma_wait3A_21 : memref<10000x16xf32, #tpu.memory_space<hbm>>) dst(%arg6 : memref<1000x16xf32, #tpu.memory_space<vmem>>)
    "tpu.region"() ({
      %run_scoped3A_55 = tpu.sem_alloc : memref<!tpu.dma_semaphore, #tpu.memory_space<semaphore_mem>>
      %dma_start3A_56 = arith.constant 0 : i32
      %dma_start3A_57 = tpu.memref_slice %arg4[%add3A_12, %dma_start3A_56] : memref<160000x16xf32, #tpu.memory_space<hbm>> -> memref<1000x16xf32, #tpu.memory_space<hbm>>
      %dma_start3A_58 = arith.constant 0 : i32
      %dma_start3A_59 = tpu.memref_slice %arg4[%add3A_12, %dma_start3A_58] : memref<160000x16xf32, #tpu.memory_space<hbm>> -> memref<1000x16xf32, #tpu.memory_space<hbm>>
      tpu.enqueue_dma source(%arg6 : memref<1000x16xf32, #tpu.memory_space<vmem>>) target(%dma_start3A_59 : memref<1000x16xf32, #tpu.memory_space<hbm>>) target_semaphore(%run_scoped3A_55 : memref<!tpu.dma_semaphore, #tpu.memory_space<semaphore_mem>>)
      %dma_wait3A_60 = arith.constant 0 : i32
      %dma_wait3A_61 = tpu.memref_slice %arg4[%add3A_12, %dma_wait3A_60] : memref<160000x16xf32, #tpu.memory_space<hbm>> -> memref<1000x16xf32, #tpu.memory_space<hbm>>
      %dma_wait3A_62 = arith.constant 0 : i32
      %dma_wait3A_63 = tpu.memref_slice %arg4[%add3A_12, %dma_wait3A_62] : memref<160000x16xf32, #tpu.memory_space<hbm>> -> memref<1000x16xf32, #tpu.memory_space<hbm>>
      tpu.wait_dma2 semaphore(%run_scoped3A_55 : memref<!tpu.dma_semaphore, #tpu.memory_space<semaphore_mem>>) src(%arg6 : memref<1000x16xf32, #tpu.memory_space<vmem>>) dst(%dma_wait3A_63 : memref<1000x16xf32, #tpu.memory_space<hbm>>)
      tpu.yield
    }) : () -> ()
    %add3A_22 = arith.constant 2000 : i32
    %add3A_23 = arith.addi %mul3A_2, %add3A_22 : i32
    %add3A_24 = arith.constant 160000 : i32
    %add3A_25 = arith.addi %add3A_24, %add3A_23 : i32
    %run_scoped3A_26 = arith.constant 0 : i32
    "tpu.region"() ({
      %run_scoped3A_55 = tpu.sem_alloc : memref<!tpu.dma_semaphore, #tpu.memory_space<semaphore_mem>>
      %dma_start3A_56 = tpu.memref_slice %arg3[%run_scoped3A_26, %add3A_25] : memref<2x320000xi32, #tpu.memory_space<hbm>> -> memref<1x1000xi32, #tpu.memory_space<hbm>>
      %dma_start3A_57 = tpu.memref_squeeze %dma_start3A_56 : memref<1x1000xi32, #tpu.memory_space<hbm>> -> memref<1000xi32, #tpu.memory_space<hbm>>
      %dma_start3A_58 = tpu.memref_slice %arg3[%run_scoped3A_26, %add3A_25] : memref<2x320000xi32, #tpu.memory_space<hbm>> -> memref<1x1000xi32, #tpu.memory_space<hbm>>
      %dma_start3A_59 = tpu.memref_squeeze %dma_start3A_58 : memref<1x1000xi32, #tpu.memory_space<hbm>> -> memref<1000xi32, #tpu.memory_space<hbm>>
      tpu.enqueue_dma source(%dma_start3A_59 : memref<1000xi32, #tpu.memory_space<hbm>>) target(%arg5 : memref<1000xi32, #tpu.memory_space<vmem>>) target_semaphore(%run_scoped3A_55 : memref<!tpu.dma_semaphore, #tpu.memory_space<semaphore_mem>>)
      %dma_wait3A_60 = tpu.memref_slice %arg3[%run_scoped3A_26, %add3A_25] : memref<2x320000xi32, #tpu.memory_space<hbm>> -> memref<1x1000xi32, #tpu.memory_space<hbm>>
      %dma_wait3A_61 = tpu.memref_squeeze %dma_wait3A_60 : memref<1x1000xi32, #tpu.memory_space<hbm>> -> memref<1000xi32, #tpu.memory_space<hbm>>
      %dma_wait3A_62 = tpu.memref_slice %arg3[%run_scoped3A_26, %add3A_25] : memref<2x320000xi32, #tpu.memory_space<hbm>> -> memref<1x1000xi32, #tpu.memory_space<hbm>>
      %dma_wait3A_63 = tpu.memref_squeeze %dma_wait3A_62 : memref<1x1000xi32, #tpu.memory_space<hbm>> -> memref<1000xi32, #tpu.memory_space<hbm>>
      tpu.wait_dma2 semaphore(%run_scoped3A_55 : memref<!tpu.dma_semaphore, #tpu.memory_space<semaphore_mem>>) src(%dma_wait3A_63 : memref<1000xi32, #tpu.memory_space<hbm>>) dst(%arg5 : memref<1000xi32, #tpu.memory_space<vmem>>)
      tpu.yield
    }) : () -> ()
    %dma_start3A_27 = arith.constant 0 : i32
    %dma_start3A_28 = arith.constant 0 : i32
    %dma_start3A_29 = tpu.memref_slice %arg2[%dma_start3A_27, %dma_start3A_28] : memref<10000x16xf32, #tpu.memory_space<hbm>> -> memref<10000x16xf32, #tpu.memory_space<hbm>>
    tpu.enqueue_indirect_dma source(%dma_start3A_29 : memref<10000x16xf32, #tpu.memory_space<hbm>>) target(%arg6 : memref<1000x16xf32, #tpu.memory_space<vmem>>) offsets(%arg5 : memref<1000xi32, #tpu.memory_space<vmem>>) semaphore(%arg7 : memref<!tpu.dma_semaphore, #tpu.memory_space<semaphore_mem>>)
    %dma_wait3A_30 = arith.constant 0 : i32
    %dma_wait3A_31 = arith.constant 0 : i32
    %dma_wait3A_32 = tpu.memref_slice %arg2[%dma_wait3A_30, %dma_wait3A_31] : memref<10000x16xf32, #tpu.memory_space<hbm>> -> memref<10000x16xf32, #tpu.memory_space<hbm>>
    tpu.wait_indirect_dma semaphore(%arg7 : memref<!tpu.dma_semaphore, #tpu.memory_space<semaphore_mem>>) src(%dma_wait3A_32 : memref<10000x16xf32, #tpu.memory_space<hbm>>) dst(%arg6 : memref<1000x16xf32, #tpu.memory_space<vmem>>)
    "tpu.region"() ({
      %run_scoped3A_55 = tpu.sem_alloc : memref<!tpu.dma_semaphore, #tpu.memory_space<semaphore_mem>>
      %dma_start3A_56 = arith.constant 0 : i32
      %dma_start3A_57 = tpu.memref_slice %arg4[%add3A_23, %dma_start3A_56] : memref<160000x16xf32, #tpu.memory_space<hbm>> -> memref<1000x16xf32, #tpu.memory_space<hbm>>
      %dma_start3A_58 = arith.constant 0 : i32
      %dma_start3A_59 = tpu.memref_slice %arg4[%add3A_23, %dma_start3A_58] : memref<160000x16xf32, #tpu.memory_space<hbm>> -> memref<1000x16xf32, #tpu.memory_space<hbm>>
      tpu.enqueue_dma source(%arg6 : memref<1000x16xf32, #tpu.memory_space<vmem>>) target(%dma_start3A_59 : memref<1000x16xf32, #tpu.memory_space<hbm>>) target_semaphore(%run_scoped3A_55 : memref<!tpu.dma_semaphore, #tpu.memory_space<semaphore_mem>>)
      %dma_wait3A_60 = arith.constant 0 : i32
      %dma_wait3A_61 = tpu.memref_slice %arg4[%add3A_23, %dma_wait3A_60] : memref<160000x16xf32, #tpu.memory_space<hbm>> -> memref<1000x16xf32, #tpu.memory_space<hbm>>
      %dma_wait3A_62 = arith.constant 0 : i32
      %dma_wait3A_63 = tpu.memref_slice %arg4[%add3A_23, %dma_wait3A_62] : memref<160000x16xf32, #tpu.memory_space<hbm>> -> memref<1000x16xf32, #tpu.memory_space<hbm>>
      tpu.wait_dma2 semaphore(%run_scoped3A_55 : memref<!tpu.dma_semaphore, #tpu.memory_space<semaphore_mem>>) src(%arg6 : memref<1000x16xf32, #tpu.memory_space<vmem>>) dst(%dma_wait3A_63 : memref<1000x16xf32, #tpu.memory_space<hbm>>)
      tpu.yield
    }) : () -> ()
    %add3A_33 = arith.constant 3000 : i32
    %add3A_34 = arith.addi %mul3A_2, %add3A_33 : i32
    %add3A_35 = arith.constant 160000 : i32
    %add3A_36 = arith.addi %add3A_35, %add3A_34 : i32
    %run_scoped3A_37 = arith.constant 0 : i32
    "tpu.region"() ({
      %run_scoped3A_55 = tpu.sem_alloc : memref<!tpu.dma_semaphore, #tpu.memory_space<semaphore_mem>>
      %dma_start3A_56 = tpu.memref_slice %arg3[%run_scoped3A_37, %add3A_36] : memref<2x320000xi32, #tpu.memory_space<hbm>> -> memref<1x1000xi32, #tpu.memory_space<hbm>>
      %dma_start3A_57 = tpu.memref_squeeze %dma_start3A_56 : memref<1x1000xi32, #tpu.memory_space<hbm>> -> memref<1000xi32, #tpu.memory_space<hbm>>
      %dma_start3A_58 = tpu.memref_slice %arg3[%run_scoped3A_37, %add3A_36] : memref<2x320000xi32, #tpu.memory_space<hbm>> -> memref<1x1000xi32, #tpu.memory_space<hbm>>
      %dma_start3A_59 = tpu.memref_squeeze %dma_start3A_58 : memref<1x1000xi32, #tpu.memory_space<hbm>> -> memref<1000xi32, #tpu.memory_space<hbm>>
      tpu.enqueue_dma source(%dma_start3A_59 : memref<1000xi32, #tpu.memory_space<hbm>>) target(%arg5 : memref<1000xi32, #tpu.memory_space<vmem>>) target_semaphore(%run_scoped3A_55 : memref<!tpu.dma_semaphore, #tpu.memory_space<semaphore_mem>>)
      %dma_wait3A_60 = tpu.memref_slice %arg3[%run_scoped3A_37, %add3A_36] : memref<2x320000xi32, #tpu.memory_space<hbm>> -> memref<1x1000xi32, #tpu.memory_space<hbm>>
      %dma_wait3A_61 = tpu.memref_squeeze %dma_wait3A_60 : memref<1x1000xi32, #tpu.memory_space<hbm>> -> memref<1000xi32, #tpu.memory_space<hbm>>
      %dma_wait3A_62 = tpu.memref_slice %arg3[%run_scoped3A_37, %add3A_36] : memref<2x320000xi32, #tpu.memory_space<hbm>> -> memref<1x1000xi32, #tpu.memory_space<hbm>>
      %dma_wait3A_63 = tpu.memref_squeeze %dma_wait3A_62 : memref<1x1000xi32, #tpu.memory_space<hbm>> -> memref<1000xi32, #tpu.memory_space<hbm>>
      tpu.wait_dma2 semaphore(%run_scoped3A_55 : memref<!tpu.dma_semaphore, #tpu.memory_space<semaphore_mem>>) src(%dma_wait3A_63 : memref<1000xi32, #tpu.memory_space<hbm>>) dst(%arg5 : memref<1000xi32, #tpu.memory_space<vmem>>)
      tpu.yield
    }) : () -> ()
    %dma_start3A_38 = arith.constant 0 : i32
    %dma_start3A_39 = arith.constant 0 : i32
    %dma_start3A_40 = tpu.memref_slice %arg2[%dma_start3A_38, %dma_start3A_39] : memref<10000x16xf32, #tpu.memory_space<hbm>> -> memref<10000x16xf32, #tpu.memory_space<hbm>>
    tpu.enqueue_indirect_dma source(%dma_start3A_40 : memref<10000x16xf32, #tpu.memory_space<hbm>>) target(%arg6 : memref<1000x16xf32, #tpu.memory_space<vmem>>) offsets(%arg5 : memref<1000xi32, #tpu.memory_space<vmem>>) semaphore(%arg7 : memref<!tpu.dma_semaphore, #tpu.memory_space<semaphore_mem>>)
    %dma_wait3A_41 = arith.constant 0 : i32
    %dma_wait3A_42 = arith.constant 0 : i32
    %dma_wait3A_43 = tpu.memref_slice %arg2[%dma_wait3A_41, %dma_wait3A_42] : memref<10000x16xf32, #tpu.memory_space<hbm>> -> memref<10000x16xf32, #tpu.memory_space<hbm>>
    tpu.wait_indirect_dma semaphore(%arg7 : memref<!tpu.dma_semaphore, #tpu.memory_space<semaphore_mem>>) src(%dma_wait3A_43 : memref<10000x16xf32, #tpu.memory_space<hbm>>) dst(%arg6 : memref<1000x16xf32, #tpu.memory_space<vmem>>)
    "tpu.region"() ({
      %run_scoped3A_55 = tpu.sem_alloc : memref<!tpu.dma_semaphore, #tpu.memory_space<semaphore_mem>>
      %dma_start3A_56 = arith.constant 0 : i32
      %dma_start3A_57 = tpu.memref_slice %arg4[%add3A_34, %dma_start3A_56] : memref<160000x16xf32, #tpu.memory_space<hbm>> -> memref<1000x16xf32, #tpu.memory_space<hbm>>
      %dma_start3A_58 = arith.constant 0 : i32
      %dma_start3A_59 = tpu.memref_slice %arg4[%add3A_34, %dma_start3A_58] : memref<160000x16xf32, #tpu.memory_space<hbm>> -> memref<1000x16xf32, #tpu.memory_space<hbm>>
      tpu.enqueue_dma source(%arg6 : memref<1000x16xf32, #tpu.memory_space<vmem>>) target(%dma_start3A_59 : memref<1000x16xf32, #tpu.memory_space<hbm>>) target_semaphore(%run_scoped3A_55 : memref<!tpu.dma_semaphore, #tpu.memory_space<semaphore_mem>>)
      %dma_wait3A_60 = arith.constant 0 : i32
      %dma_wait3A_61 = tpu.memref_slice %arg4[%add3A_34, %dma_wait3A_60] : memref<160000x16xf32, #tpu.memory_space<hbm>> -> memref<1000x16xf32, #tpu.memory_space<hbm>>
      %dma_wait3A_62 = arith.constant 0 : i32
      %dma_wait3A_63 = tpu.memref_slice %arg4[%add3A_34, %dma_wait3A_62] : memref<160000x16xf32, #tpu.memory_space<hbm>> -> memref<1000x16xf32, #tpu.memory_space<hbm>>
      tpu.wait_dma2 semaphore(%run_scoped3A_55 : memref<!tpu.dma_semaphore, #tpu.memory_space<semaphore_mem>>) src(%arg6 : memref<1000x16xf32, #tpu.memory_space<vmem>>) dst(%dma_wait3A_63 : memref<1000x16xf32, #tpu.memory_space<hbm>>)
      tpu.yield
    }) : () -> ()
    %add3A_44 = arith.constant 4000 : i32
    %add3A_45 = arith.addi %mul3A_2, %add3A_44 : i32
    %add3A_46 = arith.constant 160000 : i32
    %add3A_47 = arith.addi %add3A_46, %add3A_45 : i32
    %run_scoped3A_48 = arith.constant 0 : i32
    "tpu.region"() ({
      %run_scoped3A_55 = tpu.sem_alloc : memref<!tpu.dma_semaphore, #tpu.memory_space<semaphore_mem>>
      %dma_start3A_56 = tpu.memref_slice %arg3[%run_scoped3A_48, %add3A_47] : memref<2x320000xi32, #tpu.memory_space<hbm>> -> memref<1x1000xi32, #tpu.memory_space<hbm>>
      %dma_start3A_57 = tpu.memref_squeeze %dma_start3A_56 : memref<1x1000xi32, #tpu.memory_space<hbm>> -> memref<1000xi32, #tpu.memory_space<hbm>>
      %dma_start3A_58 = tpu.memref_slice %arg3[%run_scoped3A_48, %add3A_47] : memref<2x320000xi32, #tpu.memory_space<hbm>> -> memref<1x1000xi32, #tpu.memory_space<hbm>>
      %dma_start3A_59 = tpu.memref_squeeze %dma_start3A_58 : memref<1x1000xi32, #tpu.memory_space<hbm>> -> memref<1000xi32, #tpu.memory_space<hbm>>
      tpu.enqueue_dma source(%dma_start3A_59 : memref<1000xi32, #tpu.memory_space<hbm>>) target(%arg5 : memref<1000xi32, #tpu.memory_space<vmem>>) target_semaphore(%run_scoped3A_55 : memref<!tpu.dma_semaphore, #tpu.memory_space<semaphore_mem>>)
      %dma_wait3A_60 = tpu.memref_slice %arg3[%run_scoped3A_48, %add3A_47] : memref<2x320000xi32, #tpu.memory_space<hbm>> -> memref<1x1000xi32, #tpu.memory_space<hbm>>
      %dma_wait3A_61 = tpu.memref_squeeze %dma_wait3A_60 : memref<1x1000xi32, #tpu.memory_space<hbm>> -> memref<1000xi32, #tpu.memory_space<hbm>>
      %dma_wait3A_62 = tpu.memref_slice %arg3[%run_scoped3A_48, %add3A_47] : memref<2x320000xi32, #tpu.memory_space<hbm>> -> memref<1x1000xi32, #tpu.memory_space<hbm>>
      %dma_wait3A_63 = tpu.memref_squeeze %dma_wait3A_62 : memref<1x1000xi32, #tpu.memory_space<hbm>> -> memref<1000xi32, #tpu.memory_space<hbm>>
      tpu.wait_dma2 semaphore(%run_scoped3A_55 : memref<!tpu.dma_semaphore, #tpu.memory_space<semaphore_mem>>) src(%dma_wait3A_63 : memref<1000xi32, #tpu.memory_space<hbm>>) dst(%arg5 : memref<1000xi32, #tpu.memory_space<vmem>>)
      tpu.yield
    }) : () -> ()
    %dma_start3A_49 = arith.constant 0 : i32
    %dma_start3A_50 = arith.constant 0 : i32
    %dma_start3A_51 = tpu.memref_slice %arg2[%dma_start3A_49, %dma_start3A_50] : memref<10000x16xf32, #tpu.memory_space<hbm>> -> memref<10000x16xf32, #tpu.memory_space<hbm>>
    tpu.enqueue_indirect_dma source(%dma_start3A_51 : memref<10000x16xf32, #tpu.memory_space<hbm>>) target(%arg6 : memref<1000x16xf32, #tpu.memory_space<vmem>>) offsets(%arg5 : memref<1000xi32, #tpu.memory_space<vmem>>) semaphore(%arg7 : memref<!tpu.dma_semaphore, #tpu.memory_space<semaphore_mem>>)
    %dma_wait3A_52 = arith.constant 0 : i32
    %dma_wait3A_53 = arith.constant 0 : i32
    %dma_wait3A_54 = tpu.memref_slice %arg2[%dma_wait3A_52, %dma_wait3A_53] : memref<10000x16xf32, #tpu.memory_space<hbm>> -> memref<10000x16xf32, #tpu.memory_space<hbm>>
    tpu.wait_indirect_dma semaphore(%arg7 : memref<!tpu.dma_semaphore, #tpu.memory_space<semaphore_mem>>) src(%dma_wait3A_54 : memref<10000x16xf32, #tpu.memory_space<hbm>>) dst(%arg6 : memref<1000x16xf32, #tpu.memory_space<vmem>>)
    "tpu.region"() ({
      %run_scoped3A_55 = tpu.sem_alloc : memref<!tpu.dma_semaphore, #tpu.memory_space<semaphore_mem>>
      %dma_start3A_56 = arith.constant 0 : i32
      %dma_start3A_57 = tpu.memref_slice %arg4[%add3A_45, %dma_start3A_56] : memref<160000x16xf32, #tpu.memory_space<hbm>> -> memref<1000x16xf32, #tpu.memory_space<hbm>>
      %dma_start3A_58 = arith.constant 0 : i32
      %dma_start3A_59 = tpu.memref_slice %arg4[%add3A_45, %dma_start3A_58] : memref<160000x16xf32, #tpu.memory_space<hbm>> -> memref<1000x16xf32, #tpu.memory_space<hbm>>
      tpu.enqueue_dma source(%arg6 : memref<1000x16xf32, #tpu.memory_space<vmem>>) target(%dma_start3A_59 : memref<1000x16xf32, #tpu.memory_space<hbm>>) target_semaphore(%run_scoped3A_55 : memref<!tpu.dma_semaphore, #tpu.memory_space<semaphore_mem>>)
      %dma_wait3A_60 = arith.constant 0 : i32
      %dma_wait3A_61 = tpu.memref_slice %arg4[%add3A_45, %dma_wait3A_60] : memref<160000x16xf32, #tpu.memory_space<hbm>> -> memref<1000x16xf32, #tpu.memory_space<hbm>>
      %dma_wait3A_62 = arith.constant 0 : i32
      %dma_wait3A_63 = tpu.memref_slice %arg4[%add3A_45, %dma_wait3A_62] : memref<160000x16xf32, #tpu.memory_space<hbm>> -> memref<1000x16xf32, #tpu.memory_space<hbm>>
      tpu.wait_dma2 semaphore(%run_scoped3A_55 : memref<!tpu.dma_semaphore, #tpu.memory_space<semaphore_mem>>) src(%arg6 : memref<1000x16xf32, #tpu.memory_space<vmem>>) dst(%dma_wait3A_63 : memref<1000x16xf32, #tpu.memory_space<hbm>>)
      tpu.yield
    }) : () -> ()
    return
  }
}

#map = affine_map<(d0, d1) -> (0, 0)>
#map1 = affine_map<(d0, d1) -> (0, 0, 0)>
module attributes {stable_mosaic.version = 14 : i64} {
  func.func @_scatter_k(%arg0: i32, %arg1: i32, %arg2: memref<160000x16xf32, #tpu.memory_space<hbm>>, %arg3: memref<2x320000xi32, #tpu.memory_space<hbm>>, %arg4: memref<10000x16xf32, #tpu.memory_space<hbm>>, %arg5: memref<1000x16xf32, #tpu.memory_space<hbm>>, %arg6: memref<2x10000x16xf32, #tpu.memory_space<hbm>>, %arg7: memref<2x10000x16xf32, #tpu.memory_space<hbm>>, %arg8: memref<10000x16xf32, #tpu.memory_space<vmem_shared>>, %arg9: memref<10000x16xf32, #tpu.memory_space<vmem_shared>>, %arg10: memref<1000xi32, #tpu.memory_space<vmem>>, %arg11: memref<1000x16xf32, #tpu.memory_space<vmem>>, %arg12: memref<1000x16xf32, #tpu.memory_space<vmem>>) attributes {dimension_semantics = [#tpu.dimension_semantics<core_parallel>, #tpu.dimension_semantics<subcore_parallel>], iteration_bounds = array<i64: 2, 16>, scalar_prefetch = 0 : i64, scratch_operands = 5 : i64, tpu.core_type = #tpu.core_type<sc_vector_subcore>, window_params = [{transform_indices = #map}, {transform_indices = #map}, {transform_indices = #map}, {transform_indices = #map}, {transform_indices = #map1}, {transform_indices = #map1}]} {
    %mul3A = arith.constant 2 : i32
    %mul3A_0 = arith.muli %arg1, %mul3A : i32
    %add3A = arith.addi %mul3A_0, %arg0 : i32
    "tpu.region"() ({
      %run_scoped3A_35 = tpu.sem_alloc : memref<!tpu.dma_semaphore, #tpu.memory_space<semaphore_mem>>
      tpu.enqueue_dma source(%arg5 : memref<1000x16xf32, #tpu.memory_space<hbm>>) target(%arg12 : memref<1000x16xf32, #tpu.memory_space<vmem>>) target_semaphore(%run_scoped3A_35 : memref<!tpu.dma_semaphore, #tpu.memory_space<semaphore_mem>>)
      tpu.wait_dma2 semaphore(%run_scoped3A_35 : memref<!tpu.dma_semaphore, #tpu.memory_space<semaphore_mem>>) src(%arg5 : memref<1000x16xf32, #tpu.memory_space<hbm>>) dst(%arg12 : memref<1000x16xf32, #tpu.memory_space<vmem>>)
      tpu.yield
    }) : () -> ()
    %eq3A = arith.constant 0 : i32
    %eq3A_1 = arith.cmpi eq, %arg1, %eq3A : i32
    %convert_element_type3A = arith.extui %eq3A_1 : i1 to i32
    %cond3A = arith.constant 0 : i32
    %cond3A_2 = arith.cmpi ne, %convert_element_type3A, %cond3A : i32
    scf.if %cond3A_2 {
      "tpu.region"() ({
        %run_scoped3A_35 = tpu.sem_alloc : memref<!tpu.dma_semaphore, #tpu.memory_space<semaphore_mem>>
        tpu.enqueue_dma source(%arg4 : memref<10000x16xf32, #tpu.memory_space<hbm>>) target(%arg8 : memref<10000x16xf32, #tpu.memory_space<vmem_shared>>) target_semaphore(%run_scoped3A_35 : memref<!tpu.dma_semaphore, #tpu.memory_space<semaphore_mem>>)
        tpu.wait_dma2 semaphore(%run_scoped3A_35 : memref<!tpu.dma_semaphore, #tpu.memory_space<semaphore_mem>>) src(%arg4 : memref<10000x16xf32, #tpu.memory_space<hbm>>) dst(%arg8 : memref<10000x16xf32, #tpu.memory_space<vmem_shared>>)
        tpu.yield
      }) : () -> ()
      "tpu.region"() ({
        %run_scoped3A_35 = tpu.sem_alloc : memref<!tpu.dma_semaphore, #tpu.memory_space<semaphore_mem>>
        tpu.enqueue_dma source(%arg4 : memref<10000x16xf32, #tpu.memory_space<hbm>>) target(%arg9 : memref<10000x16xf32, #tpu.memory_space<vmem_shared>>) target_semaphore(%run_scoped3A_35 : memref<!tpu.dma_semaphore, #tpu.memory_space<semaphore_mem>>)
        tpu.wait_dma2 semaphore(%run_scoped3A_35 : memref<!tpu.dma_semaphore, #tpu.memory_space<semaphore_mem>>) src(%arg4 : memref<10000x16xf32, #tpu.memory_space<hbm>>) dst(%arg9 : memref<10000x16xf32, #tpu.memory_space<vmem_shared>>)
        tpu.yield
      }) : () -> ()
    } else {
    }
    %barrier3A = arith.constant 0 : index
    tpu.barrier barrier_id(%barrier3A)
    %mul3A_3 = arith.constant 5000 : i32
    %mul3A_4 = arith.muli %add3A, %mul3A_3 : i32
    %add3A_5 = arith.constant 0 : i32
    %add3A_6 = arith.addi %mul3A_4, %add3A_5 : i32
    %add3A_7 = arith.constant 0 : i32
    %add3A_8 = arith.addi %add3A_7, %add3A_6 : i32
    %run_scoped3A = arith.constant 1 : i32
    "tpu.region"() ({
      %run_scoped3A_35 = tpu.sem_alloc : memref<!tpu.dma_semaphore, #tpu.memory_space<semaphore_mem>>
      %dma_start3A = tpu.memref_slice %arg3[%run_scoped3A, %add3A_8] : memref<2x320000xi32, #tpu.memory_space<hbm>> -> memref<1x1000xi32, #tpu.memory_space<hbm>>
      %dma_start3A_36 = tpu.memref_squeeze %dma_start3A : memref<1x1000xi32, #tpu.memory_space<hbm>> -> memref<1000xi32, #tpu.memory_space<hbm>>
      %dma_start3A_37 = tpu.memref_slice %arg3[%run_scoped3A, %add3A_8] : memref<2x320000xi32, #tpu.memory_space<hbm>> -> memref<1x1000xi32, #tpu.memory_space<hbm>>
      %dma_start3A_38 = tpu.memref_squeeze %dma_start3A_37 : memref<1x1000xi32, #tpu.memory_space<hbm>> -> memref<1000xi32, #tpu.memory_space<hbm>>
      tpu.enqueue_dma source(%dma_start3A_38 : memref<1000xi32, #tpu.memory_space<hbm>>) target(%arg10 : memref<1000xi32, #tpu.memory_space<vmem>>) target_semaphore(%run_scoped3A_35 : memref<!tpu.dma_semaphore, #tpu.memory_space<semaphore_mem>>)
      %dma_wait3A = tpu.memref_slice %arg3[%run_scoped3A, %add3A_8] : memref<2x320000xi32, #tpu.memory_space<hbm>> -> memref<1x1000xi32, #tpu.memory_space<hbm>>
      %dma_wait3A_39 = tpu.memref_squeeze %dma_wait3A : memref<1x1000xi32, #tpu.memory_space<hbm>> -> memref<1000xi32, #tpu.memory_space<hbm>>
      %dma_wait3A_40 = tpu.memref_slice %arg3[%run_scoped3A, %add3A_8] : memref<2x320000xi32, #tpu.memory_space<hbm>> -> memref<1x1000xi32, #tpu.memory_space<hbm>>
      %dma_wait3A_41 = tpu.memref_squeeze %dma_wait3A_40 : memref<1x1000xi32, #tpu.memory_space<hbm>> -> memref<1000xi32, #tpu.memory_space<hbm>>
      tpu.wait_dma2 semaphore(%run_scoped3A_35 : memref<!tpu.dma_semaphore, #tpu.memory_space<semaphore_mem>>) src(%dma_wait3A_41 : memref<1000xi32, #tpu.memory_space<hbm>>) dst(%arg10 : memref<1000xi32, #tpu.memory_space<vmem>>)
      tpu.yield
    }) : () -> ()
    "tpu.region"() ({
      %run_scoped3A_35 = tpu.sem_alloc : memref<!tpu.dma_semaphore, #tpu.memory_space<semaphore_mem>>
      %dma_start3A = arith.constant 0 : i32
      %dma_start3A_36 = tpu.memref_slice %arg2[%add3A_6, %dma_start3A] : memref<160000x16xf32, #tpu.memory_space<hbm>> -> memref<1000x16xf32, #tpu.memory_space<hbm>>
      %dma_start3A_37 = arith.constant 0 : i32
      %dma_start3A_38 = tpu.memref_slice %arg2[%add3A_6, %dma_start3A_37] : memref<160000x16xf32, #tpu.memory_space<hbm>> -> memref<1000x16xf32, #tpu.memory_space<hbm>>
      tpu.enqueue_dma source(%dma_start3A_38 : memref<1000x16xf32, #tpu.memory_space<hbm>>) target(%arg11 : memref<1000x16xf32, #tpu.memory_space<vmem>>) target_semaphore(%run_scoped3A_35 : memref<!tpu.dma_semaphore, #tpu.memory_space<semaphore_mem>>)
      %dma_wait3A = arith.constant 0 : i32
      %dma_wait3A_39 = tpu.memref_slice %arg2[%add3A_6, %dma_wait3A] : memref<160000x16xf32, #tpu.memory_space<hbm>> -> memref<1000x16xf32, #tpu.memory_space<hbm>>
      %dma_wait3A_40 = arith.constant 0 : i32
      %dma_wait3A_41 = tpu.memref_slice %arg2[%add3A_6, %dma_wait3A_40] : memref<160000x16xf32, #tpu.memory_space<hbm>> -> memref<1000x16xf32, #tpu.memory_space<hbm>>
      tpu.wait_dma2 semaphore(%run_scoped3A_35 : memref<!tpu.dma_semaphore, #tpu.memory_space<semaphore_mem>>) src(%dma_wait3A_41 : memref<1000x16xf32, #tpu.memory_space<hbm>>) dst(%arg11 : memref<1000x16xf32, #tpu.memory_space<vmem>>)
      tpu.yield
    }) : () -> ()
    "tpu.region"() ({
      %run_scoped3A_35 = tpu.sem_alloc : memref<!tpu.dma_semaphore, #tpu.memory_space<semaphore_mem>>
      %dma_start3A = arith.constant 0 : i32
      %dma_start3A_36 = arith.constant 0 : i32
      %dma_start3A_37 = tpu.memref_slice %arg8[%dma_start3A, %dma_start3A_36] : memref<10000x16xf32, #tpu.memory_space<vmem_shared>> -> memref<10000x16xf32, #tpu.memory_space<vmem_shared>>
      tpu.enqueue_indirect_dma source(%arg11 : memref<1000x16xf32, #tpu.memory_space<vmem>>) target(%dma_start3A_37 : memref<10000x16xf32, #tpu.memory_space<vmem_shared>>) offsets(%arg10 : memref<1000xi32, #tpu.memory_space<vmem>>) semaphore(%run_scoped3A_35 : memref<!tpu.dma_semaphore, #tpu.memory_space<semaphore_mem>>) {add = true}
      %dma_wait3A = arith.constant 0 : i32
      %dma_wait3A_38 = arith.constant 0 : i32
      %dma_wait3A_39 = tpu.memref_slice %arg8[%dma_wait3A, %dma_wait3A_38] : memref<10000x16xf32, #tpu.memory_space<vmem_shared>> -> memref<10000x16xf32, #tpu.memory_space<vmem_shared>>
      tpu.wait_indirect_dma semaphore(%run_scoped3A_35 : memref<!tpu.dma_semaphore, #tpu.memory_space<semaphore_mem>>) src(%arg11 : memref<1000x16xf32, #tpu.memory_space<vmem>>) dst(%dma_wait3A_39 : memref<10000x16xf32, #tpu.memory_space<vmem_shared>>)
      tpu.yield
    }) : () -> ()
    "tpu.region"() ({
      %run_scoped3A_35 = tpu.sem_alloc : memref<!tpu.dma_semaphore, #tpu.memory_space<semaphore_mem>>
      %dma_start3A = arith.constant 0 : i32
      %dma_start3A_36 = arith.constant 0 : i32
      %dma_start3A_37 = tpu.memref_slice %arg9[%dma_start3A, %dma_start3A_36] : memref<10000x16xf32, #tpu.memory_space<vmem_shared>> -> memref<10000x16xf32, #tpu.memory_space<vmem_shared>>
      tpu.enqueue_indirect_dma source(%arg12 : memref<1000x16xf32, #tpu.memory_space<vmem>>) target(%dma_start3A_37 : memref<10000x16xf32, #tpu.memory_space<vmem_shared>>) offsets(%arg10 : memref<1000xi32, #tpu.memory_space<vmem>>) semaphore(%run_scoped3A_35 : memref<!tpu.dma_semaphore, #tpu.memory_space<semaphore_mem>>) {add = true}
      %dma_wait3A = arith.constant 0 : i32
      %dma_wait3A_38 = arith.constant 0 : i32
      %dma_wait3A_39 = tpu.memref_slice %arg9[%dma_wait3A, %dma_wait3A_38] : memref<10000x16xf32, #tpu.memory_space<vmem_shared>> -> memref<10000x16xf32, #tpu.memory_space<vmem_shared>>
      tpu.wait_indirect_dma semaphore(%run_scoped3A_35 : memref<!tpu.dma_semaphore, #tpu.memory_space<semaphore_mem>>) src(%arg12 : memref<1000x16xf32, #tpu.memory_space<vmem>>) dst(%dma_wait3A_39 : memref<10000x16xf32, #tpu.memory_space<vmem_shared>>)
      tpu.yield
    }) : () -> ()
    %add3A_9 = arith.constant 1000 : i32
    %add3A_10 = arith.addi %mul3A_4, %add3A_9 : i32
    %add3A_11 = arith.constant 0 : i32
    %add3A_12 = arith.addi %add3A_11, %add3A_10 : i32
    %run_scoped3A_13 = arith.constant 1 : i32
    "tpu.region"() ({
      %run_scoped3A_35 = tpu.sem_alloc : memref<!tpu.dma_semaphore, #tpu.memory_space<semaphore_mem>>
      %dma_start3A = tpu.memref_slice %arg3[%run_scoped3A_13, %add3A_12] : memref<2x320000xi32, #tpu.memory_space<hbm>> -> memref<1x1000xi32, #tpu.memory_space<hbm>>
      %dma_start3A_36 = tpu.memref_squeeze %dma_start3A : memref<1x1000xi32, #tpu.memory_space<hbm>> -> memref<1000xi32, #tpu.memory_space<hbm>>
      %dma_start3A_37 = tpu.memref_slice %arg3[%run_scoped3A_13, %add3A_12] : memref<2x320000xi32, #tpu.memory_space<hbm>> -> memref<1x1000xi32, #tpu.memory_space<hbm>>
      %dma_start3A_38 = tpu.memref_squeeze %dma_start3A_37 : memref<1x1000xi32, #tpu.memory_space<hbm>> -> memref<1000xi32, #tpu.memory_space<hbm>>
      tpu.enqueue_dma source(%dma_start3A_38 : memref<1000xi32, #tpu.memory_space<hbm>>) target(%arg10 : memref<1000xi32, #tpu.memory_space<vmem>>) target_semaphore(%run_scoped3A_35 : memref<!tpu.dma_semaphore, #tpu.memory_space<semaphore_mem>>)
      %dma_wait3A = tpu.memref_slice %arg3[%run_scoped3A_13, %add3A_12] : memref<2x320000xi32, #tpu.memory_space<hbm>> -> memref<1x1000xi32, #tpu.memory_space<hbm>>
      %dma_wait3A_39 = tpu.memref_squeeze %dma_wait3A : memref<1x1000xi32, #tpu.memory_space<hbm>> -> memref<1000xi32, #tpu.memory_space<hbm>>
      %dma_wait3A_40 = tpu.memref_slice %arg3[%run_scoped3A_13, %add3A_12] : memref<2x320000xi32, #tpu.memory_space<hbm>> -> memref<1x1000xi32, #tpu.memory_space<hbm>>
      %dma_wait3A_41 = tpu.memref_squeeze %dma_wait3A_40 : memref<1x1000xi32, #tpu.memory_space<hbm>> -> memref<1000xi32, #tpu.memory_space<hbm>>
      tpu.wait_dma2 semaphore(%run_scoped3A_35 : memref<!tpu.dma_semaphore, #tpu.memory_space<semaphore_mem>>) src(%dma_wait3A_41 : memref<1000xi32, #tpu.memory_space<hbm>>) dst(%arg10 : memref<1000xi32, #tpu.memory_space<vmem>>)
      tpu.yield
    }) : () -> ()
    "tpu.region"() ({
      %run_scoped3A_35 = tpu.sem_alloc : memref<!tpu.dma_semaphore, #tpu.memory_space<semaphore_mem>>
      %dma_start3A = arith.constant 0 : i32
      %dma_start3A_36 = tpu.memref_slice %arg2[%add3A_10, %dma_start3A] : memref<160000x16xf32, #tpu.memory_space<hbm>> -> memref<1000x16xf32, #tpu.memory_space<hbm>>
      %dma_start3A_37 = arith.constant 0 : i32
      %dma_start3A_38 = tpu.memref_slice %arg2[%add3A_10, %dma_start3A_37] : memref<160000x16xf32, #tpu.memory_space<hbm>> -> memref<1000x16xf32, #tpu.memory_space<hbm>>
      tpu.enqueue_dma source(%dma_start3A_38 : memref<1000x16xf32, #tpu.memory_space<hbm>>) target(%arg11 : memref<1000x16xf32, #tpu.memory_space<vmem>>) target_semaphore(%run_scoped3A_35 : memref<!tpu.dma_semaphore, #tpu.memory_space<semaphore_mem>>)
      %dma_wait3A = arith.constant 0 : i32
      %dma_wait3A_39 = tpu.memref_slice %arg2[%add3A_10, %dma_wait3A] : memref<160000x16xf32, #tpu.memory_space<hbm>> -> memref<1000x16xf32, #tpu.memory_space<hbm>>
      %dma_wait3A_40 = arith.constant 0 : i32
      %dma_wait3A_41 = tpu.memref_slice %arg2[%add3A_10, %dma_wait3A_40] : memref<160000x16xf32, #tpu.memory_space<hbm>> -> memref<1000x16xf32, #tpu.memory_space<hbm>>
      tpu.wait_dma2 semaphore(%run_scoped3A_35 : memref<!tpu.dma_semaphore, #tpu.memory_space<semaphore_mem>>) src(%dma_wait3A_41 : memref<1000x16xf32, #tpu.memory_space<hbm>>) dst(%arg11 : memref<1000x16xf32, #tpu.memory_space<vmem>>)
      tpu.yield
    }) : () -> ()
    "tpu.region"() ({
      %run_scoped3A_35 = tpu.sem_alloc : memref<!tpu.dma_semaphore, #tpu.memory_space<semaphore_mem>>
      %dma_start3A = arith.constant 0 : i32
      %dma_start3A_36 = arith.constant 0 : i32
      %dma_start3A_37 = tpu.memref_slice %arg8[%dma_start3A, %dma_start3A_36] : memref<10000x16xf32, #tpu.memory_space<vmem_shared>> -> memref<10000x16xf32, #tpu.memory_space<vmem_shared>>
      tpu.enqueue_indirect_dma source(%arg11 : memref<1000x16xf32, #tpu.memory_space<vmem>>) target(%dma_start3A_37 : memref<10000x16xf32, #tpu.memory_space<vmem_shared>>) offsets(%arg10 : memref<1000xi32, #tpu.memory_space<vmem>>) semaphore(%run_scoped3A_35 : memref<!tpu.dma_semaphore, #tpu.memory_space<semaphore_mem>>) {add = true}
      %dma_wait3A = arith.constant 0 : i32
      %dma_wait3A_38 = arith.constant 0 : i32
      %dma_wait3A_39 = tpu.memref_slice %arg8[%dma_wait3A, %dma_wait3A_38] : memref<10000x16xf32, #tpu.memory_space<vmem_shared>> -> memref<10000x16xf32, #tpu.memory_space<vmem_shared>>
      tpu.wait_indirect_dma semaphore(%run_scoped3A_35 : memref<!tpu.dma_semaphore, #tpu.memory_space<semaphore_mem>>) src(%arg11 : memref<1000x16xf32, #tpu.memory_space<vmem>>) dst(%dma_wait3A_39 : memref<10000x16xf32, #tpu.memory_space<vmem_shared>>)
      tpu.yield
    }) : () -> ()
    "tpu.region"() ({
      %run_scoped3A_35 = tpu.sem_alloc : memref<!tpu.dma_semaphore, #tpu.memory_space<semaphore_mem>>
      %dma_start3A = arith.constant 0 : i32
      %dma_start3A_36 = arith.constant 0 : i32
      %dma_start3A_37 = tpu.memref_slice %arg9[%dma_start3A, %dma_start3A_36] : memref<10000x16xf32, #tpu.memory_space<vmem_shared>> -> memref<10000x16xf32, #tpu.memory_space<vmem_shared>>
      tpu.enqueue_indirect_dma source(%arg12 : memref<1000x16xf32, #tpu.memory_space<vmem>>) target(%dma_start3A_37 : memref<10000x16xf32, #tpu.memory_space<vmem_shared>>) offsets(%arg10 : memref<1000xi32, #tpu.memory_space<vmem>>) semaphore(%run_scoped3A_35 : memref<!tpu.dma_semaphore, #tpu.memory_space<semaphore_mem>>) {add = true}
      %dma_wait3A = arith.constant 0 : i32
      %dma_wait3A_38 = arith.constant 0 : i32
      %dma_wait3A_39 = tpu.memref_slice %arg9[%dma_wait3A, %dma_wait3A_38] : memref<10000x16xf32, #tpu.memory_space<vmem_shared>> -> memref<10000x16xf32, #tpu.memory_space<vmem_shared>>
      tpu.wait_indirect_dma semaphore(%run_scoped3A_35 : memref<!tpu.dma_semaphore, #tpu.memory_space<semaphore_mem>>) src(%arg12 : memref<1000x16xf32, #tpu.memory_space<vmem>>) dst(%dma_wait3A_39 : memref<10000x16xf32, #tpu.memory_space<vmem_shared>>)
      tpu.yield
    }) : () -> ()
    %add3A_14 = arith.constant 2000 : i32
    %add3A_15 = arith.addi %mul3A_4, %add3A_14 : i32
    %add3A_16 = arith.constant 0 : i32
    %add3A_17 = arith.addi %add3A_16, %add3A_15 : i32
    %run_scoped3A_18 = arith.constant 1 : i32
    "tpu.region"() ({
      %run_scoped3A_35 = tpu.sem_alloc : memref<!tpu.dma_semaphore, #tpu.memory_space<semaphore_mem>>
      %dma_start3A = tpu.memref_slice %arg3[%run_scoped3A_18, %add3A_17] : memref<2x320000xi32, #tpu.memory_space<hbm>> -> memref<1x1000xi32, #tpu.memory_space<hbm>>
      %dma_start3A_36 = tpu.memref_squeeze %dma_start3A : memref<1x1000xi32, #tpu.memory_space<hbm>> -> memref<1000xi32, #tpu.memory_space<hbm>>
      %dma_start3A_37 = tpu.memref_slice %arg3[%run_scoped3A_18, %add3A_17] : memref<2x320000xi32, #tpu.memory_space<hbm>> -> memref<1x1000xi32, #tpu.memory_space<hbm>>
      %dma_start3A_38 = tpu.memref_squeeze %dma_start3A_37 : memref<1x1000xi32, #tpu.memory_space<hbm>> -> memref<1000xi32, #tpu.memory_space<hbm>>
      tpu.enqueue_dma source(%dma_start3A_38 : memref<1000xi32, #tpu.memory_space<hbm>>) target(%arg10 : memref<1000xi32, #tpu.memory_space<vmem>>) target_semaphore(%run_scoped3A_35 : memref<!tpu.dma_semaphore, #tpu.memory_space<semaphore_mem>>)
      %dma_wait3A = tpu.memref_slice %arg3[%run_scoped3A_18, %add3A_17] : memref<2x320000xi32, #tpu.memory_space<hbm>> -> memref<1x1000xi32, #tpu.memory_space<hbm>>
      %dma_wait3A_39 = tpu.memref_squeeze %dma_wait3A : memref<1x1000xi32, #tpu.memory_space<hbm>> -> memref<1000xi32, #tpu.memory_space<hbm>>
      %dma_wait3A_40 = tpu.memref_slice %arg3[%run_scoped3A_18, %add3A_17] : memref<2x320000xi32, #tpu.memory_space<hbm>> -> memref<1x1000xi32, #tpu.memory_space<hbm>>
      %dma_wait3A_41 = tpu.memref_squeeze %dma_wait3A_40 : memref<1x1000xi32, #tpu.memory_space<hbm>> -> memref<1000xi32, #tpu.memory_space<hbm>>
      tpu.wait_dma2 semaphore(%run_scoped3A_35 : memref<!tpu.dma_semaphore, #tpu.memory_space<semaphore_mem>>) src(%dma_wait3A_41 : memref<1000xi32, #tpu.memory_space<hbm>>) dst(%arg10 : memref<1000xi32, #tpu.memory_space<vmem>>)
      tpu.yield
    }) : () -> ()
    "tpu.region"() ({
      %run_scoped3A_35 = tpu.sem_alloc : memref<!tpu.dma_semaphore, #tpu.memory_space<semaphore_mem>>
      %dma_start3A = arith.constant 0 : i32
      %dma_start3A_36 = tpu.memref_slice %arg2[%add3A_15, %dma_start3A] : memref<160000x16xf32, #tpu.memory_space<hbm>> -> memref<1000x16xf32, #tpu.memory_space<hbm>>
      %dma_start3A_37 = arith.constant 0 : i32
      %dma_start3A_38 = tpu.memref_slice %arg2[%add3A_15, %dma_start3A_37] : memref<160000x16xf32, #tpu.memory_space<hbm>> -> memref<1000x16xf32, #tpu.memory_space<hbm>>
      tpu.enqueue_dma source(%dma_start3A_38 : memref<1000x16xf32, #tpu.memory_space<hbm>>) target(%arg11 : memref<1000x16xf32, #tpu.memory_space<vmem>>) target_semaphore(%run_scoped3A_35 : memref<!tpu.dma_semaphore, #tpu.memory_space<semaphore_mem>>)
      %dma_wait3A = arith.constant 0 : i32
      %dma_wait3A_39 = tpu.memref_slice %arg2[%add3A_15, %dma_wait3A] : memref<160000x16xf32, #tpu.memory_space<hbm>> -> memref<1000x16xf32, #tpu.memory_space<hbm>>
      %dma_wait3A_40 = arith.constant 0 : i32
      %dma_wait3A_41 = tpu.memref_slice %arg2[%add3A_15, %dma_wait3A_40] : memref<160000x16xf32, #tpu.memory_space<hbm>> -> memref<1000x16xf32, #tpu.memory_space<hbm>>
      tpu.wait_dma2 semaphore(%run_scoped3A_35 : memref<!tpu.dma_semaphore, #tpu.memory_space<semaphore_mem>>) src(%dma_wait3A_41 : memref<1000x16xf32, #tpu.memory_space<hbm>>) dst(%arg11 : memref<1000x16xf32, #tpu.memory_space<vmem>>)
      tpu.yield
    }) : () -> ()
    "tpu.region"() ({
      %run_scoped3A_35 = tpu.sem_alloc : memref<!tpu.dma_semaphore, #tpu.memory_space<semaphore_mem>>
      %dma_start3A = arith.constant 0 : i32
      %dma_start3A_36 = arith.constant 0 : i32
      %dma_start3A_37 = tpu.memref_slice %arg8[%dma_start3A, %dma_start3A_36] : memref<10000x16xf32, #tpu.memory_space<vmem_shared>> -> memref<10000x16xf32, #tpu.memory_space<vmem_shared>>
      tpu.enqueue_indirect_dma source(%arg11 : memref<1000x16xf32, #tpu.memory_space<vmem>>) target(%dma_start3A_37 : memref<10000x16xf32, #tpu.memory_space<vmem_shared>>) offsets(%arg10 : memref<1000xi32, #tpu.memory_space<vmem>>) semaphore(%run_scoped3A_35 : memref<!tpu.dma_semaphore, #tpu.memory_space<semaphore_mem>>) {add = true}
      %dma_wait3A = arith.constant 0 : i32
      %dma_wait3A_38 = arith.constant 0 : i32
      %dma_wait3A_39 = tpu.memref_slice %arg8[%dma_wait3A, %dma_wait3A_38] : memref<10000x16xf32, #tpu.memory_space<vmem_shared>> -> memref<10000x16xf32, #tpu.memory_space<vmem_shared>>
      tpu.wait_indirect_dma semaphore(%run_scoped3A_35 : memref<!tpu.dma_semaphore, #tpu.memory_space<semaphore_mem>>) src(%arg11 : memref<1000x16xf32, #tpu.memory_space<vmem>>) dst(%dma_wait3A_39 : memref<10000x16xf32, #tpu.memory_space<vmem_shared>>)
      tpu.yield
    }) : () -> ()
    "tpu.region"() ({
      %run_scoped3A_35 = tpu.sem_alloc : memref<!tpu.dma_semaphore, #tpu.memory_space<semaphore_mem>>
      %dma_start3A = arith.constant 0 : i32
      %dma_start3A_36 = arith.constant 0 : i32
      %dma_start3A_37 = tpu.memref_slice %arg9[%dma_start3A, %dma_start3A_36] : memref<10000x16xf32, #tpu.memory_space<vmem_shared>> -> memref<10000x16xf32, #tpu.memory_space<vmem_shared>>
      tpu.enqueue_indirect_dma source(%arg12 : memref<1000x16xf32, #tpu.memory_space<vmem>>) target(%dma_start3A_37 : memref<10000x16xf32, #tpu.memory_space<vmem_shared>>) offsets(%arg10 : memref<1000xi32, #tpu.memory_space<vmem>>) semaphore(%run_scoped3A_35 : memref<!tpu.dma_semaphore, #tpu.memory_space<semaphore_mem>>) {add = true}
      %dma_wait3A = arith.constant 0 : i32
      %dma_wait3A_38 = arith.constant 0 : i32
      %dma_wait3A_39 = tpu.memref_slice %arg9[%dma_wait3A, %dma_wait3A_38] : memref<10000x16xf32, #tpu.memory_space<vmem_shared>> -> memref<10000x16xf32, #tpu.memory_space<vmem_shared>>
      tpu.wait_indirect_dma semaphore(%run_scoped3A_35 : memref<!tpu.dma_semaphore, #tpu.memory_space<semaphore_mem>>) src(%arg12 : memref<1000x16xf32, #tpu.memory_space<vmem>>) dst(%dma_wait3A_39 : memref<10000x16xf32, #tpu.memory_space<vmem_shared>>)
      tpu.yield
    }) : () -> ()
    %add3A_19 = arith.constant 3000 : i32
    %add3A_20 = arith.addi %mul3A_4, %add3A_19 : i32
    %add3A_21 = arith.constant 0 : i32
    %add3A_22 = arith.addi %add3A_21, %add3A_20 : i32
    %run_scoped3A_23 = arith.constant 1 : i32
    "tpu.region"() ({
      %run_scoped3A_35 = tpu.sem_alloc : memref<!tpu.dma_semaphore, #tpu.memory_space<semaphore_mem>>
      %dma_start3A = tpu.memref_slice %arg3[%run_scoped3A_23, %add3A_22] : memref<2x320000xi32, #tpu.memory_space<hbm>> -> memref<1x1000xi32, #tpu.memory_space<hbm>>
      %dma_start3A_36 = tpu.memref_squeeze %dma_start3A : memref<1x1000xi32, #tpu.memory_space<hbm>> -> memref<1000xi32, #tpu.memory_space<hbm>>
      %dma_start3A_37 = tpu.memref_slice %arg3[%run_scoped3A_23, %add3A_22] : memref<2x320000xi32, #tpu.memory_space<hbm>> -> memref<1x1000xi32, #tpu.memory_space<hbm>>
      %dma_start3A_38 = tpu.memref_squeeze %dma_start3A_37 : memref<1x1000xi32, #tpu.memory_space<hbm>> -> memref<1000xi32, #tpu.memory_space<hbm>>
      tpu.enqueue_dma source(%dma_start3A_38 : memref<1000xi32, #tpu.memory_space<hbm>>) target(%arg10 : memref<1000xi32, #tpu.memory_space<vmem>>) target_semaphore(%run_scoped3A_35 : memref<!tpu.dma_semaphore, #tpu.memory_space<semaphore_mem>>)
      %dma_wait3A = tpu.memref_slice %arg3[%run_scoped3A_23, %add3A_22] : memref<2x320000xi32, #tpu.memory_space<hbm>> -> memref<1x1000xi32, #tpu.memory_space<hbm>>
      %dma_wait3A_39 = tpu.memref_squeeze %dma_wait3A : memref<1x1000xi32, #tpu.memory_space<hbm>> -> memref<1000xi32, #tpu.memory_space<hbm>>
      %dma_wait3A_40 = tpu.memref_slice %arg3[%run_scoped3A_23, %add3A_22] : memref<2x320000xi32, #tpu.memory_space<hbm>> -> memref<1x1000xi32, #tpu.memory_space<hbm>>
      %dma_wait3A_41 = tpu.memref_squeeze %dma_wait3A_40 : memref<1x1000xi32, #tpu.memory_space<hbm>> -> memref<1000xi32, #tpu.memory_space<hbm>>
      tpu.wait_dma2 semaphore(%run_scoped3A_35 : memref<!tpu.dma_semaphore, #tpu.memory_space<semaphore_mem>>) src(%dma_wait3A_41 : memref<1000xi32, #tpu.memory_space<hbm>>) dst(%arg10 : memref<1000xi32, #tpu.memory_space<vmem>>)
      tpu.yield
    }) : () -> ()
    "tpu.region"() ({
      %run_scoped3A_35 = tpu.sem_alloc : memref<!tpu.dma_semaphore, #tpu.memory_space<semaphore_mem>>
      %dma_start3A = arith.constant 0 : i32
      %dma_start3A_36 = tpu.memref_slice %arg2[%add3A_20, %dma_start3A] : memref<160000x16xf32, #tpu.memory_space<hbm>> -> memref<1000x16xf32, #tpu.memory_space<hbm>>
      %dma_start3A_37 = arith.constant 0 : i32
      %dma_start3A_38 = tpu.memref_slice %arg2[%add3A_20, %dma_start3A_37] : memref<160000x16xf32, #tpu.memory_space<hbm>> -> memref<1000x16xf32, #tpu.memory_space<hbm>>
      tpu.enqueue_dma source(%dma_start3A_38 : memref<1000x16xf32, #tpu.memory_space<hbm>>) target(%arg11 : memref<1000x16xf32, #tpu.memory_space<vmem>>) target_semaphore(%run_scoped3A_35 : memref<!tpu.dma_semaphore, #tpu.memory_space<semaphore_mem>>)
      %dma_wait3A = arith.constant 0 : i32
      %dma_wait3A_39 = tpu.memref_slice %arg2[%add3A_20, %dma_wait3A] : memref<160000x16xf32, #tpu.memory_space<hbm>> -> memref<1000x16xf32, #tpu.memory_space<hbm>>
      %dma_wait3A_40 = arith.constant 0 : i32
      %dma_wait3A_41 = tpu.memref_slice %arg2[%add3A_20, %dma_wait3A_40] : memref<160000x16xf32, #tpu.memory_space<hbm>> -> memref<1000x16xf32, #tpu.memory_space<hbm>>
      tpu.wait_dma2 semaphore(%run_scoped3A_35 : memref<!tpu.dma_semaphore, #tpu.memory_space<semaphore_mem>>) src(%dma_wait3A_41 : memref<1000x16xf32, #tpu.memory_space<hbm>>) dst(%arg11 : memref<1000x16xf32, #tpu.memory_space<vmem>>)
      tpu.yield
    }) : () -> ()
    "tpu.region"() ({
      %run_scoped3A_35 = tpu.sem_alloc : memref<!tpu.dma_semaphore, #tpu.memory_space<semaphore_mem>>
      %dma_start3A = arith.constant 0 : i32
      %dma_start3A_36 = arith.constant 0 : i32
      %dma_start3A_37 = tpu.memref_slice %arg8[%dma_start3A, %dma_start3A_36] : memref<10000x16xf32, #tpu.memory_space<vmem_shared>> -> memref<10000x16xf32, #tpu.memory_space<vmem_shared>>
      tpu.enqueue_indirect_dma source(%arg11 : memref<1000x16xf32, #tpu.memory_space<vmem>>) target(%dma_start3A_37 : memref<10000x16xf32, #tpu.memory_space<vmem_shared>>) offsets(%arg10 : memref<1000xi32, #tpu.memory_space<vmem>>) semaphore(%run_scoped3A_35 : memref<!tpu.dma_semaphore, #tpu.memory_space<semaphore_mem>>) {add = true}
      %dma_wait3A = arith.constant 0 : i32
      %dma_wait3A_38 = arith.constant 0 : i32
      %dma_wait3A_39 = tpu.memref_slice %arg8[%dma_wait3A, %dma_wait3A_38] : memref<10000x16xf32, #tpu.memory_space<vmem_shared>> -> memref<10000x16xf32, #tpu.memory_space<vmem_shared>>
      tpu.wait_indirect_dma semaphore(%run_scoped3A_35 : memref<!tpu.dma_semaphore, #tpu.memory_space<semaphore_mem>>) src(%arg11 : memref<1000x16xf32, #tpu.memory_space<vmem>>) dst(%dma_wait3A_39 : memref<10000x16xf32, #tpu.memory_space<vmem_shared>>)
      tpu.yield
    }) : () -> ()
    "tpu.region"() ({
      %run_scoped3A_35 = tpu.sem_alloc : memref<!tpu.dma_semaphore, #tpu.memory_space<semaphore_mem>>
      %dma_start3A = arith.constant 0 : i32
      %dma_start3A_36 = arith.constant 0 : i32
      %dma_start3A_37 = tpu.memref_slice %arg9[%dma_start3A, %dma_start3A_36] : memref<10000x16xf32, #tpu.memory_space<vmem_shared>> -> memref<10000x16xf32, #tpu.memory_space<vmem_shared>>
      tpu.enqueue_indirect_dma source(%arg12 : memref<1000x16xf32, #tpu.memory_space<vmem>>) target(%dma_start3A_37 : memref<10000x16xf32, #tpu.memory_space<vmem_shared>>) offsets(%arg10 : memref<1000xi32, #tpu.memory_space<vmem>>) semaphore(%run_scoped3A_35 : memref<!tpu.dma_semaphore, #tpu.memory_space<semaphore_mem>>) {add = true}
      %dma_wait3A = arith.constant 0 : i32
      %dma_wait3A_38 = arith.constant 0 : i32
      %dma_wait3A_39 = tpu.memref_slice %arg9[%dma_wait3A, %dma_wait3A_38] : memref<10000x16xf32, #tpu.memory_space<vmem_shared>> -> memref<10000x16xf32, #tpu.memory_space<vmem_shared>>
      tpu.wait_indirect_dma semaphore(%run_scoped3A_35 : memref<!tpu.dma_semaphore, #tpu.memory_space<semaphore_mem>>) src(%arg12 : memref<1000x16xf32, #tpu.memory_space<vmem>>) dst(%dma_wait3A_39 : memref<10000x16xf32, #tpu.memory_space<vmem_shared>>)
      tpu.yield
    }) : () -> ()
    %add3A_24 = arith.constant 4000 : i32
    %add3A_25 = arith.addi %mul3A_4, %add3A_24 : i32
    %add3A_26 = arith.constant 0 : i32
    %add3A_27 = arith.addi %add3A_26, %add3A_25 : i32
    %run_scoped3A_28 = arith.constant 1 : i32
    "tpu.region"() ({
      %run_scoped3A_35 = tpu.sem_alloc : memref<!tpu.dma_semaphore, #tpu.memory_space<semaphore_mem>>
      %dma_start3A = tpu.memref_slice %arg3[%run_scoped3A_28, %add3A_27] : memref<2x320000xi32, #tpu.memory_space<hbm>> -> memref<1x1000xi32, #tpu.memory_space<hbm>>
      %dma_start3A_36 = tpu.memref_squeeze %dma_start3A : memref<1x1000xi32, #tpu.memory_space<hbm>> -> memref<1000xi32, #tpu.memory_space<hbm>>
      %dma_start3A_37 = tpu.memref_slice %arg3[%run_scoped3A_28, %add3A_27] : memref<2x320000xi32, #tpu.memory_space<hbm>> -> memref<1x1000xi32, #tpu.memory_space<hbm>>
      %dma_start3A_38 = tpu.memref_squeeze %dma_start3A_37 : memref<1x1000xi32, #tpu.memory_space<hbm>> -> memref<1000xi32, #tpu.memory_space<hbm>>
      tpu.enqueue_dma source(%dma_start3A_38 : memref<1000xi32, #tpu.memory_space<hbm>>) target(%arg10 : memref<1000xi32, #tpu.memory_space<vmem>>) target_semaphore(%run_scoped3A_35 : memref<!tpu.dma_semaphore, #tpu.memory_space<semaphore_mem>>)
      %dma_wait3A = tpu.memref_slice %arg3[%run_scoped3A_28, %add3A_27] : memref<2x320000xi32, #tpu.memory_space<hbm>> -> memref<1x1000xi32, #tpu.memory_space<hbm>>
      %dma_wait3A_39 = tpu.memref_squeeze %dma_wait3A : memref<1x1000xi32, #tpu.memory_space<hbm>> -> memref<1000xi32, #tpu.memory_space<hbm>>
      %dma_wait3A_40 = tpu.memref_slice %arg3[%run_scoped3A_28, %add3A_27] : memref<2x320000xi32, #tpu.memory_space<hbm>> -> memref<1x1000xi32, #tpu.memory_space<hbm>>
      %dma_wait3A_41 = tpu.memref_squeeze %dma_wait3A_40 : memref<1x1000xi32, #tpu.memory_space<hbm>> -> memref<1000xi32, #tpu.memory_space<hbm>>
      tpu.wait_dma2 semaphore(%run_scoped3A_35 : memref<!tpu.dma_semaphore, #tpu.memory_space<semaphore_mem>>) src(%dma_wait3A_41 : memref<1000xi32, #tpu.memory_space<hbm>>) dst(%arg10 : memref<1000xi32, #tpu.memory_space<vmem>>)
      tpu.yield
    }) : () -> ()
    "tpu.region"() ({
      %run_scoped3A_35 = tpu.sem_alloc : memref<!tpu.dma_semaphore, #tpu.memory_space<semaphore_mem>>
      %dma_start3A = arith.constant 0 : i32
      %dma_start3A_36 = tpu.memref_slice %arg2[%add3A_25, %dma_start3A] : memref<160000x16xf32, #tpu.memory_space<hbm>> -> memref<1000x16xf32, #tpu.memory_space<hbm>>
      %dma_start3A_37 = arith.constant 0 : i32
      %dma_start3A_38 = tpu.memref_slice %arg2[%add3A_25, %dma_start3A_37] : memref<160000x16xf32, #tpu.memory_space<hbm>> -> memref<1000x16xf32, #tpu.memory_space<hbm>>
      tpu.enqueue_dma source(%dma_start3A_38 : memref<1000x16xf32, #tpu.memory_space<hbm>>) target(%arg11 : memref<1000x16xf32, #tpu.memory_space<vmem>>) target_semaphore(%run_scoped3A_35 : memref<!tpu.dma_semaphore, #tpu.memory_space<semaphore_mem>>)
      %dma_wait3A = arith.constant 0 : i32
      %dma_wait3A_39 = tpu.memref_slice %arg2[%add3A_25, %dma_wait3A] : memref<160000x16xf32, #tpu.memory_space<hbm>> -> memref<1000x16xf32, #tpu.memory_space<hbm>>
      %dma_wait3A_40 = arith.constant 0 : i32
      %dma_wait3A_41 = tpu.memref_slice %arg2[%add3A_25, %dma_wait3A_40] : memref<160000x16xf32, #tpu.memory_space<hbm>> -> memref<1000x16xf32, #tpu.memory_space<hbm>>
      tpu.wait_dma2 semaphore(%run_scoped3A_35 : memref<!tpu.dma_semaphore, #tpu.memory_space<semaphore_mem>>) src(%dma_wait3A_41 : memref<1000x16xf32, #tpu.memory_space<hbm>>) dst(%arg11 : memref<1000x16xf32, #tpu.memory_space<vmem>>)
      tpu.yield
    }) : () -> ()
    "tpu.region"() ({
      %run_scoped3A_35 = tpu.sem_alloc : memref<!tpu.dma_semaphore, #tpu.memory_space<semaphore_mem>>
      %dma_start3A = arith.constant 0 : i32
      %dma_start3A_36 = arith.constant 0 : i32
      %dma_start3A_37 = tpu.memref_slice %arg8[%dma_start3A, %dma_start3A_36] : memref<10000x16xf32, #tpu.memory_space<vmem_shared>> -> memref<10000x16xf32, #tpu.memory_space<vmem_shared>>
      tpu.enqueue_indirect_dma source(%arg11 : memref<1000x16xf32, #tpu.memory_space<vmem>>) target(%dma_start3A_37 : memref<10000x16xf32, #tpu.memory_space<vmem_shared>>) offsets(%arg10 : memref<1000xi32, #tpu.memory_space<vmem>>) semaphore(%run_scoped3A_35 : memref<!tpu.dma_semaphore, #tpu.memory_space<semaphore_mem>>) {add = true}
      %dma_wait3A = arith.constant 0 : i32
      %dma_wait3A_38 = arith.constant 0 : i32
      %dma_wait3A_39 = tpu.memref_slice %arg8[%dma_wait3A, %dma_wait3A_38] : memref<10000x16xf32, #tpu.memory_space<vmem_shared>> -> memref<10000x16xf32, #tpu.memory_space<vmem_shared>>
      tpu.wait_indirect_dma semaphore(%run_scoped3A_35 : memref<!tpu.dma_semaphore, #tpu.memory_space<semaphore_mem>>) src(%arg11 : memref<1000x16xf32, #tpu.memory_space<vmem>>) dst(%dma_wait3A_39 : memref<10000x16xf32, #tpu.memory_space<vmem_shared>>)
      tpu.yield
    }) : () -> ()
    "tpu.region"() ({
      %run_scoped3A_35 = tpu.sem_alloc : memref<!tpu.dma_semaphore, #tpu.memory_space<semaphore_mem>>
      %dma_start3A = arith.constant 0 : i32
      %dma_start3A_36 = arith.constant 0 : i32
      %dma_start3A_37 = tpu.memref_slice %arg9[%dma_start3A, %dma_start3A_36] : memref<10000x16xf32, #tpu.memory_space<vmem_shared>> -> memref<10000x16xf32, #tpu.memory_space<vmem_shared>>
      tpu.enqueue_indirect_dma source(%arg12 : memref<1000x16xf32, #tpu.memory_space<vmem>>) target(%dma_start3A_37 : memref<10000x16xf32, #tpu.memory_space<vmem_shared>>) offsets(%arg10 : memref<1000xi32, #tpu.memory_space<vmem>>) semaphore(%run_scoped3A_35 : memref<!tpu.dma_semaphore, #tpu.memory_space<semaphore_mem>>) {add = true}
      %dma_wait3A = arith.constant 0 : i32
      %dma_wait3A_38 = arith.constant 0 : i32
      %dma_wait3A_39 = tpu.memref_slice %arg9[%dma_wait3A, %dma_wait3A_38] : memref<10000x16xf32, #tpu.memory_space<vmem_shared>> -> memref<10000x16xf32, #tpu.memory_space<vmem_shared>>
      tpu.wait_indirect_dma semaphore(%run_scoped3A_35 : memref<!tpu.dma_semaphore, #tpu.memory_space<semaphore_mem>>) src(%arg12 : memref<1000x16xf32, #tpu.memory_space<vmem>>) dst(%dma_wait3A_39 : memref<10000x16xf32, #tpu.memory_space<vmem_shared>>)
      tpu.yield
    }) : () -> ()
    %barrier3A_29 = arith.constant 0 : index
    tpu.barrier barrier_id(%barrier3A_29)
    %eq3A_30 = arith.constant 0 : i32
    %eq3A_31 = arith.cmpi eq, %arg1, %eq3A_30 : i32
    %convert_element_type3A_32 = arith.extui %eq3A_31 : i1 to i32
    %cond3A_33 = arith.constant 0 : i32
    %cond3A_34 = arith.cmpi ne, %convert_element_type3A_32, %cond3A_33 : i32
    scf.if %cond3A_34 {
      "tpu.region"() ({
        %run_scoped3A_35 = tpu.sem_alloc : memref<!tpu.dma_semaphore, #tpu.memory_space<semaphore_mem>>
        %dma_start3A = arith.constant 0 : i32
        %dma_start3A_36 = arith.constant 0 : i32
        %dma_start3A_37 = tpu.memref_slice %arg6[%arg0, %dma_start3A, %dma_start3A_36] : memref<2x10000x16xf32, #tpu.memory_space<hbm>> -> memref<1x10000x16xf32, #tpu.memory_space<hbm>>
        %dma_start3A_38 = tpu.memref_squeeze %dma_start3A_37 : memref<1x10000x16xf32, #tpu.memory_space<hbm>> -> memref<10000x16xf32, #tpu.memory_space<hbm>>
        tpu.enqueue_dma source(%arg8 : memref<10000x16xf32, #tpu.memory_space<vmem_shared>>) target(%dma_start3A_38 : memref<10000x16xf32, #tpu.memory_space<hbm>>) target_semaphore(%run_scoped3A_35 : memref<!tpu.dma_semaphore, #tpu.memory_space<semaphore_mem>>)
        %dma_wait3A = arith.constant 0 : i32
        %dma_wait3A_39 = arith.constant 0 : i32
        %dma_wait3A_40 = tpu.memref_slice %arg6[%arg0, %dma_wait3A, %dma_wait3A_39] : memref<2x10000x16xf32, #tpu.memory_space<hbm>> -> memref<1x10000x16xf32, #tpu.memory_space<hbm>>
        %dma_wait3A_41 = tpu.memref_squeeze %dma_wait3A_40 : memref<1x10000x16xf32, #tpu.memory_space<hbm>> -> memref<10000x16xf32, #tpu.memory_space<hbm>>
        tpu.wait_dma2 semaphore(%run_scoped3A_35 : memref<!tpu.dma_semaphore, #tpu.memory_space<semaphore_mem>>) src(%arg8 : memref<10000x16xf32, #tpu.memory_space<vmem_shared>>) dst(%dma_wait3A_41 : memref<10000x16xf32, #tpu.memory_space<hbm>>)
        tpu.yield
      }) : () -> ()
      "tpu.region"() ({
        %run_scoped3A_35 = tpu.sem_alloc : memref<!tpu.dma_semaphore, #tpu.memory_space<semaphore_mem>>
        %dma_start3A = arith.constant 0 : i32
        %dma_start3A_36 = arith.constant 0 : i32
        %dma_start3A_37 = tpu.memref_slice %arg7[%arg0, %dma_start3A, %dma_start3A_36] : memref<2x10000x16xf32, #tpu.memory_space<hbm>> -> memref<1x10000x16xf32, #tpu.memory_space<hbm>>
        %dma_start3A_38 = tpu.memref_squeeze %dma_start3A_37 : memref<1x10000x16xf32, #tpu.memory_space<hbm>> -> memref<10000x16xf32, #tpu.memory_space<hbm>>
        tpu.enqueue_dma source(%arg9 : memref<10000x16xf32, #tpu.memory_space<vmem_shared>>) target(%dma_start3A_38 : memref<10000x16xf32, #tpu.memory_space<hbm>>) target_semaphore(%run_scoped3A_35 : memref<!tpu.dma_semaphore, #tpu.memory_space<semaphore_mem>>)
        %dma_wait3A = arith.constant 0 : i32
        %dma_wait3A_39 = arith.constant 0 : i32
        %dma_wait3A_40 = tpu.memref_slice %arg7[%arg0, %dma_wait3A, %dma_wait3A_39] : memref<2x10000x16xf32, #tpu.memory_space<hbm>> -> memref<1x10000x16xf32, #tpu.memory_space<hbm>>
        %dma_wait3A_41 = tpu.memref_squeeze %dma_wait3A_40 : memref<1x10000x16xf32, #tpu.memory_space<hbm>> -> memref<10000x16xf32, #tpu.memory_space<hbm>>
        tpu.wait_dma2 semaphore(%run_scoped3A_35 : memref<!tpu.dma_semaphore, #tpu.memory_space<semaphore_mem>>) src(%arg9 : memref<10000x16xf32, #tpu.memory_space<vmem_shared>>) dst(%dma_wait3A_41 : memref<10000x16xf32, #tpu.memory_space<hbm>>)
        tpu.yield
      }) : () -> ()
    } else {
    }
    return
  }
}

#map = affine_map<(d0, d1) -> (0, 0)>
module attributes {stable_mosaic.version = 14 : i64} {
  func.func @_gather_k(%arg0: i32, %arg1: i32, %arg2: memref<10000x16xf32, #tpu.memory_space<hbm>>, %arg3: memref<2x320000xi32, #tpu.memory_space<hbm>>, %arg4: memref<160000x16xf32, #tpu.memory_space<hbm>>, %arg5: memref<1000xi32, #tpu.memory_space<vmem>>, %arg6: memref<1000x16xf32, #tpu.memory_space<vmem>>, %arg7: memref<!tpu.dma_semaphore, #tpu.memory_space<semaphore_mem>>) attributes {dimension_semantics = [#tpu.dimension_semantics<core_parallel>, #tpu.dimension_semantics<subcore_parallel>], iteration_bounds = array<i64: 2, 16>, scalar_prefetch = 0 : i64, scratch_operands = 3 : i64, tpu.core_type = #tpu.core_type<sc_vector_subcore>, window_params = [{transform_indices = #map}, {transform_indices = #map}, {transform_indices = #map}]} {
    %mul3A = arith.constant 2 : i32
    %mul3A_0 = arith.muli %arg1, %mul3A : i32
    %add3A = arith.addi %mul3A_0, %arg0 : i32
    %mul3A_1 = arith.constant 5000 : i32
    %mul3A_2 = arith.muli %add3A, %mul3A_1 : i32
    %add3A_3 = arith.constant 0 : i32
    %add3A_4 = arith.addi %mul3A_2, %add3A_3 : i32
    %add3A_5 = arith.constant 0 : i32
    %add3A_6 = arith.addi %add3A_5, %add3A_4 : i32
    %run_scoped3A = arith.constant 0 : i32
    "tpu.region"() ({
      %run_scoped3A_55 = tpu.sem_alloc : memref<!tpu.dma_semaphore, #tpu.memory_space<semaphore_mem>>
      %dma_start3A_56 = tpu.memref_slice %arg3[%run_scoped3A, %add3A_6] : memref<2x320000xi32, #tpu.memory_space<hbm>> -> memref<1x1000xi32, #tpu.memory_space<hbm>>
      %dma_start3A_57 = tpu.memref_squeeze %dma_start3A_56 : memref<1x1000xi32, #tpu.memory_space<hbm>> -> memref<1000xi32, #tpu.memory_space<hbm>>
      %dma_start3A_58 = tpu.memref_slice %arg3[%run_scoped3A, %add3A_6] : memref<2x320000xi32, #tpu.memory_space<hbm>> -> memref<1x1000xi32, #tpu.memory_space<hbm>>
      %dma_start3A_59 = tpu.memref_squeeze %dma_start3A_58 : memref<1x1000xi32, #tpu.memory_space<hbm>> -> memref<1000xi32, #tpu.memory_space<hbm>>
      tpu.enqueue_dma source(%dma_start3A_59 : memref<1000xi32, #tpu.memory_space<hbm>>) target(%arg5 : memref<1000xi32, #tpu.memory_space<vmem>>) target_semaphore(%run_scoped3A_55 : memref<!tpu.dma_semaphore, #tpu.memory_space<semaphore_mem>>)
      %dma_wait3A_60 = tpu.memref_slice %arg3[%run_scoped3A, %add3A_6] : memref<2x320000xi32, #tpu.memory_space<hbm>> -> memref<1x1000xi32, #tpu.memory_space<hbm>>
      %dma_wait3A_61 = tpu.memref_squeeze %dma_wait3A_60 : memref<1x1000xi32, #tpu.memory_space<hbm>> -> memref<1000xi32, #tpu.memory_space<hbm>>
      %dma_wait3A_62 = tpu.memref_slice %arg3[%run_scoped3A, %add3A_6] : memref<2x320000xi32, #tpu.memory_space<hbm>> -> memref<1x1000xi32, #tpu.memory_space<hbm>>
      %dma_wait3A_63 = tpu.memref_squeeze %dma_wait3A_62 : memref<1x1000xi32, #tpu.memory_space<hbm>> -> memref<1000xi32, #tpu.memory_space<hbm>>
      tpu.wait_dma2 semaphore(%run_scoped3A_55 : memref<!tpu.dma_semaphore, #tpu.memory_space<semaphore_mem>>) src(%dma_wait3A_63 : memref<1000xi32, #tpu.memory_space<hbm>>) dst(%arg5 : memref<1000xi32, #tpu.memory_space<vmem>>)
      tpu.yield
    }) : () -> ()
    %dma_start3A = arith.constant 0 : i32
    %dma_start3A_7 = arith.constant 0 : i32
    %dma_start3A_8 = tpu.memref_slice %arg2[%dma_start3A, %dma_start3A_7] : memref<10000x16xf32, #tpu.memory_space<hbm>> -> memref<10000x16xf32, #tpu.memory_space<hbm>>
    tpu.enqueue_indirect_dma source(%dma_start3A_8 : memref<10000x16xf32, #tpu.memory_space<hbm>>) target(%arg6 : memref<1000x16xf32, #tpu.memory_space<vmem>>) offsets(%arg5 : memref<1000xi32, #tpu.memory_space<vmem>>) semaphore(%arg7 : memref<!tpu.dma_semaphore, #tpu.memory_space<semaphore_mem>>)
    %dma_wait3A = arith.constant 0 : i32
    %dma_wait3A_9 = arith.constant 0 : i32
    %dma_wait3A_10 = tpu.memref_slice %arg2[%dma_wait3A, %dma_wait3A_9] : memref<10000x16xf32, #tpu.memory_space<hbm>> -> memref<10000x16xf32, #tpu.memory_space<hbm>>
    tpu.wait_indirect_dma semaphore(%arg7 : memref<!tpu.dma_semaphore, #tpu.memory_space<semaphore_mem>>) src(%dma_wait3A_10 : memref<10000x16xf32, #tpu.memory_space<hbm>>) dst(%arg6 : memref<1000x16xf32, #tpu.memory_space<vmem>>)
    "tpu.region"() ({
      %run_scoped3A_55 = tpu.sem_alloc : memref<!tpu.dma_semaphore, #tpu.memory_space<semaphore_mem>>
      %dma_start3A_56 = arith.constant 0 : i32
      %dma_start3A_57 = tpu.memref_slice %arg4[%add3A_4, %dma_start3A_56] : memref<160000x16xf32, #tpu.memory_space<hbm>> -> memref<1000x16xf32, #tpu.memory_space<hbm>>
      %dma_start3A_58 = arith.constant 0 : i32
      %dma_start3A_59 = tpu.memref_slice %arg4[%add3A_4, %dma_start3A_58] : memref<160000x16xf32, #tpu.memory_space<hbm>> -> memref<1000x16xf32, #tpu.memory_space<hbm>>
      tpu.enqueue_dma source(%arg6 : memref<1000x16xf32, #tpu.memory_space<vmem>>) target(%dma_start3A_59 : memref<1000x16xf32, #tpu.memory_space<hbm>>) target_semaphore(%run_scoped3A_55 : memref<!tpu.dma_semaphore, #tpu.memory_space<semaphore_mem>>)
      %dma_wait3A_60 = arith.constant 0 : i32
      %dma_wait3A_61 = tpu.memref_slice %arg4[%add3A_4, %dma_wait3A_60] : memref<160000x16xf32, #tpu.memory_space<hbm>> -> memref<1000x16xf32, #tpu.memory_space<hbm>>
      %dma_wait3A_62 = arith.constant 0 : i32
      %dma_wait3A_63 = tpu.memref_slice %arg4[%add3A_4, %dma_wait3A_62] : memref<160000x16xf32, #tpu.memory_space<hbm>> -> memref<1000x16xf32, #tpu.memory_space<hbm>>
      tpu.wait_dma2 semaphore(%run_scoped3A_55 : memref<!tpu.dma_semaphore, #tpu.memory_space<semaphore_mem>>) src(%arg6 : memref<1000x16xf32, #tpu.memory_space<vmem>>) dst(%dma_wait3A_63 : memref<1000x16xf32, #tpu.memory_space<hbm>>)
      tpu.yield
    }) : () -> ()
    %add3A_11 = arith.constant 1000 : i32
    %add3A_12 = arith.addi %mul3A_2, %add3A_11 : i32
    %add3A_13 = arith.constant 0 : i32
    %add3A_14 = arith.addi %add3A_13, %add3A_12 : i32
    %run_scoped3A_15 = arith.constant 0 : i32
    "tpu.region"() ({
      %run_scoped3A_55 = tpu.sem_alloc : memref<!tpu.dma_semaphore, #tpu.memory_space<semaphore_mem>>
      %dma_start3A_56 = tpu.memref_slice %arg3[%run_scoped3A_15, %add3A_14] : memref<2x320000xi32, #tpu.memory_space<hbm>> -> memref<1x1000xi32, #tpu.memory_space<hbm>>
      %dma_start3A_57 = tpu.memref_squeeze %dma_start3A_56 : memref<1x1000xi32, #tpu.memory_space<hbm>> -> memref<1000xi32, #tpu.memory_space<hbm>>
      %dma_start3A_58 = tpu.memref_slice %arg3[%run_scoped3A_15, %add3A_14] : memref<2x320000xi32, #tpu.memory_space<hbm>> -> memref<1x1000xi32, #tpu.memory_space<hbm>>
      %dma_start3A_59 = tpu.memref_squeeze %dma_start3A_58 : memref<1x1000xi32, #tpu.memory_space<hbm>> -> memref<1000xi32, #tpu.memory_space<hbm>>
      tpu.enqueue_dma source(%dma_start3A_59 : memref<1000xi32, #tpu.memory_space<hbm>>) target(%arg5 : memref<1000xi32, #tpu.memory_space<vmem>>) target_semaphore(%run_scoped3A_55 : memref<!tpu.dma_semaphore, #tpu.memory_space<semaphore_mem>>)
      %dma_wait3A_60 = tpu.memref_slice %arg3[%run_scoped3A_15, %add3A_14] : memref<2x320000xi32, #tpu.memory_space<hbm>> -> memref<1x1000xi32, #tpu.memory_space<hbm>>
      %dma_wait3A_61 = tpu.memref_squeeze %dma_wait3A_60 : memref<1x1000xi32, #tpu.memory_space<hbm>> -> memref<1000xi32, #tpu.memory_space<hbm>>
      %dma_wait3A_62 = tpu.memref_slice %arg3[%run_scoped3A_15, %add3A_14] : memref<2x320000xi32, #tpu.memory_space<hbm>> -> memref<1x1000xi32, #tpu.memory_space<hbm>>
      %dma_wait3A_63 = tpu.memref_squeeze %dma_wait3A_62 : memref<1x1000xi32, #tpu.memory_space<hbm>> -> memref<1000xi32, #tpu.memory_space<hbm>>
      tpu.wait_dma2 semaphore(%run_scoped3A_55 : memref<!tpu.dma_semaphore, #tpu.memory_space<semaphore_mem>>) src(%dma_wait3A_63 : memref<1000xi32, #tpu.memory_space<hbm>>) dst(%arg5 : memref<1000xi32, #tpu.memory_space<vmem>>)
      tpu.yield
    }) : () -> ()
    %dma_start3A_16 = arith.constant 0 : i32
    %dma_start3A_17 = arith.constant 0 : i32
    %dma_start3A_18 = tpu.memref_slice %arg2[%dma_start3A_16, %dma_start3A_17] : memref<10000x16xf32, #tpu.memory_space<hbm>> -> memref<10000x16xf32, #tpu.memory_space<hbm>>
    tpu.enqueue_indirect_dma source(%dma_start3A_18 : memref<10000x16xf32, #tpu.memory_space<hbm>>) target(%arg6 : memref<1000x16xf32, #tpu.memory_space<vmem>>) offsets(%arg5 : memref<1000xi32, #tpu.memory_space<vmem>>) semaphore(%arg7 : memref<!tpu.dma_semaphore, #tpu.memory_space<semaphore_mem>>)
    %dma_wait3A_19 = arith.constant 0 : i32
    %dma_wait3A_20 = arith.constant 0 : i32
    %dma_wait3A_21 = tpu.memref_slice %arg2[%dma_wait3A_19, %dma_wait3A_20] : memref<10000x16xf32, #tpu.memory_space<hbm>> -> memref<10000x16xf32, #tpu.memory_space<hbm>>
    tpu.wait_indirect_dma semaphore(%arg7 : memref<!tpu.dma_semaphore, #tpu.memory_space<semaphore_mem>>) src(%dma_wait3A_21 : memref<10000x16xf32, #tpu.memory_space<hbm>>) dst(%arg6 : memref<1000x16xf32, #tpu.memory_space<vmem>>)
    "tpu.region"() ({
      %run_scoped3A_55 = tpu.sem_alloc : memref<!tpu.dma_semaphore, #tpu.memory_space<semaphore_mem>>
      %dma_start3A_56 = arith.constant 0 : i32
      %dma_start3A_57 = tpu.memref_slice %arg4[%add3A_12, %dma_start3A_56] : memref<160000x16xf32, #tpu.memory_space<hbm>> -> memref<1000x16xf32, #tpu.memory_space<hbm>>
      %dma_start3A_58 = arith.constant 0 : i32
      %dma_start3A_59 = tpu.memref_slice %arg4[%add3A_12, %dma_start3A_58] : memref<160000x16xf32, #tpu.memory_space<hbm>> -> memref<1000x16xf32, #tpu.memory_space<hbm>>
      tpu.enqueue_dma source(%arg6 : memref<1000x16xf32, #tpu.memory_space<vmem>>) target(%dma_start3A_59 : memref<1000x16xf32, #tpu.memory_space<hbm>>) target_semaphore(%run_scoped3A_55 : memref<!tpu.dma_semaphore, #tpu.memory_space<semaphore_mem>>)
      %dma_wait3A_60 = arith.constant 0 : i32
      %dma_wait3A_61 = tpu.memref_slice %arg4[%add3A_12, %dma_wait3A_60] : memref<160000x16xf32, #tpu.memory_space<hbm>> -> memref<1000x16xf32, #tpu.memory_space<hbm>>
      %dma_wait3A_62 = arith.constant 0 : i32
      %dma_wait3A_63 = tpu.memref_slice %arg4[%add3A_12, %dma_wait3A_62] : memref<160000x16xf32, #tpu.memory_space<hbm>> -> memref<1000x16xf32, #tpu.memory_space<hbm>>
      tpu.wait_dma2 semaphore(%run_scoped3A_55 : memref<!tpu.dma_semaphore, #tpu.memory_space<semaphore_mem>>) src(%arg6 : memref<1000x16xf32, #tpu.memory_space<vmem>>) dst(%dma_wait3A_63 : memref<1000x16xf32, #tpu.memory_space<hbm>>)
      tpu.yield
    }) : () -> ()
    %add3A_22 = arith.constant 2000 : i32
    %add3A_23 = arith.addi %mul3A_2, %add3A_22 : i32
    %add3A_24 = arith.constant 0 : i32
    %add3A_25 = arith.addi %add3A_24, %add3A_23 : i32
    %run_scoped3A_26 = arith.constant 0 : i32
    "tpu.region"() ({
      %run_scoped3A_55 = tpu.sem_alloc : memref<!tpu.dma_semaphore, #tpu.memory_space<semaphore_mem>>
      %dma_start3A_56 = tpu.memref_slice %arg3[%run_scoped3A_26, %add3A_25] : memref<2x320000xi32, #tpu.memory_space<hbm>> -> memref<1x1000xi32, #tpu.memory_space<hbm>>
      %dma_start3A_57 = tpu.memref_squeeze %dma_start3A_56 : memref<1x1000xi32, #tpu.memory_space<hbm>> -> memref<1000xi32, #tpu.memory_space<hbm>>
      %dma_start3A_58 = tpu.memref_slice %arg3[%run_scoped3A_26, %add3A_25] : memref<2x320000xi32, #tpu.memory_space<hbm>> -> memref<1x1000xi32, #tpu.memory_space<hbm>>
      %dma_start3A_59 = tpu.memref_squeeze %dma_start3A_58 : memref<1x1000xi32, #tpu.memory_space<hbm>> -> memref<1000xi32, #tpu.memory_space<hbm>>
      tpu.enqueue_dma source(%dma_start3A_59 : memref<1000xi32, #tpu.memory_space<hbm>>) target(%arg5 : memref<1000xi32, #tpu.memory_space<vmem>>) target_semaphore(%run_scoped3A_55 : memref<!tpu.dma_semaphore, #tpu.memory_space<semaphore_mem>>)
      %dma_wait3A_60 = tpu.memref_slice %arg3[%run_scoped3A_26, %add3A_25] : memref<2x320000xi32, #tpu.memory_space<hbm>> -> memref<1x1000xi32, #tpu.memory_space<hbm>>
      %dma_wait3A_61 = tpu.memref_squeeze %dma_wait3A_60 : memref<1x1000xi32, #tpu.memory_space<hbm>> -> memref<1000xi32, #tpu.memory_space<hbm>>
      %dma_wait3A_62 = tpu.memref_slice %arg3[%run_scoped3A_26, %add3A_25] : memref<2x320000xi32, #tpu.memory_space<hbm>> -> memref<1x1000xi32, #tpu.memory_space<hbm>>
      %dma_wait3A_63 = tpu.memref_squeeze %dma_wait3A_62 : memref<1x1000xi32, #tpu.memory_space<hbm>> -> memref<1000xi32, #tpu.memory_space<hbm>>
      tpu.wait_dma2 semaphore(%run_scoped3A_55 : memref<!tpu.dma_semaphore, #tpu.memory_space<semaphore_mem>>) src(%dma_wait3A_63 : memref<1000xi32, #tpu.memory_space<hbm>>) dst(%arg5 : memref<1000xi32, #tpu.memory_space<vmem>>)
      tpu.yield
    }) : () -> ()
    %dma_start3A_27 = arith.constant 0 : i32
    %dma_start3A_28 = arith.constant 0 : i32
    %dma_start3A_29 = tpu.memref_slice %arg2[%dma_start3A_27, %dma_start3A_28] : memref<10000x16xf32, #tpu.memory_space<hbm>> -> memref<10000x16xf32, #tpu.memory_space<hbm>>
    tpu.enqueue_indirect_dma source(%dma_start3A_29 : memref<10000x16xf32, #tpu.memory_space<hbm>>) target(%arg6 : memref<1000x16xf32, #tpu.memory_space<vmem>>) offsets(%arg5 : memref<1000xi32, #tpu.memory_space<vmem>>) semaphore(%arg7 : memref<!tpu.dma_semaphore, #tpu.memory_space<semaphore_mem>>)
    %dma_wait3A_30 = arith.constant 0 : i32
    %dma_wait3A_31 = arith.constant 0 : i32
    %dma_wait3A_32 = tpu.memref_slice %arg2[%dma_wait3A_30, %dma_wait3A_31] : memref<10000x16xf32, #tpu.memory_space<hbm>> -> memref<10000x16xf32, #tpu.memory_space<hbm>>
    tpu.wait_indirect_dma semaphore(%arg7 : memref<!tpu.dma_semaphore, #tpu.memory_space<semaphore_mem>>) src(%dma_wait3A_32 : memref<10000x16xf32, #tpu.memory_space<hbm>>) dst(%arg6 : memref<1000x16xf32, #tpu.memory_space<vmem>>)
    "tpu.region"() ({
      %run_scoped3A_55 = tpu.sem_alloc : memref<!tpu.dma_semaphore, #tpu.memory_space<semaphore_mem>>
      %dma_start3A_56 = arith.constant 0 : i32
      %dma_start3A_57 = tpu.memref_slice %arg4[%add3A_23, %dma_start3A_56] : memref<160000x16xf32, #tpu.memory_space<hbm>> -> memref<1000x16xf32, #tpu.memory_space<hbm>>
      %dma_start3A_58 = arith.constant 0 : i32
      %dma_start3A_59 = tpu.memref_slice %arg4[%add3A_23, %dma_start3A_58] : memref<160000x16xf32, #tpu.memory_space<hbm>> -> memref<1000x16xf32, #tpu.memory_space<hbm>>
      tpu.enqueue_dma source(%arg6 : memref<1000x16xf32, #tpu.memory_space<vmem>>) target(%dma_start3A_59 : memref<1000x16xf32, #tpu.memory_space<hbm>>) target_semaphore(%run_scoped3A_55 : memref<!tpu.dma_semaphore, #tpu.memory_space<semaphore_mem>>)
      %dma_wait3A_60 = arith.constant 0 : i32
      %dma_wait3A_61 = tpu.memref_slice %arg4[%add3A_23, %dma_wait3A_60] : memref<160000x16xf32, #tpu.memory_space<hbm>> -> memref<1000x16xf32, #tpu.memory_space<hbm>>
      %dma_wait3A_62 = arith.constant 0 : i32
      %dma_wait3A_63 = tpu.memref_slice %arg4[%add3A_23, %dma_wait3A_62] : memref<160000x16xf32, #tpu.memory_space<hbm>> -> memref<1000x16xf32, #tpu.memory_space<hbm>>
      tpu.wait_dma2 semaphore(%run_scoped3A_55 : memref<!tpu.dma_semaphore, #tpu.memory_space<semaphore_mem>>) src(%arg6 : memref<1000x16xf32, #tpu.memory_space<vmem>>) dst(%dma_wait3A_63 : memref<1000x16xf32, #tpu.memory_space<hbm>>)
      tpu.yield
    }) : () -> ()
    %add3A_33 = arith.constant 3000 : i32
    %add3A_34 = arith.addi %mul3A_2, %add3A_33 : i32
    %add3A_35 = arith.constant 0 : i32
    %add3A_36 = arith.addi %add3A_35, %add3A_34 : i32
    %run_scoped3A_37 = arith.constant 0 : i32
    "tpu.region"() ({
      %run_scoped3A_55 = tpu.sem_alloc : memref<!tpu.dma_semaphore, #tpu.memory_space<semaphore_mem>>
      %dma_start3A_56 = tpu.memref_slice %arg3[%run_scoped3A_37, %add3A_36] : memref<2x320000xi32, #tpu.memory_space<hbm>> -> memref<1x1000xi32, #tpu.memory_space<hbm>>
      %dma_start3A_57 = tpu.memref_squeeze %dma_start3A_56 : memref<1x1000xi32, #tpu.memory_space<hbm>> -> memref<1000xi32, #tpu.memory_space<hbm>>
      %dma_start3A_58 = tpu.memref_slice %arg3[%run_scoped3A_37, %add3A_36] : memref<2x320000xi32, #tpu.memory_space<hbm>> -> memref<1x1000xi32, #tpu.memory_space<hbm>>
      %dma_start3A_59 = tpu.memref_squeeze %dma_start3A_58 : memref<1x1000xi32, #tpu.memory_space<hbm>> -> memref<1000xi32, #tpu.memory_space<hbm>>
      tpu.enqueue_dma source(%dma_start3A_59 : memref<1000xi32, #tpu.memory_space<hbm>>) target(%arg5 : memref<1000xi32, #tpu.memory_space<vmem>>) target_semaphore(%run_scoped3A_55 : memref<!tpu.dma_semaphore, #tpu.memory_space<semaphore_mem>>)
      %dma_wait3A_60 = tpu.memref_slice %arg3[%run_scoped3A_37, %add3A_36] : memref<2x320000xi32, #tpu.memory_space<hbm>> -> memref<1x1000xi32, #tpu.memory_space<hbm>>
      %dma_wait3A_61 = tpu.memref_squeeze %dma_wait3A_60 : memref<1x1000xi32, #tpu.memory_space<hbm>> -> memref<1000xi32, #tpu.memory_space<hbm>>
      %dma_wait3A_62 = tpu.memref_slice %arg3[%run_scoped3A_37, %add3A_36] : memref<2x320000xi32, #tpu.memory_space<hbm>> -> memref<1x1000xi32, #tpu.memory_space<hbm>>
      %dma_wait3A_63 = tpu.memref_squeeze %dma_wait3A_62 : memref<1x1000xi32, #tpu.memory_space<hbm>> -> memref<1000xi32, #tpu.memory_space<hbm>>
      tpu.wait_dma2 semaphore(%run_scoped3A_55 : memref<!tpu.dma_semaphore, #tpu.memory_space<semaphore_mem>>) src(%dma_wait3A_63 : memref<1000xi32, #tpu.memory_space<hbm>>) dst(%arg5 : memref<1000xi32, #tpu.memory_space<vmem>>)
      tpu.yield
    }) : () -> ()
    %dma_start3A_38 = arith.constant 0 : i32
    %dma_start3A_39 = arith.constant 0 : i32
    %dma_start3A_40 = tpu.memref_slice %arg2[%dma_start3A_38, %dma_start3A_39] : memref<10000x16xf32, #tpu.memory_space<hbm>> -> memref<10000x16xf32, #tpu.memory_space<hbm>>
    tpu.enqueue_indirect_dma source(%dma_start3A_40 : memref<10000x16xf32, #tpu.memory_space<hbm>>) target(%arg6 : memref<1000x16xf32, #tpu.memory_space<vmem>>) offsets(%arg5 : memref<1000xi32, #tpu.memory_space<vmem>>) semaphore(%arg7 : memref<!tpu.dma_semaphore, #tpu.memory_space<semaphore_mem>>)
    %dma_wait3A_41 = arith.constant 0 : i32
    %dma_wait3A_42 = arith.constant 0 : i32
    %dma_wait3A_43 = tpu.memref_slice %arg2[%dma_wait3A_41, %dma_wait3A_42] : memref<10000x16xf32, #tpu.memory_space<hbm>> -> memref<10000x16xf32, #tpu.memory_space<hbm>>
    tpu.wait_indirect_dma semaphore(%arg7 : memref<!tpu.dma_semaphore, #tpu.memory_space<semaphore_mem>>) src(%dma_wait3A_43 : memref<10000x16xf32, #tpu.memory_space<hbm>>) dst(%arg6 : memref<1000x16xf32, #tpu.memory_space<vmem>>)
    "tpu.region"() ({
      %run_scoped3A_55 = tpu.sem_alloc : memref<!tpu.dma_semaphore, #tpu.memory_space<semaphore_mem>>
      %dma_start3A_56 = arith.constant 0 : i32
      %dma_start3A_57 = tpu.memref_slice %arg4[%add3A_34, %dma_start3A_56] : memref<160000x16xf32, #tpu.memory_space<hbm>> -> memref<1000x16xf32, #tpu.memory_space<hbm>>
      %dma_start3A_58 = arith.constant 0 : i32
      %dma_start3A_59 = tpu.memref_slice %arg4[%add3A_34, %dma_start3A_58] : memref<160000x16xf32, #tpu.memory_space<hbm>> -> memref<1000x16xf32, #tpu.memory_space<hbm>>
      tpu.enqueue_dma source(%arg6 : memref<1000x16xf32, #tpu.memory_space<vmem>>) target(%dma_start3A_59 : memref<1000x16xf32, #tpu.memory_space<hbm>>) target_semaphore(%run_scoped3A_55 : memref<!tpu.dma_semaphore, #tpu.memory_space<semaphore_mem>>)
      %dma_wait3A_60 = arith.constant 0 : i32
      %dma_wait3A_61 = tpu.memref_slice %arg4[%add3A_34, %dma_wait3A_60] : memref<160000x16xf32, #tpu.memory_space<hbm>> -> memref<1000x16xf32, #tpu.memory_space<hbm>>
      %dma_wait3A_62 = arith.constant 0 : i32
      %dma_wait3A_63 = tpu.memref_slice %arg4[%add3A_34, %dma_wait3A_62] : memref<160000x16xf32, #tpu.memory_space<hbm>> -> memref<1000x16xf32, #tpu.memory_space<hbm>>
      tpu.wait_dma2 semaphore(%run_scoped3A_55 : memref<!tpu.dma_semaphore, #tpu.memory_space<semaphore_mem>>) src(%arg6 : memref<1000x16xf32, #tpu.memory_space<vmem>>) dst(%dma_wait3A_63 : memref<1000x16xf32, #tpu.memory_space<hbm>>)
      tpu.yield
    }) : () -> ()
    %add3A_44 = arith.constant 4000 : i32
    %add3A_45 = arith.addi %mul3A_2, %add3A_44 : i32
    %add3A_46 = arith.constant 0 : i32
    %add3A_47 = arith.addi %add3A_46, %add3A_45 : i32
    %run_scoped3A_48 = arith.constant 0 : i32
    "tpu.region"() ({
      %run_scoped3A_55 = tpu.sem_alloc : memref<!tpu.dma_semaphore, #tpu.memory_space<semaphore_mem>>
      %dma_start3A_56 = tpu.memref_slice %arg3[%run_scoped3A_48, %add3A_47] : memref<2x320000xi32, #tpu.memory_space<hbm>> -> memref<1x1000xi32, #tpu.memory_space<hbm>>
      %dma_start3A_57 = tpu.memref_squeeze %dma_start3A_56 : memref<1x1000xi32, #tpu.memory_space<hbm>> -> memref<1000xi32, #tpu.memory_space<hbm>>
      %dma_start3A_58 = tpu.memref_slice %arg3[%run_scoped3A_48, %add3A_47] : memref<2x320000xi32, #tpu.memory_space<hbm>> -> memref<1x1000xi32, #tpu.memory_space<hbm>>
      %dma_start3A_59 = tpu.memref_squeeze %dma_start3A_58 : memref<1x1000xi32, #tpu.memory_space<hbm>> -> memref<1000xi32, #tpu.memory_space<hbm>>
      tpu.enqueue_dma source(%dma_start3A_59 : memref<1000xi32, #tpu.memory_space<hbm>>) target(%arg5 : memref<1000xi32, #tpu.memory_space<vmem>>) target_semaphore(%run_scoped3A_55 : memref<!tpu.dma_semaphore, #tpu.memory_space<semaphore_mem>>)
      %dma_wait3A_60 = tpu.memref_slice %arg3[%run_scoped3A_48, %add3A_47] : memref<2x320000xi32, #tpu.memory_space<hbm>> -> memref<1x1000xi32, #tpu.memory_space<hbm>>
      %dma_wait3A_61 = tpu.memref_squeeze %dma_wait3A_60 : memref<1x1000xi32, #tpu.memory_space<hbm>> -> memref<1000xi32, #tpu.memory_space<hbm>>
      %dma_wait3A_62 = tpu.memref_slice %arg3[%run_scoped3A_48, %add3A_47] : memref<2x320000xi32, #tpu.memory_space<hbm>> -> memref<1x1000xi32, #tpu.memory_space<hbm>>
      %dma_wait3A_63 = tpu.memref_squeeze %dma_wait3A_62 : memref<1x1000xi32, #tpu.memory_space<hbm>> -> memref<1000xi32, #tpu.memory_space<hbm>>
      tpu.wait_dma2 semaphore(%run_scoped3A_55 : memref<!tpu.dma_semaphore, #tpu.memory_space<semaphore_mem>>) src(%dma_wait3A_63 : memref<1000xi32, #tpu.memory_space<hbm>>) dst(%arg5 : memref<1000xi32, #tpu.memory_space<vmem>>)
      tpu.yield
    }) : () -> ()
    %dma_start3A_49 = arith.constant 0 : i32
    %dma_start3A_50 = arith.constant 0 : i32
    %dma_start3A_51 = tpu.memref_slice %arg2[%dma_start3A_49, %dma_start3A_50] : memref<10000x16xf32, #tpu.memory_space<hbm>> -> memref<10000x16xf32, #tpu.memory_space<hbm>>
    tpu.enqueue_indirect_dma source(%dma_start3A_51 : memref<10000x16xf32, #tpu.memory_space<hbm>>) target(%arg6 : memref<1000x16xf32, #tpu.memory_space<vmem>>) offsets(%arg5 : memref<1000xi32, #tpu.memory_space<vmem>>) semaphore(%arg7 : memref<!tpu.dma_semaphore, #tpu.memory_space<semaphore_mem>>)
    %dma_wait3A_52 = arith.constant 0 : i32
    %dma_wait3A_53 = arith.constant 0 : i32
    %dma_wait3A_54 = tpu.memref_slice %arg2[%dma_wait3A_52, %dma_wait3A_53] : memref<10000x16xf32, #tpu.memory_space<hbm>> -> memref<10000x16xf32, #tpu.memory_space<hbm>>
    tpu.wait_indirect_dma semaphore(%arg7 : memref<!tpu.dma_semaphore, #tpu.memory_space<semaphore_mem>>) src(%dma_wait3A_54 : memref<10000x16xf32, #tpu.memory_space<hbm>>) dst(%arg6 : memref<1000x16xf32, #tpu.memory_space<vmem>>)
    "tpu.region"() ({
      %run_scoped3A_55 = tpu.sem_alloc : memref<!tpu.dma_semaphore, #tpu.memory_space<semaphore_mem>>
      %dma_start3A_56 = arith.constant 0 : i32
      %dma_start3A_57 = tpu.memref_slice %arg4[%add3A_45, %dma_start3A_56] : memref<160000x16xf32, #tpu.memory_space<hbm>> -> memref<1000x16xf32, #tpu.memory_space<hbm>>
      %dma_start3A_58 = arith.constant 0 : i32
      %dma_start3A_59 = tpu.memref_slice %arg4[%add3A_45, %dma_start3A_58] : memref<160000x16xf32, #tpu.memory_space<hbm>> -> memref<1000x16xf32, #tpu.memory_space<hbm>>
      tpu.enqueue_dma source(%arg6 : memref<1000x16xf32, #tpu.memory_space<vmem>>) target(%dma_start3A_59 : memref<1000x16xf32, #tpu.memory_space<hbm>>) target_semaphore(%run_scoped3A_55 : memref<!tpu.dma_semaphore, #tpu.memory_space<semaphore_mem>>)
      %dma_wait3A_60 = arith.constant 0 : i32
      %dma_wait3A_61 = tpu.memref_slice %arg4[%add3A_45, %dma_wait3A_60] : memref<160000x16xf32, #tpu.memory_space<hbm>> -> memref<1000x16xf32, #tpu.memory_space<hbm>>
      %dma_wait3A_62 = arith.constant 0 : i32
      %dma_wait3A_63 = tpu.memref_slice %arg4[%add3A_45, %dma_wait3A_62] : memref<160000x16xf32, #tpu.memory_space<hbm>> -> memref<1000x16xf32, #tpu.memory_space<hbm>>
      tpu.wait_dma2 semaphore(%run_scoped3A_55 : memref<!tpu.dma_semaphore, #tpu.memory_space<semaphore_mem>>) src(%arg6 : memref<1000x16xf32, #tpu.memory_space<vmem>>) dst(%dma_wait3A_63 : memref<1000x16xf32, #tpu.memory_space<hbm>>)
      tpu.yield
    }) : () -> ()
    return
  }
}

#map = affine_map<(d0, d1) -> (0, 0)>
#map1 = affine_map<(d0, d1) -> (0, 0, 0)>
module attributes {stable_mosaic.version = 14 : i64} {
  func.func @_scatter_k(%arg0: i32, %arg1: i32, %arg2: memref<160000x16xf32, #tpu.memory_space<hbm>>, %arg3: memref<2x320000xi32, #tpu.memory_space<hbm>>, %arg4: memref<10000x16xf32, #tpu.memory_space<hbm>>, %arg5: memref<1000x16xf32, #tpu.memory_space<hbm>>, %arg6: memref<2x10000x16xf32, #tpu.memory_space<hbm>>, %arg7: memref<2x10000x16xf32, #tpu.memory_space<hbm>>, %arg8: memref<10000x16xf32, #tpu.memory_space<vmem_shared>>, %arg9: memref<10000x16xf32, #tpu.memory_space<vmem_shared>>, %arg10: memref<1000xi32, #tpu.memory_space<vmem>>, %arg11: memref<1000x16xf32, #tpu.memory_space<vmem>>, %arg12: memref<1000x16xf32, #tpu.memory_space<vmem>>) attributes {dimension_semantics = [#tpu.dimension_semantics<core_parallel>, #tpu.dimension_semantics<subcore_parallel>], iteration_bounds = array<i64: 2, 16>, scalar_prefetch = 0 : i64, scratch_operands = 5 : i64, tpu.core_type = #tpu.core_type<sc_vector_subcore>, window_params = [{transform_indices = #map}, {transform_indices = #map}, {transform_indices = #map}, {transform_indices = #map}, {transform_indices = #map1}, {transform_indices = #map1}]} {
    %mul3A = arith.constant 2 : i32
    %mul3A_0 = arith.muli %arg1, %mul3A : i32
    %add3A = arith.addi %mul3A_0, %arg0 : i32
    "tpu.region"() ({
      %run_scoped3A_35 = tpu.sem_alloc : memref<!tpu.dma_semaphore, #tpu.memory_space<semaphore_mem>>
      tpu.enqueue_dma source(%arg5 : memref<1000x16xf32, #tpu.memory_space<hbm>>) target(%arg12 : memref<1000x16xf32, #tpu.memory_space<vmem>>) target_semaphore(%run_scoped3A_35 : memref<!tpu.dma_semaphore, #tpu.memory_space<semaphore_mem>>)
      tpu.wait_dma2 semaphore(%run_scoped3A_35 : memref<!tpu.dma_semaphore, #tpu.memory_space<semaphore_mem>>) src(%arg5 : memref<1000x16xf32, #tpu.memory_space<hbm>>) dst(%arg12 : memref<1000x16xf32, #tpu.memory_space<vmem>>)
      tpu.yield
    }) : () -> ()
    %eq3A = arith.constant 0 : i32
    %eq3A_1 = arith.cmpi eq, %arg1, %eq3A : i32
    %convert_element_type3A = arith.extui %eq3A_1 : i1 to i32
    %cond3A = arith.constant 0 : i32
    %cond3A_2 = arith.cmpi ne, %convert_element_type3A, %cond3A : i32
    scf.if %cond3A_2 {
      "tpu.region"() ({
        %run_scoped3A_35 = tpu.sem_alloc : memref<!tpu.dma_semaphore, #tpu.memory_space<semaphore_mem>>
        tpu.enqueue_dma source(%arg4 : memref<10000x16xf32, #tpu.memory_space<hbm>>) target(%arg8 : memref<10000x16xf32, #tpu.memory_space<vmem_shared>>) target_semaphore(%run_scoped3A_35 : memref<!tpu.dma_semaphore, #tpu.memory_space<semaphore_mem>>)
        tpu.wait_dma2 semaphore(%run_scoped3A_35 : memref<!tpu.dma_semaphore, #tpu.memory_space<semaphore_mem>>) src(%arg4 : memref<10000x16xf32, #tpu.memory_space<hbm>>) dst(%arg8 : memref<10000x16xf32, #tpu.memory_space<vmem_shared>>)
        tpu.yield
      }) : () -> ()
      "tpu.region"() ({
        %run_scoped3A_35 = tpu.sem_alloc : memref<!tpu.dma_semaphore, #tpu.memory_space<semaphore_mem>>
        tpu.enqueue_dma source(%arg4 : memref<10000x16xf32, #tpu.memory_space<hbm>>) target(%arg9 : memref<10000x16xf32, #tpu.memory_space<vmem_shared>>) target_semaphore(%run_scoped3A_35 : memref<!tpu.dma_semaphore, #tpu.memory_space<semaphore_mem>>)
        tpu.wait_dma2 semaphore(%run_scoped3A_35 : memref<!tpu.dma_semaphore, #tpu.memory_space<semaphore_mem>>) src(%arg4 : memref<10000x16xf32, #tpu.memory_space<hbm>>) dst(%arg9 : memref<10000x16xf32, #tpu.memory_space<vmem_shared>>)
        tpu.yield
      }) : () -> ()
    } else {
    }
    %barrier3A = arith.constant 0 : index
    tpu.barrier barrier_id(%barrier3A)
    %mul3A_3 = arith.constant 5000 : i32
    %mul3A_4 = arith.muli %add3A, %mul3A_3 : i32
    %add3A_5 = arith.constant 0 : i32
    %add3A_6 = arith.addi %mul3A_4, %add3A_5 : i32
    %add3A_7 = arith.constant 160000 : i32
    %add3A_8 = arith.addi %add3A_7, %add3A_6 : i32
    %run_scoped3A = arith.constant 1 : i32
    "tpu.region"() ({
      %run_scoped3A_35 = tpu.sem_alloc : memref<!tpu.dma_semaphore, #tpu.memory_space<semaphore_mem>>
      %dma_start3A = tpu.memref_slice %arg3[%run_scoped3A, %add3A_8] : memref<2x320000xi32, #tpu.memory_space<hbm>> -> memref<1x1000xi32, #tpu.memory_space<hbm>>
      %dma_start3A_36 = tpu.memref_squeeze %dma_start3A : memref<1x1000xi32, #tpu.memory_space<hbm>> -> memref<1000xi32, #tpu.memory_space<hbm>>
      %dma_start3A_37 = tpu.memref_slice %arg3[%run_scoped3A, %add3A_8] : memref<2x320000xi32, #tpu.memory_space<hbm>> -> memref<1x1000xi32, #tpu.memory_space<hbm>>
      %dma_start3A_38 = tpu.memref_squeeze %dma_start3A_37 : memref<1x1000xi32, #tpu.memory_space<hbm>> -> memref<1000xi32, #tpu.memory_space<hbm>>
      tpu.enqueue_dma source(%dma_start3A_38 : memref<1000xi32, #tpu.memory_space<hbm>>) target(%arg10 : memref<1000xi32, #tpu.memory_space<vmem>>) target_semaphore(%run_scoped3A_35 : memref<!tpu.dma_semaphore, #tpu.memory_space<semaphore_mem>>)
      %dma_wait3A = tpu.memref_slice %arg3[%run_scoped3A, %add3A_8] : memref<2x320000xi32, #tpu.memory_space<hbm>> -> memref<1x1000xi32, #tpu.memory_space<hbm>>
      %dma_wait3A_39 = tpu.memref_squeeze %dma_wait3A : memref<1x1000xi32, #tpu.memory_space<hbm>> -> memref<1000xi32, #tpu.memory_space<hbm>>
      %dma_wait3A_40 = tpu.memref_slice %arg3[%run_scoped3A, %add3A_8] : memref<2x320000xi32, #tpu.memory_space<hbm>> -> memref<1x1000xi32, #tpu.memory_space<hbm>>
      %dma_wait3A_41 = tpu.memref_squeeze %dma_wait3A_40 : memref<1x1000xi32, #tpu.memory_space<hbm>> -> memref<1000xi32, #tpu.memory_space<hbm>>
      tpu.wait_dma2 semaphore(%run_scoped3A_35 : memref<!tpu.dma_semaphore, #tpu.memory_space<semaphore_mem>>) src(%dma_wait3A_41 : memref<1000xi32, #tpu.memory_space<hbm>>) dst(%arg10 : memref<1000xi32, #tpu.memory_space<vmem>>)
      tpu.yield
    }) : () -> ()
    "tpu.region"() ({
      %run_scoped3A_35 = tpu.sem_alloc : memref<!tpu.dma_semaphore, #tpu.memory_space<semaphore_mem>>
      %dma_start3A = arith.constant 0 : i32
      %dma_start3A_36 = tpu.memref_slice %arg2[%add3A_6, %dma_start3A] : memref<160000x16xf32, #tpu.memory_space<hbm>> -> memref<1000x16xf32, #tpu.memory_space<hbm>>
      %dma_start3A_37 = arith.constant 0 : i32
      %dma_start3A_38 = tpu.memref_slice %arg2[%add3A_6, %dma_start3A_37] : memref<160000x16xf32, #tpu.memory_space<hbm>> -> memref<1000x16xf32, #tpu.memory_space<hbm>>
      tpu.enqueue_dma source(%dma_start3A_38 : memref<1000x16xf32, #tpu.memory_space<hbm>>) target(%arg11 : memref<1000x16xf32, #tpu.memory_space<vmem>>) target_semaphore(%run_scoped3A_35 : memref<!tpu.dma_semaphore, #tpu.memory_space<semaphore_mem>>)
      %dma_wait3A = arith.constant 0 : i32
      %dma_wait3A_39 = tpu.memref_slice %arg2[%add3A_6, %dma_wait3A] : memref<160000x16xf32, #tpu.memory_space<hbm>> -> memref<1000x16xf32, #tpu.memory_space<hbm>>
      %dma_wait3A_40 = arith.constant 0 : i32
      %dma_wait3A_41 = tpu.memref_slice %arg2[%add3A_6, %dma_wait3A_40] : memref<160000x16xf32, #tpu.memory_space<hbm>> -> memref<1000x16xf32, #tpu.memory_space<hbm>>
      tpu.wait_dma2 semaphore(%run_scoped3A_35 : memref<!tpu.dma_semaphore, #tpu.memory_space<semaphore_mem>>) src(%dma_wait3A_41 : memref<1000x16xf32, #tpu.memory_space<hbm>>) dst(%arg11 : memref<1000x16xf32, #tpu.memory_space<vmem>>)
      tpu.yield
    }) : () -> ()
    "tpu.region"() ({
      %run_scoped3A_35 = tpu.sem_alloc : memref<!tpu.dma_semaphore, #tpu.memory_space<semaphore_mem>>
      %dma_start3A = arith.constant 0 : i32
      %dma_start3A_36 = arith.constant 0 : i32
      %dma_start3A_37 = tpu.memref_slice %arg8[%dma_start3A, %dma_start3A_36] : memref<10000x16xf32, #tpu.memory_space<vmem_shared>> -> memref<10000x16xf32, #tpu.memory_space<vmem_shared>>
      tpu.enqueue_indirect_dma source(%arg11 : memref<1000x16xf32, #tpu.memory_space<vmem>>) target(%dma_start3A_37 : memref<10000x16xf32, #tpu.memory_space<vmem_shared>>) offsets(%arg10 : memref<1000xi32, #tpu.memory_space<vmem>>) semaphore(%run_scoped3A_35 : memref<!tpu.dma_semaphore, #tpu.memory_space<semaphore_mem>>) {add = true}
      %dma_wait3A = arith.constant 0 : i32
      %dma_wait3A_38 = arith.constant 0 : i32
      %dma_wait3A_39 = tpu.memref_slice %arg8[%dma_wait3A, %dma_wait3A_38] : memref<10000x16xf32, #tpu.memory_space<vmem_shared>> -> memref<10000x16xf32, #tpu.memory_space<vmem_shared>>
      tpu.wait_indirect_dma semaphore(%run_scoped3A_35 : memref<!tpu.dma_semaphore, #tpu.memory_space<semaphore_mem>>) src(%arg11 : memref<1000x16xf32, #tpu.memory_space<vmem>>) dst(%dma_wait3A_39 : memref<10000x16xf32, #tpu.memory_space<vmem_shared>>)
      tpu.yield
    }) : () -> ()
    "tpu.region"() ({
      %run_scoped3A_35 = tpu.sem_alloc : memref<!tpu.dma_semaphore, #tpu.memory_space<semaphore_mem>>
      %dma_start3A = arith.constant 0 : i32
      %dma_start3A_36 = arith.constant 0 : i32
      %dma_start3A_37 = tpu.memref_slice %arg9[%dma_start3A, %dma_start3A_36] : memref<10000x16xf32, #tpu.memory_space<vmem_shared>> -> memref<10000x16xf32, #tpu.memory_space<vmem_shared>>
      tpu.enqueue_indirect_dma source(%arg12 : memref<1000x16xf32, #tpu.memory_space<vmem>>) target(%dma_start3A_37 : memref<10000x16xf32, #tpu.memory_space<vmem_shared>>) offsets(%arg10 : memref<1000xi32, #tpu.memory_space<vmem>>) semaphore(%run_scoped3A_35 : memref<!tpu.dma_semaphore, #tpu.memory_space<semaphore_mem>>) {add = true}
      %dma_wait3A = arith.constant 0 : i32
      %dma_wait3A_38 = arith.constant 0 : i32
      %dma_wait3A_39 = tpu.memref_slice %arg9[%dma_wait3A, %dma_wait3A_38] : memref<10000x16xf32, #tpu.memory_space<vmem_shared>> -> memref<10000x16xf32, #tpu.memory_space<vmem_shared>>
      tpu.wait_indirect_dma semaphore(%run_scoped3A_35 : memref<!tpu.dma_semaphore, #tpu.memory_space<semaphore_mem>>) src(%arg12 : memref<1000x16xf32, #tpu.memory_space<vmem>>) dst(%dma_wait3A_39 : memref<10000x16xf32, #tpu.memory_space<vmem_shared>>)
      tpu.yield
    }) : () -> ()
    %add3A_9 = arith.constant 1000 : i32
    %add3A_10 = arith.addi %mul3A_4, %add3A_9 : i32
    %add3A_11 = arith.constant 160000 : i32
    %add3A_12 = arith.addi %add3A_11, %add3A_10 : i32
    %run_scoped3A_13 = arith.constant 1 : i32
    "tpu.region"() ({
      %run_scoped3A_35 = tpu.sem_alloc : memref<!tpu.dma_semaphore, #tpu.memory_space<semaphore_mem>>
      %dma_start3A = tpu.memref_slice %arg3[%run_scoped3A_13, %add3A_12] : memref<2x320000xi32, #tpu.memory_space<hbm>> -> memref<1x1000xi32, #tpu.memory_space<hbm>>
      %dma_start3A_36 = tpu.memref_squeeze %dma_start3A : memref<1x1000xi32, #tpu.memory_space<hbm>> -> memref<1000xi32, #tpu.memory_space<hbm>>
      %dma_start3A_37 = tpu.memref_slice %arg3[%run_scoped3A_13, %add3A_12] : memref<2x320000xi32, #tpu.memory_space<hbm>> -> memref<1x1000xi32, #tpu.memory_space<hbm>>
      %dma_start3A_38 = tpu.memref_squeeze %dma_start3A_37 : memref<1x1000xi32, #tpu.memory_space<hbm>> -> memref<1000xi32, #tpu.memory_space<hbm>>
      tpu.enqueue_dma source(%dma_start3A_38 : memref<1000xi32, #tpu.memory_space<hbm>>) target(%arg10 : memref<1000xi32, #tpu.memory_space<vmem>>) target_semaphore(%run_scoped3A_35 : memref<!tpu.dma_semaphore, #tpu.memory_space<semaphore_mem>>)
      %dma_wait3A = tpu.memref_slice %arg3[%run_scoped3A_13, %add3A_12] : memref<2x320000xi32, #tpu.memory_space<hbm>> -> memref<1x1000xi32, #tpu.memory_space<hbm>>
      %dma_wait3A_39 = tpu.memref_squeeze %dma_wait3A : memref<1x1000xi32, #tpu.memory_space<hbm>> -> memref<1000xi32, #tpu.memory_space<hbm>>
      %dma_wait3A_40 = tpu.memref_slice %arg3[%run_scoped3A_13, %add3A_12] : memref<2x320000xi32, #tpu.memory_space<hbm>> -> memref<1x1000xi32, #tpu.memory_space<hbm>>
      %dma_wait3A_41 = tpu.memref_squeeze %dma_wait3A_40 : memref<1x1000xi32, #tpu.memory_space<hbm>> -> memref<1000xi32, #tpu.memory_space<hbm>>
      tpu.wait_dma2 semaphore(%run_scoped3A_35 : memref<!tpu.dma_semaphore, #tpu.memory_space<semaphore_mem>>) src(%dma_wait3A_41 : memref<1000xi32, #tpu.memory_space<hbm>>) dst(%arg10 : memref<1000xi32, #tpu.memory_space<vmem>>)
      tpu.yield
    }) : () -> ()
    "tpu.region"() ({
      %run_scoped3A_35 = tpu.sem_alloc : memref<!tpu.dma_semaphore, #tpu.memory_space<semaphore_mem>>
      %dma_start3A = arith.constant 0 : i32
      %dma_start3A_36 = tpu.memref_slice %arg2[%add3A_10, %dma_start3A] : memref<160000x16xf32, #tpu.memory_space<hbm>> -> memref<1000x16xf32, #tpu.memory_space<hbm>>
      %dma_start3A_37 = arith.constant 0 : i32
      %dma_start3A_38 = tpu.memref_slice %arg2[%add3A_10, %dma_start3A_37] : memref<160000x16xf32, #tpu.memory_space<hbm>> -> memref<1000x16xf32, #tpu.memory_space<hbm>>
      tpu.enqueue_dma source(%dma_start3A_38 : memref<1000x16xf32, #tpu.memory_space<hbm>>) target(%arg11 : memref<1000x16xf32, #tpu.memory_space<vmem>>) target_semaphore(%run_scoped3A_35 : memref<!tpu.dma_semaphore, #tpu.memory_space<semaphore_mem>>)
      %dma_wait3A = arith.constant 0 : i32
      %dma_wait3A_39 = tpu.memref_slice %arg2[%add3A_10, %dma_wait3A] : memref<160000x16xf32, #tpu.memory_space<hbm>> -> memref<1000x16xf32, #tpu.memory_space<hbm>>
      %dma_wait3A_40 = arith.constant 0 : i32
      %dma_wait3A_41 = tpu.memref_slice %arg2[%add3A_10, %dma_wait3A_40] : memref<160000x16xf32, #tpu.memory_space<hbm>> -> memref<1000x16xf32, #tpu.memory_space<hbm>>
      tpu.wait_dma2 semaphore(%run_scoped3A_35 : memref<!tpu.dma_semaphore, #tpu.memory_space<semaphore_mem>>) src(%dma_wait3A_41 : memref<1000x16xf32, #tpu.memory_space<hbm>>) dst(%arg11 : memref<1000x16xf32, #tpu.memory_space<vmem>>)
      tpu.yield
    }) : () -> ()
    "tpu.region"() ({
      %run_scoped3A_35 = tpu.sem_alloc : memref<!tpu.dma_semaphore, #tpu.memory_space<semaphore_mem>>
      %dma_start3A = arith.constant 0 : i32
      %dma_start3A_36 = arith.constant 0 : i32
      %dma_start3A_37 = tpu.memref_slice %arg8[%dma_start3A, %dma_start3A_36] : memref<10000x16xf32, #tpu.memory_space<vmem_shared>> -> memref<10000x16xf32, #tpu.memory_space<vmem_shared>>
      tpu.enqueue_indirect_dma source(%arg11 : memref<1000x16xf32, #tpu.memory_space<vmem>>) target(%dma_start3A_37 : memref<10000x16xf32, #tpu.memory_space<vmem_shared>>) offsets(%arg10 : memref<1000xi32, #tpu.memory_space<vmem>>) semaphore(%run_scoped3A_35 : memref<!tpu.dma_semaphore, #tpu.memory_space<semaphore_mem>>) {add = true}
      %dma_wait3A = arith.constant 0 : i32
      %dma_wait3A_38 = arith.constant 0 : i32
      %dma_wait3A_39 = tpu.memref_slice %arg8[%dma_wait3A, %dma_wait3A_38] : memref<10000x16xf32, #tpu.memory_space<vmem_shared>> -> memref<10000x16xf32, #tpu.memory_space<vmem_shared>>
      tpu.wait_indirect_dma semaphore(%run_scoped3A_35 : memref<!tpu.dma_semaphore, #tpu.memory_space<semaphore_mem>>) src(%arg11 : memref<1000x16xf32, #tpu.memory_space<vmem>>) dst(%dma_wait3A_39 : memref<10000x16xf32, #tpu.memory_space<vmem_shared>>)
      tpu.yield
    }) : () -> ()
    "tpu.region"() ({
      %run_scoped3A_35 = tpu.sem_alloc : memref<!tpu.dma_semaphore, #tpu.memory_space<semaphore_mem>>
      %dma_start3A = arith.constant 0 : i32
      %dma_start3A_36 = arith.constant 0 : i32
      %dma_start3A_37 = tpu.memref_slice %arg9[%dma_start3A, %dma_start3A_36] : memref<10000x16xf32, #tpu.memory_space<vmem_shared>> -> memref<10000x16xf32, #tpu.memory_space<vmem_shared>>
      tpu.enqueue_indirect_dma source(%arg12 : memref<1000x16xf32, #tpu.memory_space<vmem>>) target(%dma_start3A_37 : memref<10000x16xf32, #tpu.memory_space<vmem_shared>>) offsets(%arg10 : memref<1000xi32, #tpu.memory_space<vmem>>) semaphore(%run_scoped3A_35 : memref<!tpu.dma_semaphore, #tpu.memory_space<semaphore_mem>>) {add = true}
      %dma_wait3A = arith.constant 0 : i32
      %dma_wait3A_38 = arith.constant 0 : i32
      %dma_wait3A_39 = tpu.memref_slice %arg9[%dma_wait3A, %dma_wait3A_38] : memref<10000x16xf32, #tpu.memory_space<vmem_shared>> -> memref<10000x16xf32, #tpu.memory_space<vmem_shared>>
      tpu.wait_indirect_dma semaphore(%run_scoped3A_35 : memref<!tpu.dma_semaphore, #tpu.memory_space<semaphore_mem>>) src(%arg12 : memref<1000x16xf32, #tpu.memory_space<vmem>>) dst(%dma_wait3A_39 : memref<10000x16xf32, #tpu.memory_space<vmem_shared>>)
      tpu.yield
    }) : () -> ()
    %add3A_14 = arith.constant 2000 : i32
    %add3A_15 = arith.addi %mul3A_4, %add3A_14 : i32
    %add3A_16 = arith.constant 160000 : i32
    %add3A_17 = arith.addi %add3A_16, %add3A_15 : i32
    %run_scoped3A_18 = arith.constant 1 : i32
    "tpu.region"() ({
      %run_scoped3A_35 = tpu.sem_alloc : memref<!tpu.dma_semaphore, #tpu.memory_space<semaphore_mem>>
      %dma_start3A = tpu.memref_slice %arg3[%run_scoped3A_18, %add3A_17] : memref<2x320000xi32, #tpu.memory_space<hbm>> -> memref<1x1000xi32, #tpu.memory_space<hbm>>
      %dma_start3A_36 = tpu.memref_squeeze %dma_start3A : memref<1x1000xi32, #tpu.memory_space<hbm>> -> memref<1000xi32, #tpu.memory_space<hbm>>
      %dma_start3A_37 = tpu.memref_slice %arg3[%run_scoped3A_18, %add3A_17] : memref<2x320000xi32, #tpu.memory_space<hbm>> -> memref<1x1000xi32, #tpu.memory_space<hbm>>
      %dma_start3A_38 = tpu.memref_squeeze %dma_start3A_37 : memref<1x1000xi32, #tpu.memory_space<hbm>> -> memref<1000xi32, #tpu.memory_space<hbm>>
      tpu.enqueue_dma source(%dma_start3A_38 : memref<1000xi32, #tpu.memory_space<hbm>>) target(%arg10 : memref<1000xi32, #tpu.memory_space<vmem>>) target_semaphore(%run_scoped3A_35 : memref<!tpu.dma_semaphore, #tpu.memory_space<semaphore_mem>>)
      %dma_wait3A = tpu.memref_slice %arg3[%run_scoped3A_18, %add3A_17] : memref<2x320000xi32, #tpu.memory_space<hbm>> -> memref<1x1000xi32, #tpu.memory_space<hbm>>
      %dma_wait3A_39 = tpu.memref_squeeze %dma_wait3A : memref<1x1000xi32, #tpu.memory_space<hbm>> -> memref<1000xi32, #tpu.memory_space<hbm>>
      %dma_wait3A_40 = tpu.memref_slice %arg3[%run_scoped3A_18, %add3A_17] : memref<2x320000xi32, #tpu.memory_space<hbm>> -> memref<1x1000xi32, #tpu.memory_space<hbm>>
      %dma_wait3A_41 = tpu.memref_squeeze %dma_wait3A_40 : memref<1x1000xi32, #tpu.memory_space<hbm>> -> memref<1000xi32, #tpu.memory_space<hbm>>
      tpu.wait_dma2 semaphore(%run_scoped3A_35 : memref<!tpu.dma_semaphore, #tpu.memory_space<semaphore_mem>>) src(%dma_wait3A_41 : memref<1000xi32, #tpu.memory_space<hbm>>) dst(%arg10 : memref<1000xi32, #tpu.memory_space<vmem>>)
      tpu.yield
    }) : () -> ()
    "tpu.region"() ({
      %run_scoped3A_35 = tpu.sem_alloc : memref<!tpu.dma_semaphore, #tpu.memory_space<semaphore_mem>>
      %dma_start3A = arith.constant 0 : i32
      %dma_start3A_36 = tpu.memref_slice %arg2[%add3A_15, %dma_start3A] : memref<160000x16xf32, #tpu.memory_space<hbm>> -> memref<1000x16xf32, #tpu.memory_space<hbm>>
      %dma_start3A_37 = arith.constant 0 : i32
      %dma_start3A_38 = tpu.memref_slice %arg2[%add3A_15, %dma_start3A_37] : memref<160000x16xf32, #tpu.memory_space<hbm>> -> memref<1000x16xf32, #tpu.memory_space<hbm>>
      tpu.enqueue_dma source(%dma_start3A_38 : memref<1000x16xf32, #tpu.memory_space<hbm>>) target(%arg11 : memref<1000x16xf32, #tpu.memory_space<vmem>>) target_semaphore(%run_scoped3A_35 : memref<!tpu.dma_semaphore, #tpu.memory_space<semaphore_mem>>)
      %dma_wait3A = arith.constant 0 : i32
      %dma_wait3A_39 = tpu.memref_slice %arg2[%add3A_15, %dma_wait3A] : memref<160000x16xf32, #tpu.memory_space<hbm>> -> memref<1000x16xf32, #tpu.memory_space<hbm>>
      %dma_wait3A_40 = arith.constant 0 : i32
      %dma_wait3A_41 = tpu.memref_slice %arg2[%add3A_15, %dma_wait3A_40] : memref<160000x16xf32, #tpu.memory_space<hbm>> -> memref<1000x16xf32, #tpu.memory_space<hbm>>
      tpu.wait_dma2 semaphore(%run_scoped3A_35 : memref<!tpu.dma_semaphore, #tpu.memory_space<semaphore_mem>>) src(%dma_wait3A_41 : memref<1000x16xf32, #tpu.memory_space<hbm>>) dst(%arg11 : memref<1000x16xf32, #tpu.memory_space<vmem>>)
      tpu.yield
    }) : () -> ()
    "tpu.region"() ({
      %run_scoped3A_35 = tpu.sem_alloc : memref<!tpu.dma_semaphore, #tpu.memory_space<semaphore_mem>>
      %dma_start3A = arith.constant 0 : i32
      %dma_start3A_36 = arith.constant 0 : i32
      %dma_start3A_37 = tpu.memref_slice %arg8[%dma_start3A, %dma_start3A_36] : memref<10000x16xf32, #tpu.memory_space<vmem_shared>> -> memref<10000x16xf32, #tpu.memory_space<vmem_shared>>
      tpu.enqueue_indirect_dma source(%arg11 : memref<1000x16xf32, #tpu.memory_space<vmem>>) target(%dma_start3A_37 : memref<10000x16xf32, #tpu.memory_space<vmem_shared>>) offsets(%arg10 : memref<1000xi32, #tpu.memory_space<vmem>>) semaphore(%run_scoped3A_35 : memref<!tpu.dma_semaphore, #tpu.memory_space<semaphore_mem>>) {add = true}
      %dma_wait3A = arith.constant 0 : i32
      %dma_wait3A_38 = arith.constant 0 : i32
      %dma_wait3A_39 = tpu.memref_slice %arg8[%dma_wait3A, %dma_wait3A_38] : memref<10000x16xf32, #tpu.memory_space<vmem_shared>> -> memref<10000x16xf32, #tpu.memory_space<vmem_shared>>
      tpu.wait_indirect_dma semaphore(%run_scoped3A_35 : memref<!tpu.dma_semaphore, #tpu.memory_space<semaphore_mem>>) src(%arg11 : memref<1000x16xf32, #tpu.memory_space<vmem>>) dst(%dma_wait3A_39 : memref<10000x16xf32, #tpu.memory_space<vmem_shared>>)
      tpu.yield
    }) : () -> ()
    "tpu.region"() ({
      %run_scoped3A_35 = tpu.sem_alloc : memref<!tpu.dma_semaphore, #tpu.memory_space<semaphore_mem>>
      %dma_start3A = arith.constant 0 : i32
      %dma_start3A_36 = arith.constant 0 : i32
      %dma_start3A_37 = tpu.memref_slice %arg9[%dma_start3A, %dma_start3A_36] : memref<10000x16xf32, #tpu.memory_space<vmem_shared>> -> memref<10000x16xf32, #tpu.memory_space<vmem_shared>>
      tpu.enqueue_indirect_dma source(%arg12 : memref<1000x16xf32, #tpu.memory_space<vmem>>) target(%dma_start3A_37 : memref<10000x16xf32, #tpu.memory_space<vmem_shared>>) offsets(%arg10 : memref<1000xi32, #tpu.memory_space<vmem>>) semaphore(%run_scoped3A_35 : memref<!tpu.dma_semaphore, #tpu.memory_space<semaphore_mem>>) {add = true}
      %dma_wait3A = arith.constant 0 : i32
      %dma_wait3A_38 = arith.constant 0 : i32
      %dma_wait3A_39 = tpu.memref_slice %arg9[%dma_wait3A, %dma_wait3A_38] : memref<10000x16xf32, #tpu.memory_space<vmem_shared>> -> memref<10000x16xf32, #tpu.memory_space<vmem_shared>>
      tpu.wait_indirect_dma semaphore(%run_scoped3A_35 : memref<!tpu.dma_semaphore, #tpu.memory_space<semaphore_mem>>) src(%arg12 : memref<1000x16xf32, #tpu.memory_space<vmem>>) dst(%dma_wait3A_39 : memref<10000x16xf32, #tpu.memory_space<vmem_shared>>)
      tpu.yield
    }) : () -> ()
    %add3A_19 = arith.constant 3000 : i32
    %add3A_20 = arith.addi %mul3A_4, %add3A_19 : i32
    %add3A_21 = arith.constant 160000 : i32
    %add3A_22 = arith.addi %add3A_21, %add3A_20 : i32
    %run_scoped3A_23 = arith.constant 1 : i32
    "tpu.region"() ({
      %run_scoped3A_35 = tpu.sem_alloc : memref<!tpu.dma_semaphore, #tpu.memory_space<semaphore_mem>>
      %dma_start3A = tpu.memref_slice %arg3[%run_scoped3A_23, %add3A_22] : memref<2x320000xi32, #tpu.memory_space<hbm>> -> memref<1x1000xi32, #tpu.memory_space<hbm>>
      %dma_start3A_36 = tpu.memref_squeeze %dma_start3A : memref<1x1000xi32, #tpu.memory_space<hbm>> -> memref<1000xi32, #tpu.memory_space<hbm>>
      %dma_start3A_37 = tpu.memref_slice %arg3[%run_scoped3A_23, %add3A_22] : memref<2x320000xi32, #tpu.memory_space<hbm>> -> memref<1x1000xi32, #tpu.memory_space<hbm>>
      %dma_start3A_38 = tpu.memref_squeeze %dma_start3A_37 : memref<1x1000xi32, #tpu.memory_space<hbm>> -> memref<1000xi32, #tpu.memory_space<hbm>>
      tpu.enqueue_dma source(%dma_start3A_38 : memref<1000xi32, #tpu.memory_space<hbm>>) target(%arg10 : memref<1000xi32, #tpu.memory_space<vmem>>) target_semaphore(%run_scoped3A_35 : memref<!tpu.dma_semaphore, #tpu.memory_space<semaphore_mem>>)
      %dma_wait3A = tpu.memref_slice %arg3[%run_scoped3A_23, %add3A_22] : memref<2x320000xi32, #tpu.memory_space<hbm>> -> memref<1x1000xi32, #tpu.memory_space<hbm>>
      %dma_wait3A_39 = tpu.memref_squeeze %dma_wait3A : memref<1x1000xi32, #tpu.memory_space<hbm>> -> memref<1000xi32, #tpu.memory_space<hbm>>
      %dma_wait3A_40 = tpu.memref_slice %arg3[%run_scoped3A_23, %add3A_22] : memref<2x320000xi32, #tpu.memory_space<hbm>> -> memref<1x1000xi32, #tpu.memory_space<hbm>>
      %dma_wait3A_41 = tpu.memref_squeeze %dma_wait3A_40 : memref<1x1000xi32, #tpu.memory_space<hbm>> -> memref<1000xi32, #tpu.memory_space<hbm>>
      tpu.wait_dma2 semaphore(%run_scoped3A_35 : memref<!tpu.dma_semaphore, #tpu.memory_space<semaphore_mem>>) src(%dma_wait3A_41 : memref<1000xi32, #tpu.memory_space<hbm>>) dst(%arg10 : memref<1000xi32, #tpu.memory_space<vmem>>)
      tpu.yield
    }) : () -> ()
    "tpu.region"() ({
      %run_scoped3A_35 = tpu.sem_alloc : memref<!tpu.dma_semaphore, #tpu.memory_space<semaphore_mem>>
      %dma_start3A = arith.constant 0 : i32
      %dma_start3A_36 = tpu.memref_slice %arg2[%add3A_20, %dma_start3A] : memref<160000x16xf32, #tpu.memory_space<hbm>> -> memref<1000x16xf32, #tpu.memory_space<hbm>>
      %dma_start3A_37 = arith.constant 0 : i32
      %dma_start3A_38 = tpu.memref_slice %arg2[%add3A_20, %dma_start3A_37] : memref<160000x16xf32, #tpu.memory_space<hbm>> -> memref<1000x16xf32, #tpu.memory_space<hbm>>
      tpu.enqueue_dma source(%dma_start3A_38 : memref<1000x16xf32, #tpu.memory_space<hbm>>) target(%arg11 : memref<1000x16xf32, #tpu.memory_space<vmem>>) target_semaphore(%run_scoped3A_35 : memref<!tpu.dma_semaphore, #tpu.memory_space<semaphore_mem>>)
      %dma_wait3A = arith.constant 0 : i32
      %dma_wait3A_39 = tpu.memref_slice %arg2[%add3A_20, %dma_wait3A] : memref<160000x16xf32, #tpu.memory_space<hbm>> -> memref<1000x16xf32, #tpu.memory_space<hbm>>
      %dma_wait3A_40 = arith.constant 0 : i32
      %dma_wait3A_41 = tpu.memref_slice %arg2[%add3A_20, %dma_wait3A_40] : memref<160000x16xf32, #tpu.memory_space<hbm>> -> memref<1000x16xf32, #tpu.memory_space<hbm>>
      tpu.wait_dma2 semaphore(%run_scoped3A_35 : memref<!tpu.dma_semaphore, #tpu.memory_space<semaphore_mem>>) src(%dma_wait3A_41 : memref<1000x16xf32, #tpu.memory_space<hbm>>) dst(%arg11 : memref<1000x16xf32, #tpu.memory_space<vmem>>)
      tpu.yield
    }) : () -> ()
    "tpu.region"() ({
      %run_scoped3A_35 = tpu.sem_alloc : memref<!tpu.dma_semaphore, #tpu.memory_space<semaphore_mem>>
      %dma_start3A = arith.constant 0 : i32
      %dma_start3A_36 = arith.constant 0 : i32
      %dma_start3A_37 = tpu.memref_slice %arg8[%dma_start3A, %dma_start3A_36] : memref<10000x16xf32, #tpu.memory_space<vmem_shared>> -> memref<10000x16xf32, #tpu.memory_space<vmem_shared>>
      tpu.enqueue_indirect_dma source(%arg11 : memref<1000x16xf32, #tpu.memory_space<vmem>>) target(%dma_start3A_37 : memref<10000x16xf32, #tpu.memory_space<vmem_shared>>) offsets(%arg10 : memref<1000xi32, #tpu.memory_space<vmem>>) semaphore(%run_scoped3A_35 : memref<!tpu.dma_semaphore, #tpu.memory_space<semaphore_mem>>) {add = true}
      %dma_wait3A = arith.constant 0 : i32
      %dma_wait3A_38 = arith.constant 0 : i32
      %dma_wait3A_39 = tpu.memref_slice %arg8[%dma_wait3A, %dma_wait3A_38] : memref<10000x16xf32, #tpu.memory_space<vmem_shared>> -> memref<10000x16xf32, #tpu.memory_space<vmem_shared>>
      tpu.wait_indirect_dma semaphore(%run_scoped3A_35 : memref<!tpu.dma_semaphore, #tpu.memory_space<semaphore_mem>>) src(%arg11 : memref<1000x16xf32, #tpu.memory_space<vmem>>) dst(%dma_wait3A_39 : memref<10000x16xf32, #tpu.memory_space<vmem_shared>>)
      tpu.yield
    }) : () -> ()
    "tpu.region"() ({
      %run_scoped3A_35 = tpu.sem_alloc : memref<!tpu.dma_semaphore, #tpu.memory_space<semaphore_mem>>
      %dma_start3A = arith.constant 0 : i32
      %dma_start3A_36 = arith.constant 0 : i32
      %dma_start3A_37 = tpu.memref_slice %arg9[%dma_start3A, %dma_start3A_36] : memref<10000x16xf32, #tpu.memory_space<vmem_shared>> -> memref<10000x16xf32, #tpu.memory_space<vmem_shared>>
      tpu.enqueue_indirect_dma source(%arg12 : memref<1000x16xf32, #tpu.memory_space<vmem>>) target(%dma_start3A_37 : memref<10000x16xf32, #tpu.memory_space<vmem_shared>>) offsets(%arg10 : memref<1000xi32, #tpu.memory_space<vmem>>) semaphore(%run_scoped3A_35 : memref<!tpu.dma_semaphore, #tpu.memory_space<semaphore_mem>>) {add = true}
      %dma_wait3A = arith.constant 0 : i32
      %dma_wait3A_38 = arith.constant 0 : i32
      %dma_wait3A_39 = tpu.memref_slice %arg9[%dma_wait3A, %dma_wait3A_38] : memref<10000x16xf32, #tpu.memory_space<vmem_shared>> -> memref<10000x16xf32, #tpu.memory_space<vmem_shared>>
      tpu.wait_indirect_dma semaphore(%run_scoped3A_35 : memref<!tpu.dma_semaphore, #tpu.memory_space<semaphore_mem>>) src(%arg12 : memref<1000x16xf32, #tpu.memory_space<vmem>>) dst(%dma_wait3A_39 : memref<10000x16xf32, #tpu.memory_space<vmem_shared>>)
      tpu.yield
    }) : () -> ()
    %add3A_24 = arith.constant 4000 : i32
    %add3A_25 = arith.addi %mul3A_4, %add3A_24 : i32
    %add3A_26 = arith.constant 160000 : i32
    %add3A_27 = arith.addi %add3A_26, %add3A_25 : i32
    %run_scoped3A_28 = arith.constant 1 : i32
    "tpu.region"() ({
      %run_scoped3A_35 = tpu.sem_alloc : memref<!tpu.dma_semaphore, #tpu.memory_space<semaphore_mem>>
      %dma_start3A = tpu.memref_slice %arg3[%run_scoped3A_28, %add3A_27] : memref<2x320000xi32, #tpu.memory_space<hbm>> -> memref<1x1000xi32, #tpu.memory_space<hbm>>
      %dma_start3A_36 = tpu.memref_squeeze %dma_start3A : memref<1x1000xi32, #tpu.memory_space<hbm>> -> memref<1000xi32, #tpu.memory_space<hbm>>
      %dma_start3A_37 = tpu.memref_slice %arg3[%run_scoped3A_28, %add3A_27] : memref<2x320000xi32, #tpu.memory_space<hbm>> -> memref<1x1000xi32, #tpu.memory_space<hbm>>
      %dma_start3A_38 = tpu.memref_squeeze %dma_start3A_37 : memref<1x1000xi32, #tpu.memory_space<hbm>> -> memref<1000xi32, #tpu.memory_space<hbm>>
      tpu.enqueue_dma source(%dma_start3A_38 : memref<1000xi32, #tpu.memory_space<hbm>>) target(%arg10 : memref<1000xi32, #tpu.memory_space<vmem>>) target_semaphore(%run_scoped3A_35 : memref<!tpu.dma_semaphore, #tpu.memory_space<semaphore_mem>>)
      %dma_wait3A = tpu.memref_slice %arg3[%run_scoped3A_28, %add3A_27] : memref<2x320000xi32, #tpu.memory_space<hbm>> -> memref<1x1000xi32, #tpu.memory_space<hbm>>
      %dma_wait3A_39 = tpu.memref_squeeze %dma_wait3A : memref<1x1000xi32, #tpu.memory_space<hbm>> -> memref<1000xi32, #tpu.memory_space<hbm>>
      %dma_wait3A_40 = tpu.memref_slice %arg3[%run_scoped3A_28, %add3A_27] : memref<2x320000xi32, #tpu.memory_space<hbm>> -> memref<1x1000xi32, #tpu.memory_space<hbm>>
      %dma_wait3A_41 = tpu.memref_squeeze %dma_wait3A_40 : memref<1x1000xi32, #tpu.memory_space<hbm>> -> memref<1000xi32, #tpu.memory_space<hbm>>
      tpu.wait_dma2 semaphore(%run_scoped3A_35 : memref<!tpu.dma_semaphore, #tpu.memory_space<semaphore_mem>>) src(%dma_wait3A_41 : memref<1000xi32, #tpu.memory_space<hbm>>) dst(%arg10 : memref<1000xi32, #tpu.memory_space<vmem>>)
      tpu.yield
    }) : () -> ()
    "tpu.region"() ({
      %run_scoped3A_35 = tpu.sem_alloc : memref<!tpu.dma_semaphore, #tpu.memory_space<semaphore_mem>>
      %dma_start3A = arith.constant 0 : i32
      %dma_start3A_36 = tpu.memref_slice %arg2[%add3A_25, %dma_start3A] : memref<160000x16xf32, #tpu.memory_space<hbm>> -> memref<1000x16xf32, #tpu.memory_space<hbm>>
      %dma_start3A_37 = arith.constant 0 : i32
      %dma_start3A_38 = tpu.memref_slice %arg2[%add3A_25, %dma_start3A_37] : memref<160000x16xf32, #tpu.memory_space<hbm>> -> memref<1000x16xf32, #tpu.memory_space<hbm>>
      tpu.enqueue_dma source(%dma_start3A_38 : memref<1000x16xf32, #tpu.memory_space<hbm>>) target(%arg11 : memref<1000x16xf32, #tpu.memory_space<vmem>>) target_semaphore(%run_scoped3A_35 : memref<!tpu.dma_semaphore, #tpu.memory_space<semaphore_mem>>)
      %dma_wait3A = arith.constant 0 : i32
      %dma_wait3A_39 = tpu.memref_slice %arg2[%add3A_25, %dma_wait3A] : memref<160000x16xf32, #tpu.memory_space<hbm>> -> memref<1000x16xf32, #tpu.memory_space<hbm>>
      %dma_wait3A_40 = arith.constant 0 : i32
      %dma_wait3A_41 = tpu.memref_slice %arg2[%add3A_25, %dma_wait3A_40] : memref<160000x16xf32, #tpu.memory_space<hbm>> -> memref<1000x16xf32, #tpu.memory_space<hbm>>
      tpu.wait_dma2 semaphore(%run_scoped3A_35 : memref<!tpu.dma_semaphore, #tpu.memory_space<semaphore_mem>>) src(%dma_wait3A_41 : memref<1000x16xf32, #tpu.memory_space<hbm>>) dst(%arg11 : memref<1000x16xf32, #tpu.memory_space<vmem>>)
      tpu.yield
    }) : () -> ()
    "tpu.region"() ({
      %run_scoped3A_35 = tpu.sem_alloc : memref<!tpu.dma_semaphore, #tpu.memory_space<semaphore_mem>>
      %dma_start3A = arith.constant 0 : i32
      %dma_start3A_36 = arith.constant 0 : i32
      %dma_start3A_37 = tpu.memref_slice %arg8[%dma_start3A, %dma_start3A_36] : memref<10000x16xf32, #tpu.memory_space<vmem_shared>> -> memref<10000x16xf32, #tpu.memory_space<vmem_shared>>
      tpu.enqueue_indirect_dma source(%arg11 : memref<1000x16xf32, #tpu.memory_space<vmem>>) target(%dma_start3A_37 : memref<10000x16xf32, #tpu.memory_space<vmem_shared>>) offsets(%arg10 : memref<1000xi32, #tpu.memory_space<vmem>>) semaphore(%run_scoped3A_35 : memref<!tpu.dma_semaphore, #tpu.memory_space<semaphore_mem>>) {add = true}
      %dma_wait3A = arith.constant 0 : i32
      %dma_wait3A_38 = arith.constant 0 : i32
      %dma_wait3A_39 = tpu.memref_slice %arg8[%dma_wait3A, %dma_wait3A_38] : memref<10000x16xf32, #tpu.memory_space<vmem_shared>> -> memref<10000x16xf32, #tpu.memory_space<vmem_shared>>
      tpu.wait_indirect_dma semaphore(%run_scoped3A_35 : memref<!tpu.dma_semaphore, #tpu.memory_space<semaphore_mem>>) src(%arg11 : memref<1000x16xf32, #tpu.memory_space<vmem>>) dst(%dma_wait3A_39 : memref<10000x16xf32, #tpu.memory_space<vmem_shared>>)
      tpu.yield
    }) : () -> ()
    "tpu.region"() ({
      %run_scoped3A_35 = tpu.sem_alloc : memref<!tpu.dma_semaphore, #tpu.memory_space<semaphore_mem>>
      %dma_start3A = arith.constant 0 : i32
      %dma_start3A_36 = arith.constant 0 : i32
      %dma_start3A_37 = tpu.memref_slice %arg9[%dma_start3A, %dma_start3A_36] : memref<10000x16xf32, #tpu.memory_space<vmem_shared>> -> memref<10000x16xf32, #tpu.memory_space<vmem_shared>>
      tpu.enqueue_indirect_dma source(%arg12 : memref<1000x16xf32, #tpu.memory_space<vmem>>) target(%dma_start3A_37 : memref<10000x16xf32, #tpu.memory_space<vmem_shared>>) offsets(%arg10 : memref<1000xi32, #tpu.memory_space<vmem>>) semaphore(%run_scoped3A_35 : memref<!tpu.dma_semaphore, #tpu.memory_space<semaphore_mem>>) {add = true}
      %dma_wait3A = arith.constant 0 : i32
      %dma_wait3A_38 = arith.constant 0 : i32
      %dma_wait3A_39 = tpu.memref_slice %arg9[%dma_wait3A, %dma_wait3A_38] : memref<10000x16xf32, #tpu.memory_space<vmem_shared>> -> memref<10000x16xf32, #tpu.memory_space<vmem_shared>>
      tpu.wait_indirect_dma semaphore(%run_scoped3A_35 : memref<!tpu.dma_semaphore, #tpu.memory_space<semaphore_mem>>) src(%arg12 : memref<1000x16xf32, #tpu.memory_space<vmem>>) dst(%dma_wait3A_39 : memref<10000x16xf32, #tpu.memory_space<vmem_shared>>)
      tpu.yield
    }) : () -> ()
    %barrier3A_29 = arith.constant 0 : index
    tpu.barrier barrier_id(%barrier3A_29)
    %eq3A_30 = arith.constant 0 : i32
    %eq3A_31 = arith.cmpi eq, %arg1, %eq3A_30 : i32
    %convert_element_type3A_32 = arith.extui %eq3A_31 : i1 to i32
    %cond3A_33 = arith.constant 0 : i32
    %cond3A_34 = arith.cmpi ne, %convert_element_type3A_32, %cond3A_33 : i32
    scf.if %cond3A_34 {
      "tpu.region"() ({
        %run_scoped3A_35 = tpu.sem_alloc : memref<!tpu.dma_semaphore, #tpu.memory_space<semaphore_mem>>
        %dma_start3A = arith.constant 0 : i32
        %dma_start3A_36 = arith.constant 0 : i32
        %dma_start3A_37 = tpu.memref_slice %arg6[%arg0, %dma_start3A, %dma_start3A_36] : memref<2x10000x16xf32, #tpu.memory_space<hbm>> -> memref<1x10000x16xf32, #tpu.memory_space<hbm>>
        %dma_start3A_38 = tpu.memref_squeeze %dma_start3A_37 : memref<1x10000x16xf32, #tpu.memory_space<hbm>> -> memref<10000x16xf32, #tpu.memory_space<hbm>>
        tpu.enqueue_dma source(%arg8 : memref<10000x16xf32, #tpu.memory_space<vmem_shared>>) target(%dma_start3A_38 : memref<10000x16xf32, #tpu.memory_space<hbm>>) target_semaphore(%run_scoped3A_35 : memref<!tpu.dma_semaphore, #tpu.memory_space<semaphore_mem>>)
        %dma_wait3A = arith.constant 0 : i32
        %dma_wait3A_39 = arith.constant 0 : i32
        %dma_wait3A_40 = tpu.memref_slice %arg6[%arg0, %dma_wait3A, %dma_wait3A_39] : memref<2x10000x16xf32, #tpu.memory_space<hbm>> -> memref<1x10000x16xf32, #tpu.memory_space<hbm>>
        %dma_wait3A_41 = tpu.memref_squeeze %dma_wait3A_40 : memref<1x10000x16xf32, #tpu.memory_space<hbm>> -> memref<10000x16xf32, #tpu.memory_space<hbm>>
        tpu.wait_dma2 semaphore(%run_scoped3A_35 : memref<!tpu.dma_semaphore, #tpu.memory_space<semaphore_mem>>) src(%arg8 : memref<10000x16xf32, #tpu.memory_space<vmem_shared>>) dst(%dma_wait3A_41 : memref<10000x16xf32, #tpu.memory_space<hbm>>)
        tpu.yield
      }) : () -> ()
      "tpu.region"() ({
        %run_scoped3A_35 = tpu.sem_alloc : memref<!tpu.dma_semaphore, #tpu.memory_space<semaphore_mem>>
        %dma_start3A = arith.constant 0 : i32
        %dma_start3A_36 = arith.constant 0 : i32
        %dma_start3A_37 = tpu.memref_slice %arg7[%arg0, %dma_start3A, %dma_start3A_36] : memref<2x10000x16xf32, #tpu.memory_space<hbm>> -> memref<1x10000x16xf32, #tpu.memory_space<hbm>>
        %dma_start3A_38 = tpu.memref_squeeze %dma_start3A_37 : memref<1x10000x16xf32, #tpu.memory_space<hbm>> -> memref<10000x16xf32, #tpu.memory_space<hbm>>
        tpu.enqueue_dma source(%arg9 : memref<10000x16xf32, #tpu.memory_space<vmem_shared>>) target(%dma_start3A_38 : memref<10000x16xf32, #tpu.memory_space<hbm>>) target_semaphore(%run_scoped3A_35 : memref<!tpu.dma_semaphore, #tpu.memory_space<semaphore_mem>>)
        %dma_wait3A = arith.constant 0 : i32
        %dma_wait3A_39 = arith.constant 0 : i32
        %dma_wait3A_40 = tpu.memref_slice %arg7[%arg0, %dma_wait3A, %dma_wait3A_39] : memref<2x10000x16xf32, #tpu.memory_space<hbm>> -> memref<1x10000x16xf32, #tpu.memory_space<hbm>>
        %dma_wait3A_41 = tpu.memref_squeeze %dma_wait3A_40 : memref<1x10000x16xf32, #tpu.memory_space<hbm>> -> memref<10000x16xf32, #tpu.memory_space<hbm>>
        tpu.wait_dma2 semaphore(%run_scoped3A_35 : memref<!tpu.dma_semaphore, #tpu.memory_space<semaphore_mem>>) src(%arg9 : memref<10000x16xf32, #tpu.memory_space<vmem_shared>>) dst(%dma_wait3A_41 : memref<10000x16xf32, #tpu.memory_space<hbm>>)
        tpu.yield
      }) : () -> ()
    } else {
    }
    return
  }
}

module attributes {stable_mosaic.version = 14 : i64} {
  func.func @_mlp_body(%arg0: i32, %arg1: memref<1000x128xf32, #tpu.memory_space<vmem>>, %arg2: memref<1000x128xf32, #tpu.memory_space<vmem>>, %arg3: memref<128x512xbf16, #tpu.memory_space<vmem>>, %arg4: memref<1x512xf32, #tpu.memory_space<vmem>>, %arg5: memref<512x2048xbf16, #tpu.memory_space<vmem>>, %arg6: memref<1x2048xf32, #tpu.memory_space<vmem>>, %arg7: memref<128x2048xbf16, #tpu.memory_space<vmem>>, %arg8: memref<2048x128xbf16, #tpu.memory_space<vmem>>, %arg9: memref<1000x128xf32, #tpu.memory_space<vmem>>) attributes {dimension_semantics = [#tpu.dimension_semantics<arbitrary>], iteration_bounds = array<i64: 20>, scalar_prefetch = 0 : i64, scratch_operands = 0 : i64, tpu.core_type = #tpu.core_type<tc>, window_params = [{transform_indices = @transform_0, window_bounds = array<i64: 1000, 128>}, {transform_indices = @transform_1, window_bounds = array<i64: 1000, 128>}, {pipeline_mode = #tpu.pipeline_mode<synchronous>, transform_indices = @transform_2, window_bounds = array<i64: 128, 512>}, {pipeline_mode = #tpu.pipeline_mode<synchronous>, transform_indices = @transform_3, window_bounds = array<i64: 1, 512>}, {pipeline_mode = #tpu.pipeline_mode<synchronous>, transform_indices = @transform_4, window_bounds = array<i64: 512, 2048>}, {pipeline_mode = #tpu.pipeline_mode<synchronous>, transform_indices = @transform_5, window_bounds = array<i64: 1, 2048>}, {pipeline_mode = #tpu.pipeline_mode<synchronous>, transform_indices = @transform_6, window_bounds = array<i64: 128, 2048>}, {pipeline_mode = #tpu.pipeline_mode<synchronous>, transform_indices = @transform_7, window_bounds = array<i64: 2048, 128>}, {transform_indices = @transform_8, window_bounds = array<i64: 1000, 128>}]} {
    %get3A = arith.constant 0 : index
    %get3A_0 = arith.constant 0 : index
    %get3A_1 = vector.load %arg1[%get3A, %get3A_0] : memref<1000x128xf32, #tpu.memory_space<vmem>>, vector<1000x128xf32>
    %convert_element_type3A = arith.truncf %get3A_1 : vector<1000x128xf32> to vector<1000x128xbf16>
    %get3A_2 = arith.constant 0 : index
    %get3A_3 = arith.constant 0 : index
    %get3A_4 = vector.load %arg2[%get3A_2, %get3A_3] : memref<1000x128xf32, #tpu.memory_space<vmem>>, vector<1000x128xf32>
    %convert_element_type3A_5 = arith.truncf %get3A_4 : vector<1000x128xf32> to vector<1000x128xbf16>
    %get3A_6 = arith.constant 0 : index
    %get3A_7 = arith.constant 0 : index
    %get3A_8 = vector.load %arg3[%get3A_6, %get3A_7] : memref<128x512xbf16, #tpu.memory_space<vmem>>, vector<128x512xbf16>
    %dot_general3A = arith.constant dense<0.000000e+00> : vector<1000x512xf32>
    %dot_general3A_9 = tpu.matmul %convert_element_type3A, %get3A_8, %dot_general3A {dimension_numbers = #tpu.dot_dimension_numbers<[1], [0], [0], [1], [0, 0, 1, 1], [], []>, transpose_lhs_hint = false} : vector<1000x128xbf16>, vector<128x512xbf16>, vector<1000x512xf32> -> vector<1000x512xf32>
    %get3A_10 = arith.constant 0 : index
    %get3A_11 = arith.constant 0 : index
    %get3A_12 = vector.load %arg4[%get3A_10, %get3A_11] : memref<1x512xf32, #tpu.memory_space<vmem>>, vector<1x512xf32>
    %add3A = vector.broadcast %get3A_12 : vector<1x512xf32> to vector<1000x512xf32>
    %add3A_13 = arith.addf %dot_general3A_9, %add3A : vector<1000x512xf32>
    %ge3A = arith.constant 0.000000e+00 : f32
    %ge3A_14 = vector.broadcast %ge3A : f32 to vector<1000x512xf32>
    %ge3A_15 = arith.cmpf oge, %add3A_13, %ge3A_14 : vector<1000x512xf32>
    %mul3A = arith.constant 0.00999999977 : f32
    %mul3A_16 = vector.broadcast %mul3A : f32 to vector<1000x512xf32>
    %mul3A_17 = arith.mulf %mul3A_16, %add3A_13 : vector<1000x512xf32>
    %select_n3A = arith.select %ge3A_15, %add3A_13, %mul3A_17 : vector<1000x512xi1>, vector<1000x512xf32>
    %convert_element_type3A_18 = arith.truncf %select_n3A : vector<1000x512xf32> to vector<1000x512xbf16>
    %get3A_19 = arith.constant 0 : index
    %get3A_20 = arith.constant 0 : index
    %get3A_21 = vector.load %arg5[%get3A_19, %get3A_20] : memref<512x2048xbf16, #tpu.memory_space<vmem>>, vector<512x2048xbf16>
    %dot_general3A_22 = arith.constant dense<0.000000e+00> : vector<1000x2048xf32>
    %dot_general3A_23 = tpu.matmul %convert_element_type3A_18, %get3A_21, %dot_general3A_22 {dimension_numbers = #tpu.dot_dimension_numbers<[1], [0], [0], [1], [0, 0, 1, 1], [], []>, transpose_lhs_hint = false} : vector<1000x512xbf16>, vector<512x2048xbf16>, vector<1000x2048xf32> -> vector<1000x2048xf32>
    %get3A_24 = arith.constant 0 : index
    %get3A_25 = arith.constant 0 : index
    %get3A_26 = vector.load %arg6[%get3A_24, %get3A_25] : memref<1x2048xf32, #tpu.memory_space<vmem>>, vector<1x2048xf32>
    %add3A_27 = vector.broadcast %get3A_26 : vector<1x2048xf32> to vector<1000x2048xf32>
    %add3A_28 = arith.addf %dot_general3A_23, %add3A_27 : vector<1000x2048xf32>
    %get3A_29 = arith.constant 0 : index
    %get3A_30 = arith.constant 0 : index
    %get3A_31 = vector.load %arg7[%get3A_29, %get3A_30] : memref<128x2048xbf16, #tpu.memory_space<vmem>>, vector<128x2048xbf16>
    %dot_general3A_32 = arith.constant dense<0.000000e+00> : vector<1000x2048xf32>
    %dot_general3A_33 = tpu.matmul %convert_element_type3A_5, %get3A_31, %dot_general3A_32 {dimension_numbers = #tpu.dot_dimension_numbers<[1], [0], [0], [1], [0, 0, 1, 1], [], []>, transpose_lhs_hint = false} : vector<1000x128xbf16>, vector<128x2048xbf16>, vector<1000x2048xf32> -> vector<1000x2048xf32>
    %mul3A_34 = arith.mulf %add3A_28, %dot_general3A_33 : vector<1000x2048xf32>
    %convert_element_type3A_35 = arith.truncf %mul3A_34 : vector<1000x2048xf32> to vector<1000x2048xbf16>
    %get3A_36 = arith.constant 0 : index
    %get3A_37 = arith.constant 0 : index
    %get3A_38 = vector.load %arg8[%get3A_36, %get3A_37] : memref<2048x128xbf16, #tpu.memory_space<vmem>>, vector<2048x128xbf16>
    %dot_general3A_39 = arith.constant dense<0.000000e+00> : vector<1000x128xf32>
    %dot_general3A_40 = tpu.matmul %convert_element_type3A_35, %get3A_38, %dot_general3A_39 {dimension_numbers = #tpu.dot_dimension_numbers<[1], [0], [0], [1], [0, 0, 1, 1], [], []>, transpose_lhs_hint = false} : vector<1000x2048xbf16>, vector<2048x128xbf16>, vector<1000x128xf32> -> vector<1000x128xf32>
    %swap3A = arith.constant 0 : index
    %swap3A_41 = arith.constant 0 : index
    %swap3A_42 = vector.load %arg9[%swap3A, %swap3A_41] : memref<1000x128xf32, #tpu.memory_space<vmem>>, vector<1000x128xf32>
    tpu.vector_store %arg9[%swap3A, %swap3A_41], %dot_general3A_40 {strides = array<i32>} : memref<1000x128xf32, #tpu.memory_space<vmem>>, vector<1000x128xf32>,
    return
  }
  func.func @transform_0(%arg0: i32) -> (i32, i32) {
    %c0_i32 = arith.constant 0 : i32
    %c0_i32_0 = arith.constant 0 : i32
    return %arg0, %c0_i32 : i32, i32
  }
  func.func @transform_1(%arg0: i32) -> (i32, i32) {
    %c0_i32 = arith.constant 0 : i32
    %c0_i32_0 = arith.constant 0 : i32
    return %arg0, %c0_i32 : i32, i32
  }
  func.func @transform_2(%arg0: i32) -> (i32, i32) {
    %c0_i32 = arith.constant 0 : i32
    %c0_i32_0 = arith.constant 0 : i32
    %c0_i32_1 = arith.constant 0 : i32
    return %c0_i32, %c0_i32_0 : i32, i32
  }
  func.func @transform_3(%arg0: i32) -> (i32, i32) {
    %c0_i32 = arith.constant 0 : i32
    %c0_i32_0 = arith.constant 0 : i32
    %c0_i32_1 = arith.constant 0 : i32
    return %c0_i32, %c0_i32_0 : i32, i32
  }
  func.func @transform_4(%arg0: i32) -> (i32, i32) {
    %c0_i32 = arith.constant 0 : i32
    %c0_i32_0 = arith.constant 0 : i32
    %c0_i32_1 = arith.constant 0 : i32
    return %c0_i32, %c0_i32_0 : i32, i32
  }
  func.func @transform_5(%arg0: i32) -> (i32, i32) {
    %c0_i32 = arith.constant 0 : i32
    %c0_i32_0 = arith.constant 0 : i32
    %c0_i32_1 = arith.constant 0 : i32
    return %c0_i32, %c0_i32_0 : i32, i32
  }
  func.func @transform_6(%arg0: i32) -> (i32, i32) {
    %c0_i32 = arith.constant 0 : i32
    %c0_i32_0 = arith.constant 0 : i32
    %c0_i32_1 = arith.constant 0 : i32
    return %c0_i32, %c0_i32_0 : i32, i32
  }
  func.func @transform_7(%arg0: i32) -> (i32, i32) {
    %c0_i32 = arith.constant 0 : i32
    %c0_i32_0 = arith.constant 0 : i32
    %c0_i32_1 = arith.constant 0 : i32
    return %c0_i32, %c0_i32_0 : i32, i32
  }
  func.func @transform_8(%arg0: i32) -> (i32, i32) {
    %c0_i32 = arith.constant 0 : i32
    %c0_i32_0 = arith.constant 0 : i32
    return %arg0, %c0_i32 : i32, i32
  }
}

module attributes {stable_mosaic.version = 14 : i64} {
  func.func @_final_body(%arg0: memref<2x1250x128xf32, #tpu.memory_space<vmem>>, %arg1: memref<2x1250x128xf32, #tpu.memory_space<vmem>>, %arg2: memref<2x1250x128xf32, #tpu.memory_space<vmem>>, %arg3: memref<2x1250x128xf32, #tpu.memory_space<vmem>>, %arg4: memref<1250x128xf32, #tpu.memory_space<vmem>>, %arg5: memref<128x128xf32, #tpu.memory_space<vmem>>, %arg6: memref<1x128xf32, #tpu.memory_space<vmem>>, %arg7: memref<1250x128xf32, #tpu.memory_space<vmem>>) attributes {dimension_semantics = [], scalar_prefetch = 0 : i64, scratch_operands = 0 : i64, tpu.core_type = #tpu.core_type<tc>} {
    %get3A = arith.constant 0 : index
    %get3A_0 = arith.constant 0 : index
    %get3A_1 = arith.constant 0 : index
    %get3A_2 = vector.load %arg0[%get3A, %get3A_0, %get3A_1] : memref<2x1250x128xf32, #tpu.memory_space<vmem>>, vector<1x1250x128xf32>
    %get3A_3 = vector.shape_cast %get3A_2 : vector<1x1250x128xf32> to vector<1250x128xf32>
    %get3A_4 = arith.constant 1 : index
    %get3A_5 = arith.constant 0 : index
    %get3A_6 = arith.constant 0 : index
    %get3A_7 = vector.load %arg0[%get3A_4, %get3A_5, %get3A_6] : memref<2x1250x128xf32, #tpu.memory_space<vmem>>, vector<1x1250x128xf32>
    %get3A_8 = vector.shape_cast %get3A_7 : vector<1x1250x128xf32> to vector<1250x128xf32>
    %add3A = arith.addf %get3A_3, %get3A_8 : vector<1250x128xf32>
    %get3A_9 = arith.constant 0 : index
    %get3A_10 = arith.constant 0 : index
    %get3A_11 = arith.constant 0 : index
    %get3A_12 = vector.load %arg2[%get3A_9, %get3A_10, %get3A_11] : memref<2x1250x128xf32, #tpu.memory_space<vmem>>, vector<1x1250x128xf32>
    %get3A_13 = vector.shape_cast %get3A_12 : vector<1x1250x128xf32> to vector<1250x128xf32>
    %get3A_14 = arith.constant 1 : index
    %get3A_15 = arith.constant 0 : index
    %get3A_16 = arith.constant 0 : index
    %get3A_17 = vector.load %arg2[%get3A_14, %get3A_15, %get3A_16] : memref<2x1250x128xf32, #tpu.memory_space<vmem>>, vector<1x1250x128xf32>
    %get3A_18 = vector.shape_cast %get3A_17 : vector<1x1250x128xf32> to vector<1250x128xf32>
    %add3A_19 = arith.addf %get3A_13, %get3A_18 : vector<1250x128xf32>
    %add3A_20 = arith.addf %add3A, %add3A_19 : vector<1250x128xf32>
    %get3A_21 = arith.constant 0 : index
    %get3A_22 = arith.constant 0 : index
    %get3A_23 = arith.constant 0 : index
    %get3A_24 = vector.load %arg1[%get3A_21, %get3A_22, %get3A_23] : memref<2x1250x128xf32, #tpu.memory_space<vmem>>, vector<1x1250x128xf32>
    %get3A_25 = vector.shape_cast %get3A_24 : vector<1x1250x128xf32> to vector<1250x128xf32>
    %get3A_26 = arith.constant 1 : index
    %get3A_27 = arith.constant 0 : index
    %get3A_28 = arith.constant 0 : index
    %get3A_29 = vector.load %arg1[%get3A_26, %get3A_27, %get3A_28] : memref<2x1250x128xf32, #tpu.memory_space<vmem>>, vector<1x1250x128xf32>
    %get3A_30 = vector.shape_cast %get3A_29 : vector<1x1250x128xf32> to vector<1250x128xf32>
    %add3A_31 = arith.addf %get3A_25, %get3A_30 : vector<1250x128xf32>
    %get3A_32 = arith.constant 0 : index
    %get3A_33 = arith.constant 0 : index
    %get3A_34 = arith.constant 0 : index
    %get3A_35 = vector.load %arg3[%get3A_32, %get3A_33, %get3A_34] : memref<2x1250x128xf32, #tpu.memory_space<vmem>>, vector<1x1250x128xf32>
    %get3A_36 = vector.shape_cast %get3A_35 : vector<1x1250x128xf32> to vector<1250x128xf32>
    %get3A_37 = arith.constant 1 : index
    %get3A_38 = arith.constant 0 : index
    %get3A_39 = arith.constant 0 : index
    %get3A_40 = vector.load %arg3[%get3A_37, %get3A_38, %get3A_39] : memref<2x1250x128xf32, #tpu.memory_space<vmem>>, vector<1x1250x128xf32>
    %get3A_41 = vector.shape_cast %get3A_40 : vector<1x1250x128xf32> to vector<1250x128xf32>
    %add3A_42 = arith.addf %get3A_36, %get3A_41 : vector<1250x128xf32>
    %add3A_43 = arith.addf %add3A_31, %add3A_42 : vector<1250x128xf32>
    %max3A = arith.constant 1.000000e+00 : f32
    %max3A_44 = vector.broadcast %max3A : f32 to vector<1250x128xf32>
    %max3A_45 = arith.maximumf %add3A_43, %max3A_44 : vector<1250x128xf32>
    %div3A = arith.divf %add3A_20, %max3A_45 : vector<1250x128xf32>
    %get3A_46 = arith.constant 0 : index
    %get3A_47 = arith.constant 0 : index
    %get3A_48 = vector.load %arg4[%get3A_46, %get3A_47] : memref<1250x128xf32, #tpu.memory_space<vmem>>, vector<1250x128xf32>
    %get3A_49 = arith.constant 0 : index
    %get3A_50 = arith.constant 0 : index
    %get3A_51 = vector.load %arg5[%get3A_49, %get3A_50] : memref<128x128xf32, #tpu.memory_space<vmem>>, vector<128x128xf32>
    %dot_general3A = arith.constant dense<0.000000e+00> : vector<1250x128xf32>
    %dot_general3A_52 = tpu.matmul %get3A_48, %get3A_51, %dot_general3A {dimension_numbers = #tpu.dot_dimension_numbers<[1], [0], [0], [1], [0, 0, 1, 1], [], []>, transpose_lhs_hint = false} : vector<1250x128xf32>, vector<128x128xf32>, vector<1250x128xf32> -> vector<1250x128xf32>
    %add3A_53 = arith.addf %div3A, %dot_general3A_52 : vector<1250x128xf32>
    %get3A_54 = arith.constant 0 : index
    %get3A_55 = arith.constant 0 : index
    %get3A_56 = vector.load %arg6[%get3A_54, %get3A_55] : memref<1x128xf32, #tpu.memory_space<vmem>>, vector<1x128xf32>
    %add3A_57 = vector.broadcast %get3A_56 : vector<1x128xf32> to vector<1250x128xf32>
    %add3A_58 = arith.addf %add3A_53, %add3A_57 : vector<1250x128xf32>
    %ge3A = arith.constant 0.000000e+00 : f32
    %ge3A_59 = vector.broadcast %ge3A : f32 to vector<1250x128xf32>
    %ge3A_60 = arith.cmpf oge, %add3A_58, %ge3A_59 : vector<1250x128xf32>
    %mul3A = arith.constant 0.00999999977 : f32
    %mul3A_61 = vector.broadcast %mul3A : f32 to vector<1250x128xf32>
    %mul3A_62 = arith.mulf %mul3A_61, %add3A_58 : vector<1250x128xf32>
    %select_n3A = arith.select %ge3A_60, %add3A_58, %mul3A_62 : vector<1250x128xi1>, vector<1250x128xf32>
    %swap3A = arith.constant 0 : index
    %swap3A_63 = arith.constant 0 : index
    %swap3A_64 = vector.load %arg7[%swap3A, %swap3A_63] : memref<1250x128xf32, #tpu.memory_space<vmem>>, vector<1250x128xf32>
    tpu.vector_store %arg7[%swap3A, %swap3A_63], %select_n3A {strides = array<i32>} : memref<1250x128xf32, #tpu.memory_space<vmem>>, vector<1250x128xf32>,
    return
  }
}

</mosaic_0001>

<sc_bundles>
// kernel: kernel.12.cloned.1.call-start
scs
__scs_entry_jumppad:
0x0: {  	(pc) =	sbr.rel $0x88, $3  }
0x1: {  	(tag) =	ssettag $0x0;
	lr =	simm.s32 $0x1  }
0x2: {  	[smem:$0x3F98] =	sst lr;
	_ =	strace $0xD0000000  }
0x3: {  	_ = 	snop  }
0x4: {  	_ = 	snop  }
0x5: {  	_ = 	snop  }
0x6: {  	_ = 	snop  }
0x7: {  	_ = 	snop  }
__scs_overlays_trampoline_lowered:
0x8: {  	[smem:$0x3FA7] =	sst s0  }
0x9: {  	[smem:$0x3FA8] =	sst s1  }
0xa: {  	[smem:$0x3FA9] =	sst s2  }
0xb: {  	[smem:$0x3FAA] =	sst s3  }
0xc: {  	[smem:$0x3FAB] =	sst s4  }
0xd: {  	[smem:$0x3FAC] =	sst s5  }
0xe: {  	[smem:$0x3FAD] =	sst s6  }
0xf: {  	[smem:$0x3FAE] =	sst s7  }
0x10: {  	[smem:$0x3FAF] =	sst s8  }
0x11: {  	[smem:$0x3FB0] =	sst s9;
	s0 =	simm.s32 @!p0 $0x0  }
0x12: {  	s1 =	sld [smem:$0x3F96];
	s0 =	simm.s32 @p0 $0x1  }
0x13: {  	[smem:$0x3FB1] =	sst s0;
	s0 =	simm.s32 @!p1 $0x0  }
0x14: {  	s2 =	sld [smem:$0x3F95];
	s0 =	simm.s32 @p1 $0x1  }
0x15: {  	[smem:$0x3FB2] =	sst s0;
	s0 =	simm.s32 @!p2 $0x0  }
0x16: {  	s3 =	sld [smem:$0x3FDB];
	s0 =	simm.s32 @p2 $0x1  }
0x17: {  	s4 =	simm.s32 $0x1BF5;
	[smem:$0x3FB4] =	sst s0  }
0x18: {  	s0 =	sld [smem:$0x3F97];
	_ =	swait.ge [sflag:s4], $0x0  }
0x19: {  	s7 =	sld [smem:$0x3F98]  }
0x1a: {  	s8 =	sadd.s32 $0xFFFFE003, lr  }
0x1b: {  	s9 =	sadd.s32 $0xFFFFFEF7, lr;
	s5 =	simm.s32 $0xFFFFFFFF;
	p2 =	slt.u32 s8, $0xFFFFF086  }
0x1c: {  	p1 =	slt.u32 s9, $0xF7A;
	s5 =	simm.s32 @!p2 $0x0  }
0x1d: {  	s5 =	simm.s32 @p1 $0x1;
	p0 =	seq.s32 s7, s2  }
0x1e: {  	s7 =	smul.u32 @!p0 $0xF7A, s2;
	p2 =	seq.s32 @!p0 s5, $0x0  }
0x1f: {  	s9 =	smul.u32 $0xF7A, s1;
	s8 =	simm.s32 @!p0 $0x1BF5;
	p2 =	por !p2, p0  }
0x20: {  	[sflag:s8] =	ssyncset.s32 @!p0 $0xFFFFF086;
	s6 =	sadd.s32 @!p0 s3, s7;
	s7 =	simm.s32 @!p0 $0x108  }
0x21: {  	s3 =	sadd.s32 s3, s9;
	s6 =	sadd.s32 @!p0 $0x88, s6;
	s7 =	simm.s32 @p2 $0x1082  }
0x22: {  	[simem:s7], [sflag:s8] =	dma.local @!p0 [hbm:s6], $0xF7A  }
0x23: {  	s9 =	sor.u32 $0xD0000000, s2;
	s6 =	simm.s32 $0x108;
	_ =	swait.ge @!p0 [sflag:s8], $0x0  }
0x24: {  	s3 =	sadd.s32 $0x88, s3;
	s6 =	simm.s32 @!p1 $0x1082;
	[sflag:s4] =	ssyncset.s32 $0xFFFFF086  }
0x25: {  	[simem:s6], [sflag:s4] =	dma.local [hbm:s3], $0xF7A  }
0x26: {  	[smem:$0x3F98] =	sst s1;
	(tag) =	ssettag s2;
	_ =	strace s9  }
0x27: {  	s1 =	sld [smem:$0x3FA8]  }
0x28: {  	s2 =	sld [smem:$0x3FA9]  }
0x29: {  	s4 =	sld [smem:$0x3FAB]  }
0x2a: {  	p0 =	seq.s32 s5, $0x0;
	s5 =	sld [smem:$0x3FAC]  }
0x2b: {  	s6 =	sld [smem:$0x3FAD]  }
0x2c: {  	s7 =	sld [smem:$0x3FAE]  }
0x2d: {  	s3 =	simm.s32 $0x108;
	s8 =	sld [smem:$0x3FAF]  }
0x2e: {  	s3 =	simm.s32 @!p0 $0x1082;
	s9 =	sld [smem:$0x3FB0]  }
0x2f: {  	lr =	sadd.s32 s0, s3;
	s0 =	sld [smem:$0x3FA7]  }
0x30: {  	s3 =	sld [smem:$0x3FAA]  }
0x31: {  	[smem:$0x3FB3] =	sst s10  }
0x32: {  	s10 =	sld [smem:$0x3FB1];
	_ =	sdelay $0x3  }
0x33: {  	p0 =	seq.s32 s10, $0x1;
	s10 =	sld [smem:$0x3FB3];
	_ =	sdelay $0x3  }
0x34: {  	[smem:$0x3FB3] =	sst s10  }
0x35: {  	s10 =	sld [smem:$0x3FB2];
	_ =	sdelay $0x3  }
0x36: {  	p1 =	seq.s32 s10, $0x1;
	s10 =	sld [smem:$0x3FB3];
	_ =	sdelay $0x3  }
0x37: {  	[smem:$0x3FB3] =	sst s10  }
0x38: {  	s10 =	sld [smem:$0x3FB4]  }
0x39: {  	_ = 	snop;
	(pc) =	sbr.ind lr, $3  }
0x3a: {  	_ = 	snop  }
0x3b: {  	_ = 	snop  }
0x3c: {  	p2 =	seq.s32 s10, $0x1;
	s10 =	sld [smem:$0x3FB3]  }
0x3d: {  	_ =	shalt  }
0x3e: {  	_ =	shalt  }
0x3f: {  	_ =	shalt  }
0x40: {  	_ =	shalt  }
0x41: {  	_ =	shalt  }
0x42: {  	_ =	shalt  }
0x43: {  	_ =	shalt  }
0x44: {  	_ =	shalt  }
0x45: {  	_ =	shalt  }
0x46: {  	_ =	shalt  }
0x47: {  	_ =	shalt  }
0x48: {  	_ =	shalt  }
0x49: {  	_ =	shalt  }
0x4a: {  	_ =	shalt  }
0x4b: {  	_ =	shalt  }
0x4c: {  	_ =	shalt  }
0x4d: {  	_ =	shalt  }
0x4e: {  	_ =	shalt  }
0x4f: {  	_ =	shalt  }
0x50: {  	_ =	shalt  }
0x51: {  	_ =	shalt  }
0x52: {  	_ =	shalt  }
0x53: {  	_ =	shalt  }
0x54: {  	_ =	shalt  }
0x55: {  	_ =	shalt  }
0x56: {  	_ =	shalt  }
0x57: {  	_ =	shalt  }
0x58: {  	_ =	shalt  }
0x59: {  	_ =	shalt  }
0x5a: {  	_ =	shalt  }
0x5b: {  	_ =	shalt  }
0x5c: {  	_ =	shalt  }
0x5d: {  	_ =	shalt  }
0x5e: {  	_ =	shalt  }
0x5f: {  	_ =	shalt  }
0x60: {  	_ =	shalt  }
0x61: {  	_ =	shalt  }
0x62: {  	_ =	shalt  }
0x63: {  	_ =	shalt  }
0x64: {  	_ =	shalt  }
0x65: {  	_ =	shalt  }
0x66: {  	_ =	shalt  }
0x67: {  	_ =	shalt  }
0x68: {  	_ =	shalt  }
0x69: {  	_ =	shalt  }
0x6a: {  	_ =	shalt  }
0x6b: {  	_ =	shalt  }
0x6c: {  	_ =	shalt  }
0x6d: {  	_ =	shalt  }
0x6e: {  	_ =	shalt  }
0x6f: {  	_ =	shalt  }
0x70: {  	_ =	shalt  }
0x71: {  	_ =	shalt  }
0x72: {  	_ =	shalt  }
0x73: {  	_ =	shalt  }
0x74: {  	_ =	shalt  }
0x75: {  	_ =	shalt  }
0x76: {  	_ =	shalt  }
0x77: {  	_ =	shalt  }
0x78: {  	_ =	shalt  }
0x79: {  	_ =	shalt  }
0x7a: {  	_ =	shalt  }
0x7b: {  	_ =	shalt  }
0x7c: {  	_ =	shalt  }
0x7d: {  	_ =	shalt  }
0x7e: {  	_ =	shalt  }
0x7f: {  	_ =	shalt  }
0x80: {  	_ =	shalt  }
0x81: {  	_ =	shalt  }
0x82: {  	_ =	shalt  }
0x83: {  	_ =	shalt  }
0x84: {  	_ =	shalt  }
0x85: {  	_ =	shalt  }
0x86: {  	_ =	shalt  }
0x87: {  	_ =	shalt  }
.Lfunc_end0:
.L_simem_size_0:
called_computation.1_lowered:
.L_overlay_start_0:
0x88: {  	s2 =	sld [smem:$0x3FD9]  }
0x89: {  	s3 =	sld [smem:$0x3FFE];
	_ =	sdelay $0x1  }
0x8a: {  	s1 =	srdreg.scid  }
0x8b: {  	s0 =	sand.u32 $0x1, s1  }
0x8c: {  	s15 =	sshll.u32 s0, $0xA;
	s2 =	sadd.s32 s3, s2  }
0x8d: {  	s2 =	sadd.s32 s2, s15  }
0x8e: {  	[smem:$0x3FBF] =	sst s2  }
0x8f: {  	_ = 	snop  }
0x90: {  	s2 =	sld [smem:$0x3FD0];
	_ =	sdelay $0x2  }
0x91: {  	s4 =	simm.s32 $0xB;
	s16 =	simm.s32 $0x10  }
0x92: {  	[smem:s16], [sflag:s4] =	dma.local [hbm:s2], $0x1  }
0x93: {  	_ =	swait.eq [sflag:s4], $0x1  }
0x94: {  	[sflag:s4] =	ssyncset.done $0x0  }
0x95: {  	s17 =	sld [smem:$0x11];
	[sflag:s4] =	ssyncadd.s32 $0xFFFFFFFF  }
0x96: {  	s18 =	sld [smem:$0x12];
	(tm) =	ssettm $0x1  }
0x97: {  	s19 =	sld [smem:$0x3FFB];
	_ =	sdelay $0x3  }
0x98: {  	_ =	strace s19  }
0x99: {  	s2 =	sld [smem:$0x3FFC];
	_ =	sdelay $0x3  }
0x9a: {  	_ =	strace s2  }
0x9b: {  	s2 =	sld [smem:$0x3FFD];
	_ =	sdelay $0x3  }
0x9c: {  	_ =	strace s2  }
0x9d: {  	_ =	strace $0x8FFFFFFF  }
0x9e: {  	s20 =	sld [smem:$0x3FDB];
	_ =	sdelay $0x1  }
0x9f: {  	s5 =	simm.s32 $_scs_section_size  }
0xa0: {  	s6 =	simm.s32 $_size__tile_overlayer_lowered;
	s7 =	simm.s32 $_tile_overlayer_lowered  }
0xa1: {  	s8 =	simm.s32 $0x1BFF;
	s21 =	sshll.u32 s7, $0x1;
	s5 =	sadd.s32 s5, s20  }
0xa2: {  	s22 =	simm.s32 $0x0;
	s6 =	sshll.u32 s6, $0x1;
	s7 =	sadd.s32 s21, s5  }
0xa3: {  	[timem:s22], [sflag:s8] =	dma.local [hbm:s7], s6  }
0xa4: {  	_ =	swait.ge [sflag:s8], s6  }
0xa5: {  	s6 =	ssub.s32 $0x0, s6;
	[sflag:s8] =	ssyncset.done $0x0  }
0xa6: {  	[sflag:s8] =	ssyncadd.s32 s6;
	_ =	sdelay $0x1  }
0xa7: {  	s23 =	simm.s32 $0x1B8B  }
0xa8: {  	_ =	swait.ge [sflag:s23], $0x1  }
0xa9: {  	[sflag:s23] =	ssyncset.done $0x0  }
0xaa: {  	[sflag:s23] =	ssyncadd.s32 $0xFFFFFFFF  }
0xab: {  	s6 =	sld [smem:$0x0]  }
0xac: {  	s7 =	sand.u32 $0xFFFFFFFE, s1  }
0xad: {  	p0 =	sne.s32 s1, s7  }
0xae: {  	s7 =	sshll.u32 @p0 s7, $0xE  }
0xaf: {  	s7 =	sadd.s32 @p0 $0x11B8D, s7;
	s8 =	sshll.u32 @p0 s6, $0x11  }
0xb0: {  	s7 =	sor.u32 @p0 s8, s7  }
0xb1: {  	[sflag:s7] =	ssyncadd.remote.s32 @p0 $0x1;
	_ =	sdelay $0x1  }
0xb2: {  	s7 =	simm.s32 @p0 $0x1B8D  }
0xb3: {  	_ =	swait.eq @p0 [sflag:s7], $0x1  }
0xb4: {  	[sflag:s7] =	ssyncadd.s32 @p0 $0xFFFFFFFF  }
0xb5: {  	s8 =	sshll.u32 @!p0 s1, $0xE  }
0xb6: {  	s8 =	sor.u32 @!p0 $0x4000, s8;
	s7 =	simm.s32 @!p0 $0x1B8D  }
0xb7: {  	s6 =	sshll.u32 @!p0 s6, $0x11;
	s8 =	sadd.s32 @!p0 $0x11B8D, s8;
	_ =	swait.eq @!p0 [sflag:s7], $0x1  }
0xb8: {  	s6 =	sor.u32 @!p0 s6, s8;
	[sflag:s7] =	ssyncadd.s32 @!p0 $0xFFFFFFFF  }
0xb9: {  	s25 =	simm.s32 $0x1B8E;
	s24 =	sld [smem:$0x3FFE];
	[sflag:s6] =	ssyncadd.remote.s32 @!p0 $0x1  }
0xba: {  	s26 =	simm.s32 $execute0_lowered;
	[smem:$0x3FD2] =	sst s25  }
0xbb: {  	s7 =	sshll.u32 s26, $0x1;
	_ =	strace $0x8000004C;
	[dreg:$0x1] =	wrdreg $0xFFFFFFFF  }
0xbc: {  	s28 =	simm.s32 $_size_execute0_lowered;
	s5 =	sadd.s32 s5, s7;
	[dreg:$0x0] =	wrdreg $0x0  }
0xbd: {  	s7 =	sshll.u32 s28, $0x1;
	[dreg:$0x2] =	wrdreg s5  }
0xbe: {  	[dreg:$0x3] =	wrdreg s7  }
0xbf: {  	[dreg:$0x4] =	wrdreg $0xC0  }
0xc0: {  	_ =	task [dreg:s22], $0x5FFFF  }
0xc1: {  	[dreg:$0x1] =	wrdreg $0xFFFFFFFF  }
0xc2: {  	[dreg:$0x0] =	wrdreg $0x60  }
0xc3: {  	[dreg:$0x2] =	wrdreg s18  }
0xc4: {  	[dreg:$0x3] =	wrdreg s17  }
0xc5: {  	[dreg:$0x4] =	wrdreg s24  }
0xc6: {  	[dreg:$0x5] =	wrdreg $0x0  }
0xc7: {  	[dreg:$0x6] =	wrdreg $0x27100  }
0xc8: {  	[dreg:$0x7] =	wrdreg $0x9  }
0xc9: {  	_ =	task.clear_ibuf [dreg:s22], $0x8FFFF;
	_ =	strace $0x9000004C  }
0xca: {  	s29 =	simm.s32 $0x9;
	_ =	strace $0x8000004E  }
0xcb: {  	_ =	swait.ge [sflag:s29], $0x1  }
0xcc: {  	[sflag:s29] =	ssyncadd.s32 $0xFFFFFFFF  }
0xcd: {  	_ =	strace $0x9000004E  }
0xce: {  	_ =	sfence  }
0xcf: {  	s30 =	sld [smem:$0x0];
	_ =	sdelay $0x2  }
0xd0: {  	s31 =	sshll.u32 s1, $0xD;
	s1 =	sshrl.u32 s1, $0x2  }
0xd1: {  	s4 =	sand.u32 $0x4000, s31;
	s1 =	sadd.s32 s1, s30  }
0xd2: {  	s0 =	sor.u32 s4, s0;
	s1 =	sshll.u32 s1, $0x11  }
0xd3: {  	s0 =	sor.u32 s1, s0  }
0xd4: {  	s0 =	sadd.s32 $0x8F2B, s0  }
0xd5: {  	[sflag:s0] =	ssyncadd.remote.s32 $0x1  }
0xd6: {  	_ =	sfence.sel $0xFFFF  }
0xd7: {  	[dreg:$0x0] =	wrdreg $0xFFFFFFFF;
	(pc) =	sbr.abs _section_cstart, $3  }
0xd8: {  	[dreg:$0x1] =	wrdreg $0xFFFFFFFF  }
0xd9: {  	_ =	task.clear_ibuf [dreg:s22], $0x2FFFF;
	_ =	strace $0x9FFFFFFF  }
0xda: {  	(tm) =	ssettm $0x7FFFFFFF  }
0xdb: {  	_ =	shalt  }
tec
execute0_lowered:
.L_overlay_start_1:
0x0: {  	(tag) =	ssettag $0x1  }
0x1: {  	s18 =	rddreg [dreg:$0x0]  }
0x2: {  	s21 =	rddreg [dreg:$0x1]  }
0x3: {  	s25 =	rddreg [dreg:$0x2]  }
0x4: {  	s1 =	rddreg [dreg:$0x3]  }
0x5: {  	s2 =	rddreg [dreg:$0x4]  }
0x6: {  	s0 =	rddreg [dreg:$0x5];
	s3 =	simm.s32 $0x0  }
0x7: {  	s11 =	stileid.u32;
	s5 =	simm.s32 $0x9088;
	[smem:$0x7FF] =	sst s3  }
0x8: {  	s6 =	simm.s32 $0x1;
	s4 =	sadd.s32 $0x32A00, s25;
	_ =	strace $0x8000004D  }
0x9: {  	[tilespmem:s5], [sflag:$0x1] =	stream.linear.gather [hbm4b:s4+s3], $0x3E80, $0x38;
	[tilespmem:$0xCF08] =	vst v63  }
0xa: {  	s12 =	srdreg.scid;
	p0 =	sne.s32 s11, $0x0;
	_ =	swait.ge [sflag:s6], $0x3E80  }
0xb: {  	s7 =	sadd.s32 $0x2DA00, s25;
	s8 =	simm.s32 @!p0 $0x1;
	[sflag:s6] =	ssyncset.done $0x0  }
0xc: {  	s9 =	sshrl.u32 @!p0 s1, $0x3;
	s10 =	simm.s32 @!p0 $0x1C01;
	[sflag:s6] =	ssyncadd.s32 $0xFFFFC180  }
0xd: {  	[spmem:s9], [sflag:s10] =	dma.local @!p0 [hbm:s7], $0x4E20  }
0xe: {  	s26 =	sand.u32 $0x1, s12;
	s11 =	sshll.u32 s11, $0x1;
	_ =	swait.ge @!p0 [sflag:s8], $0x4E20  }
0xf: {  	s19 =	sor.u32 s26, s11;
	[sflag:s8] =	ssyncset.done @!p0 $0x0  }
0x10: {  	s11 =	sshrl.u32 @!p0 s2, $0x3;
	s22 =	smul.u32 $0x1388, s19;
	[sflag:s8] =	ssyncadd.s32 @!p0 $0xFFFFB1E0  }
0x11: {  	[spmem:s11], [sflag:s10] =	dma.local @!p0 [hbm:s7], $0x4E20  }
0x12: {  	_ =	swait.ge @!p0 [sflag:s8], $0x4E20  }
0x13: {  	s31 =	sshrl.u32 s22, $0x3;
	[sflag:s8] =	ssyncset.done @!p0 $0x0  }
0x14: {  	s23 =	sadd.s32 s21, s31;
	[sflag:s8] =	ssyncadd.s32 @!p0 $0xFFFFB1E0  }
0x15: {  	s13 =	simm.s32 $0x4E20;
	s12 =	sadd.s32 $0x9C40, s23;
	[bflag:$0x0] =	sbarrier.arrive $0xFFFF  }
0x16: {  	[tilespmem:s13], [sflag:$0x1] =	stream.linear.gather [hbm4b:s12+s3], $0x3E8, $0x38;
	[tilespmem:$0xCF08] =	vst v63  }
0x17: {  	s14 =	smul.u32 $0x2710, s19;
	_ =	swait.ge [sflag:s6], $0x3E8  }
0x18: {  	[sflag:s6] =	ssyncset.done $0x0  }
0x19: {  	s15 =	simm.s32 $0x5208;
	s14 =	sadd.s32 s18, s14;
	[sflag:s6] =	ssyncadd.s32 $0xFFFFFC18  }
0x1a: {  	[tilespmem:s15], [sflag:$0x1] =	stream.linear.gather [hbm4b:s14+s3], $0x3E80, $0x38;
	[tilespmem:$0xCF08] =	vst v63  }
0x1b: {  	_ =	swait.ge [sflag:s6], $0x3E80  }
0x1c: {  	[sflag:s6] =	ssyncset.done $0x0  }
0x1d: {  	s16 =	simm.s32 $0x3E8;
	[sflag:s6] =	ssyncadd.s32 $0xFFFFC180  }
0x1e: {  	[spmem:s1] =	stream.indirect.scatter.add.f32 [tilespmem:s15], [sflag:$0x1], $0x10, s13, s16, $0xb8;
	[tilespmem:$0xCF08] =	vst v63  }
0x1f: {  	_ =	swait.ge [sflag:s6], $0x3E80  }
0x20: {  	[sflag:s6] =	ssyncset.done $0x0  }
0x21: {  	[sflag:s6] =	ssyncadd.s32 $0xFFFFC180  }
0x22: {  	[spmem:s2] =	stream.indirect.scatter.add.f32 [tilespmem:s5], [sflag:$0x1], $0x10, s13, s16, $0xb8;
	[tilespmem:$0xCF08] =	vst v63  }
0x23: {  	s17 =	sadd.s32 $0x4E5E8, s22;
	_ =	swait.ge [sflag:s6], $0x3E80  }
0x24: {  	s17 =	sshrl.u32 s17, $0x3;
	[sflag:s6] =	ssyncset.done $0x0  }
0x25: {  	s19 =	smul.u32 $0x13880, s19;
	s17 =	sadd.s32 s21, s17;
	[sflag:s6] =	ssyncadd.s32 $0xFFFFC180  }
0x26: {  	[tilespmem:s13], [sflag:$0x1] =	stream.linear.gather [hbm4b:s17+s3], $0x3E8, $0x38;
	[tilespmem:$0xCF08] =	vst v63  }
0x27: {  	s19 =	sshrl.u32 s19, $0x3;
	_ =	swait.ge [sflag:s6], $0x3E8  }
0x28: {  	s24 =	sadd.s32 s18, s19;
	[sflag:s6] =	ssyncset.done $0x0  }
0x29: {  	s18 =	sadd.s32 $0x7D0, s24;
	[sflag:s6] =	ssyncadd.s32 $0xFFFFFC18  }
0x2a: {  	[tilespmem:s15], [sflag:$0x1] =	stream.linear.gather [hbm4b:s18+s3], $0x3E80, $0x38;
	[tilespmem:$0xCF08] =	vst v63  }
0x2b: {  	_ =	swait.ge [sflag:s6], $0x3E80  }
0x2c: {  	[sflag:s6] =	ssyncset.done $0x0  }
0x2d: {  	[sflag:s6] =	ssyncadd.s32 $0xFFFFC180  }
0x2e: {  	[spmem:s1] =	stream.indirect.scatter.add.f32 [tilespmem:s15], [sflag:$0x1], $0x10, s13, s16, $0xb8;
	[tilespmem:$0xCF08] =	vst v63  }
0x2f: {  	_ =	swait.ge [sflag:s6], $0x3E80  }
0x30: {  	[sflag:s6] =	ssyncset.done $0x0  }
0x31: {  	[sflag:s6] =	ssyncadd.s32 $0xFFFFC180  }
0x32: {  	[spmem:s2] =	stream.indirect.scatter.add.f32 [tilespmem:s5], [sflag:$0x1], $0x10, s13, s16, $0xb8;
	[tilespmem:$0xCF08] =	vst v63  }
0x33: {  	_ =	swait.ge [sflag:s6], $0x3E80  }
0x34: {  	[sflag:s6] =	ssyncset.done $0x0  }
0x35: {  	s19 =	sadd.s32 $0x9D3A, s23;
	[sflag:s6] =	ssyncadd.s32 $0xFFFFC180  }
0x36: {  	[tilespmem:s13], [sflag:$0x1] =	stream.linear.gather [hbm4b:s19+s3], $0x3E8, $0x38;
	[tilespmem:$0xCF08] =	vst v63  }
0x37: {  	_ =	swait.ge [sflag:s6], $0x3E8  }
0x38: {  	[sflag:s6] =	ssyncset.done $0x0  }
0x39: {  	s20 =	sadd.s32 $0xFA0, s24;
	[sflag:s6] =	ssyncadd.s32 $0xFFFFFC18  }
0x3a: {  	[tilespmem:s15], [sflag:$0x1] =	stream.linear.gather [hbm4b:s20+s3], $0x3E80, $0x38;
	[tilespmem:$0xCF08] =	vst v63  }
0x3b: {  	_ =	swait.ge [sflag:s6], $0x3E80  }
0x3c: {  	[sflag:s6] =	ssyncset.done $0x0  }
0x3d: {  	[sflag:s6] =	ssyncadd.s32 $0xFFFFC180  }
0x3e: {  	[spmem:s1] =	stream.indirect.scatter.add.f32 [tilespmem:s15], [sflag:$0x1], $0x10, s13, s16, $0xb8;
	[tilespmem:$0xCF08] =	vst v63  }
0x3f: {  	_ =	swait.ge [sflag:s6], $0x3E80  }
0x40: {  	[sflag:s6] =	ssyncset.done $0x0  }
0x41: {  	[sflag:s6] =	ssyncadd.s32 $0xFFFFC180  }
0x42: {  	[spmem:s2] =	stream.indirect.scatter.add.f32 [tilespmem:s5], [sflag:$0x1], $0x10, s13, s16, $0xb8;
	[tilespmem:$0xCF08] =	vst v63  }
0x43: {  	s22 =	sadd.s32 $0x4EDB8, s22;
	_ =	swait.ge [sflag:s6], $0x3E80  }
0x44: {  	s22 =	sshrl.u32 s22, $0x3;
	[sflag:s6] =	ssyncset.done $0x0  }
0x45: {  	s21 =	sadd.s32 s21, s22;
	[sflag:s6] =	ssyncadd.s32 $0xFFFFC180  }
0x46: {  	[tilespmem:s13], [sflag:$0x1] =	stream.linear.gather [hbm4b:s21+s3], $0x3E8, $0x38;
	[tilespmem:$0xCF08] =	vst v63  }
0x47: {  	_ =	swait.ge [sflag:s6], $0x3E8  }
0x48: {  	[sflag:s6] =	ssyncset.done $0x0  }
0x49: {  	s22 =	sadd.s32 $0x1770, s24;
	[sflag:s6] =	ssyncadd.s32 $0xFFFFFC18  }
0x4a: {  	[tilespmem:s15], [sflag:$0x1] =	stream.linear.gather [hbm4b:s22+s3], $0x3E80, $0x38;
	[tilespmem:$0xCF08] =	vst v63  }
0x4b: {  	_ =	swait.ge [sflag:s6], $0x3E80  }
0x4c: {  	[sflag:s6] =	ssyncset.done $0x0  }
0x4d: {  	[sflag:s6] =	ssyncadd.s32 $0xFFFFC180  }
0x4e: {  	[spmem:s1] =	stream.indirect.scatter.add.f32 [tilespmem:s15], [sflag:$0x1], $0x10, s13, s16, $0xb8;
	[tilespmem:$0xCF08] =	vst v63  }
0x4f: {  	_ =	swait.ge [sflag:s6], $0x3E80  }
0x50: {  	[sflag:s6] =	ssyncset.done $0x0  }
0x51: {  	[sflag:s6] =	ssyncadd.s32 $0xFFFFC180  }
0x52: {  	[spmem:s2] =	stream.indirect.scatter.add.f32 [tilespmem:s5], [sflag:$0x1], $0x10, s13, s16, $0xb8;
	[tilespmem:$0xCF08] =	vst v63  }
0x53: {  	_ =	swait.ge [sflag:s6], $0x3E80  }
0x54: {  	[sflag:s6] =	ssyncset.done $0x0  }
0x55: {  	s23 =	sadd.s32 $0x9E34, s23;
	[sflag:s6] =	ssyncadd.s32 $0xFFFFC180  }
0x56: {  	[tilespmem:s13], [sflag:$0x1] =	stream.linear.gather [hbm4b:s23+s3], $0x3E8, $0x38;
	[tilespmem:$0xCF08] =	vst v63  }
0x57: {  	_ =	swait.ge [sflag:s6], $0x3E8  }
0x58: {  	[sflag:s6] =	ssyncset.done $0x0  }
0x59: {  	s24 =	sadd.s32 $0x1F40, s24;
	[sflag:s6] =	ssyncadd.s32 $0xFFFFFC18  }
0x5a: {  	[tilespmem:s15], [sflag:$0x1] =	stream.linear.gather [hbm4b:s24+s3], $0x3E80, $0x38;
	[tilespmem:$0xCF08] =	vst v63  }
0x5b: {  	_ =	swait.ge [sflag:s6], $0x3E80  }
0x5c: {  	[sflag:s6] =	ssyncset.done $0x0  }
0x5d: {  	[sflag:s6] =	ssyncadd.s32 $0xFFFFC180  }
0x5e: {  	[spmem:s1] =	stream.indirect.scatter.add.f32 [tilespmem:s15], [sflag:$0x1], $0x10, s13, s16, $0xb8;
	[tilespmem:$0xCF08] =	vst v63  }
0x5f: {  	_ =	swait.ge [sflag:s6], $0x3E80  }
0x60: {  	[sflag:s6] =	ssyncset.done $0x0  }
0x61: {  	s28 =	smul.u32 $0x4E20, s26;
	s26 =	ssub.s32 $0x2, s26;
	[sflag:s6] =	ssyncadd.s32 $0xFFFFC180  }
0x62: {  	[spmem:s2] =	stream.indirect.scatter.add.f32 [tilespmem:s5], [sflag:$0x1], $0x10, s13, s16, $0xb8;
	[tilespmem:$0xCF08] =	vst v63  }
0x63: {  	s29 =	sshrl.u32 s26, $0x1;
	_ =	swait.ge [sflag:s6], $0x3E80  }
0x64: {  	s28 =	sadd.s32 s28, s25;
	s26 =	ssub.s32 s26, s29;
	[sflag:s6] =	ssyncset.done $0x0  }
0x65: {  	s25 =	sadd.s32 $0x33200, s28;
	s29 =	smax.u32 s26, $0x1;
	[sflag:s6] =	ssyncadd.s32 $0xFFFFC180  }
0x66: {  	s26 =	sadd.s32 $0x3D000, s28;
	s28 =	sadd.s32 $0xFFFFFFFF, s29;
	[bflag:$0x0] =	sbarrier.arrive $0xFFFF  }
0x67: {  	[hbm:s25], [sflag:s10] =	dma.local @!p0 [spmem:s9], $0x4E20  }
0x68: {  	p1 =	sne.s32 s28, $0x0;
	_ =	swait.ge @!p0 [sflag:s8], $0x4E20  }
.Ltmp0:
0x69: {  	[sflag:s8] =	ssyncset.done @!p0 $0x0;
	(pc) =	sbr.rel @!p1 .LBB2_2-.Ltmp0, $4  }
0x6a: {  	[sflag:s8] =	ssyncadd.s32 @!p0 $0xFFFFB1E0  }
0x6b: {  	[hbm:s26], [sflag:s10] =	dma.local @!p0 [spmem:s11], $0x4E20  }
0x6c: {  	_ =	swait.ge @!p0 [sflag:s8], $0x4E20  }
0x6d: {  	[sflag:s8] =	ssyncset.done @!p0 $0x0  }
.LBB2_1:
0x6e: {  	s28 =	sadd.s32 $0xFFFFFFFF, s28;
	[sflag:s8] =	ssyncadd.s32 @!p0 $0xFFFFB1E0  }
0x6f: {  	[tilespmem:s5], [sflag:$0x1] =	stream.linear.gather [hbm4b:s4+s3], $0x3E80, $0x38;
	[tilespmem:$0xCF08] =	vst v63  }
0x70: {  	p1 =	sne.s32 s28, $0x0;
	_ =	swait.ge [sflag:s6], $0x3E80  }
0x71: {  	[sflag:s6] =	ssyncset.done $0x0  }
0x72: {  	[sflag:s6] =	ssyncadd.s32 $0xFFFFC180  }
0x73: {  	[spmem:s9], [sflag:s10] =	dma.local @!p0 [hbm:s7], $0x4E20  }
0x74: {  	_ =	swait.ge @!p0 [sflag:s8], $0x4E20  }
0x75: {  	[sflag:s8] =	ssyncset.done @!p0 $0x0  }
0x76: {  	[sflag:s8] =	ssyncadd.s32 @!p0 $0xFFFFB1E0  }
0x77: {  	[spmem:s11], [sflag:s10] =	dma.local @!p0 [hbm:s7], $0x4E20  }
0x78: {  	_ =	swait.ge @!p0 [sflag:s8], $0x4E20  }
0x79: {  	[sflag:s8] =	ssyncset.done @!p0 $0x0  }
0x7a: {  	[sflag:s8] =	ssyncadd.s32 @!p0 $0xFFFFB1E0  }
0x7b: {  	[bflag:$0x0] =	sbarrier.arrive $0xFFFF  }
0x7c: {  	[tilespmem:s13], [sflag:$0x1] =	stream.linear.gather [hbm4b:s12+s3], $0x3E8, $0x38;
	[tilespmem:$0xCF08] =	vst v63  }
0x7d: {  	_ =	swait.ge [sflag:s6], $0x3E8  }
0x7e: {  	[sflag:s6] =	ssyncset.done $0x0  }
0x7f: {  	[sflag:s6] =	ssyncadd.s32 $0xFFFFFC18  }
0x80: {  	[tilespmem:s15], [sflag:$0x1] =	stream.linear.gather [hbm4b:s14+s3], $0x3E80, $0x38;
	[tilespmem:$0xCF08] =	vst v63  }
0x81: {  	_ =	swait.ge [sflag:s6], $0x3E80  }
0x82: {  	[sflag:s6] =	ssyncset.done $0x0  }
0x83: {  	[sflag:s6] =	ssyncadd.s32 $0xFFFFC180  }
0x84: {  	[spmem:s1] =	stream.indirect.scatter.add.f32 [tilespmem:s15], [sflag:$0x1], $0x10, s13, s16, $0xb8;
	[tilespmem:$0xCF08] =	vst v63  }
0x85: {  	_ =	swait.ge [sflag:s6], $0x3E80  }
0x86: {  	[sflag:s6] =	ssyncset.done $0x0  }
0x87: {  	[sflag:s6] =	ssyncadd.s32 $0xFFFFC180  }
0x88: {  	[spmem:s2] =	stream.indirect.scatter.add.f32 [tilespmem:s5], [sflag:$0x1], $0x10, s13, s16, $0xb8;
	[tilespmem:$0xCF08] =	vst v63  }
0x89: {  	_ =	swait.ge [sflag:s6], $0x3E80  }
0x8a: {  	[sflag:s6] =	ssyncset.done $0x0  }
0x8b: {  	[sflag:s6] =	ssyncadd.s32 $0xFFFFC180  }
0x8c: {  	[tilespmem:s13], [sflag:$0x1] =	stream.linear.gather [hbm4b:s17+s3], $0x3E8, $0x38;
	[tilespmem:$0xCF08] =	vst v63  }
0x8d: {  	_ =	swait.ge [sflag:s6], $0x3E8  }
0x8e: {  	[sflag:s6] =	ssyncset.done $0x0  }
0x8f: {  	[sflag:s6] =	ssyncadd.s32 $0xFFFFFC18  }
0x90: {  	[tilespmem:s15], [sflag:$0x1] =	stream.linear.gather [hbm4b:s18+s3], $0x3E80, $0x38;
	[tilespmem:$0xCF08] =	vst v63  }
0x91: {  	_ =	swait.ge [sflag:s6], $0x3E80  }
0x92: {  	[sflag:s6] =	ssyncset.done $0x0  }
0x93: {  	[sflag:s6] =	ssyncadd.s32 $0xFFFFC180  }
0x94: {  	[spmem:s1] =	stream.indirect.scatter.add.f32 [tilespmem:s15], [sflag:$0x1], $0x10, s13, s16, $0xb8;
	[tilespmem:$0xCF08] =	vst v63  }
0x95: {  	_ =	swait.ge [sflag:s6], $0x3E80  }
0x96: {  	[sflag:s6] =	ssyncset.done $0x0  }
0x97: {  	[sflag:s6] =	ssyncadd.s32 $0xFFFFC180  }
0x98: {  	[spmem:s2] =	stream.indirect.scatter.add.f32 [tilespmem:s5], [sflag:$0x1], $0x10, s13, s16, $0xb8;
	[tilespmem:$0xCF08] =	vst v63  }
0x99: {  	_ =	swait.ge [sflag:s6], $0x3E80  }
0x9a: {  	[sflag:s6] =	ssyncset.done $0x0  }
0x9b: {  	[sflag:s6] =	ssyncadd.s32 $0xFFFFC180  }
0x9c: {  	[tilespmem:s13], [sflag:$0x1] =	stream.linear.gather [hbm4b:s19+s3], $0x3E8, $0x38;
	[tilespmem:$0xCF08] =	vst v63  }
0x9d: {  	_ =	swait.ge [sflag:s6], $0x3E8  }
0x9e: {  	[sflag:s6] =	ssyncset.done $0x0  }
0x9f: {  	[sflag:s6] =	ssyncadd.s32 $0xFFFFFC18  }
0xa0: {  	[tilespmem:s15], [sflag:$0x1] =	stream.linear.gather [hbm4b:s20+s3], $0x3E80, $0x38;
	[tilespmem:$0xCF08] =	vst v63  }
0xa1: {  	_ =	swait.ge [sflag:s6], $0x3E80  }
0xa2: {  	[sflag:s6] =	ssyncset.done $0x0  }
0xa3: {  	[sflag:s6] =	ssyncadd.s32 $0xFFFFC180  }
0xa4: {  	[spmem:s1] =	stream.indirect.scatter.add.f32 [tilespmem:s15], [sflag:$0x1], $0x10, s13, s16, $0xb8;
	[tilespmem:$0xCF08] =	vst v63  }
0xa5: {  	_ =	swait.ge [sflag:s6], $0x3E80  }
0xa6: {  	[sflag:s6] =	ssyncset.done $0x0  }
0xa7: {  	[sflag:s6] =	ssyncadd.s32 $0xFFFFC180  }
0xa8: {  	[spmem:s2] =	stream.indirect.scatter.add.f32 [tilespmem:s5], [sflag:$0x1], $0x10, s13, s16, $0xb8;
	[tilespmem:$0xCF08] =	vst v63  }
0xa9: {  	_ =	swait.ge [sflag:s6], $0x3E80  }
0xaa: {  	[sflag:s6] =	ssyncset.done $0x0  }
0xab: {  	[sflag:s6] =	ssyncadd.s32 $0xFFFFC180  }
0xac: {  	[tilespmem:s13], [sflag:$0x1] =	stream.linear.gather [hbm4b:s21+s3], $0x3E8, $0x38;
	[tilespmem:$0xCF08] =	vst v63  }
0xad: {  	_ =	swait.ge [sflag:s6], $0x3E8  }
0xae: {  	[sflag:s6] =	ssyncset.done $0x0  }
0xaf: {  	[sflag:s6] =	ssyncadd.s32 $0xFFFFFC18  }
0xb0: {  	[tilespmem:s15], [sflag:$0x1] =	stream.linear.gather [hbm4b:s22+s3], $0x3E80, $0x38;
	[tilespmem:$0xCF08] =	vst v63  }
0xb1: {  	_ =	swait.ge [sflag:s6], $0x3E80  }
0xb2: {  	[sflag:s6] =	ssyncset.done $0x0  }
0xb3: {  	[sflag:s6] =	ssyncadd.s32 $0xFFFFC180  }
0xb4: {  	[spmem:s1] =	stream.indirect.scatter.add.f32 [tilespmem:s15], [sflag:$0x1], $0x10, s13, s16, $0xb8;
	[tilespmem:$0xCF08] =	vst v63  }
0xb5: {  	_ =	swait.ge [sflag:s6], $0x3E80  }
0xb6: {  	[sflag:s6] =	ssyncset.done $0x0  }
0xb7: {  	[sflag:s6] =	ssyncadd.s32 $0xFFFFC180  }
0xb8: {  	[spmem:s2] =	stream.indirect.scatter.add.f32 [tilespmem:s5], [sflag:$0x1], $0x10, s13, s16, $0xb8;
	[tilespmem:$0xCF08] =	vst v63  }
0xb9: {  	_ =	swait.ge [sflag:s6], $0x3E80  }
0xba: {  	[sflag:s6] =	ssyncset.done $0x0  }
0xbb: {  	[sflag:s6] =	ssyncadd.s32 $0xFFFFC180  }
0xbc: {  	[tilespmem:s13], [sflag:$0x1] =	stream.linear.gather [hbm4b:s23+s3], $0x3E8, $0x38;
	[tilespmem:$0xCF08] =	vst v63  }
0xbd: {  	_ =	swait.ge [sflag:s6], $0x3E8  }
0xbe: {  	[sflag:s6] =	ssyncset.done $0x0  }
0xbf: {  	[sflag:s6] =	ssyncadd.s32 $0xFFFFFC18  }
0xc0: {  	[tilespmem:s15], [sflag:$0x1] =	stream.linear.gather [hbm4b:s24+s3], $0x3E80, $0x38;
	[tilespmem:$0xCF08] =	vst v63  }
0xc1: {  	_ =	swait.ge [sflag:s6], $0x3E80  }
0xc2: {  	[sflag:s6] =	ssyncset.done $0x0  }
0xc3: {  	[sflag:s6] =	ssyncadd.s32 $0xFFFFC180  }
0xc4: {  	[spmem:s1] =	stream.indirect.scatter.add.f32 [tilespmem:s15], [sflag:$0x1], $0x10, s13, s16, $0xb8;
	[tilespmem:$0xCF08] =	vst v63  }
0xc5: {  	_ =	swait.ge [sflag:s6], $0x3E80  }
0xc6: {  	[sflag:s6] =	ssyncset.done $0x0  }
0xc7: {  	[sflag:s6] =	ssyncadd.s32 $0xFFFFC180  }
0xc8: {  	[spmem:s2] =	stream.indirect.scatter.add.f32 [tilespmem:s5], [sflag:$0x1], $0x10, s13, s16, $0xb8;
	[tilespmem:$0xCF08] =	vst v63  }
0xc9: {  	_ =	swait.ge [sflag:s6], $0x3E80  }
0xca: {  	[sflag:s6] =	ssyncset.done $0x0  }
0xcb: {  	[sflag:s6] =	ssyncadd.s32 $0xFFFFC180  }
0xcc: {  	[bflag:$0x0] =	sbarrier.arrive $0xFFFF  }
0xcd: {  	[hbm:s25], [sflag:s10] =	dma.local @!p0 [spmem:s9], $0x4E20  }
0xce: {  	_ =	swait.ge @!p0 [sflag:s8], $0x4E20  }
.Ltmp1:
0xcf: {  	[sflag:s8] =	ssyncset.done @!p0 $0x0;
	(pc) =	sbr.rel @p1 .LBB2_1-.Ltmp1, $4  }
0xd0: {  	[sflag:s8] =	ssyncadd.s32 @!p0 $0xFFFFB1E0  }
0xd1: {  	[hbm:s26], [sflag:s10] =	dma.local @!p0 [spmem:s11], $0x4E20  }
0xd2: {  	_ =	swait.ge @!p0 [sflag:s8], $0x4E20  }
0xd3: {  	[sflag:s8] =	ssyncset.done @!p0 $0x0  }
.LBB2_2:
0xd4: {  	[sflag:s8] =	ssyncadd.s32 @!p0 $0xFFFFB1E0  }
0xd5: {  	_ =	sfence.sel $0x180000  }
0xd6: {  	[bflag:$0x0] =	sbarrier.arrive $0xFFFF  }
0xd7: {  	_ =	strace $0x9000004D  }
0xd8: {  	s0 =	sadd.s32 @!p0 $0x100000, s0;
	[bflag:$0x2] =	sbarrier.arrive $0xFFFF  }
0xd9: {  	[sflag:s0] =	ssyncadd.tile.s32 @!p0 $0x1;
	_ =	shalt  }
.Lfunc_end2:
_tile_overlayer_lowered:
.L_overlay_start_2:
0xda: {  	(tag) =	ssettag $0x2  }
0xdb: {  	s0 =	rddreg [dreg:$0x0];
	s2 =	stileid.u32  }
0xdc: {  	s1 =	rddreg [dreg:$0x1];
	p0 =	sne.s32 s2, $0x0  }
0xdd: {  	s3 =	rddreg [dreg:$0x2];
	[bflag:$0x3] =	sbarrier.arrive $0xFFFF;
	s2 =	simm.s32 @!p0 $0x1C01  }
0xde: {  	[timem:s3], [sflag:s2] =	dma.local @!p0 [hbm:s0], s1  }
0xdf: {  	s0 =	simm.s32 @!p0 $0x1  }
0xe0: {  	_ =	swait.ge @!p0 [sflag:s0], s1  }
0xe1: {  	s1 =	ssub.s32 @!p0 $0x0, s1;
	[sflag:s0] =	ssyncset.done @!p0 $0x0  }
0xe2: {  	[sflag:s0] =	ssyncadd.s32 @!p0 s1  }
0xe3: {  	[bflag:$0x3] =	sbarrier.arrive $0xFFFF  }
0xe4: {  	_ =	shalt  }

// kernel: kernel.15.cloned.1.call-start
scs
__scs_entry_jumppad:
0x0: {  	(pc) =	sbr.rel $0x88, $3  }
0x1: {  	(tag) =	ssettag $0x0;
	lr =	simm.s32 $0x1  }
0x2: {  	[smem:$0x3F98] =	sst lr;
	_ =	strace $0xD0000000  }
0x3: {  	_ = 	snop  }
0x4: {  	_ = 	snop  }
0x5: {  	_ = 	snop  }
0x6: {  	_ = 	snop  }
0x7: {  	_ = 	snop  }
__scs_overlays_trampoline_lowered:
0x8: {  	[smem:$0x3FA7] =	sst s0  }
0x9: {  	[smem:$0x3FA8] =	sst s1  }
0xa: {  	[smem:$0x3FA9] =	sst s2  }
0xb: {  	[smem:$0x3FAA] =	sst s3  }
0xc: {  	[smem:$0x3FAB] =	sst s4  }
0xd: {  	[smem:$0x3FAC] =	sst s5  }
0xe: {  	[smem:$0x3FAD] =	sst s6  }
0xf: {  	[smem:$0x3FAE] =	sst s7  }
0x10: {  	[smem:$0x3FAF] =	sst s8  }
0x11: {  	[smem:$0x3FB0] =	sst s9;
	s0 =	simm.s32 @!p0 $0x0  }
0x12: {  	s1 =	sld [smem:$0x3F96];
	s0 =	simm.s32 @p0 $0x1  }
0x13: {  	[smem:$0x3FB1] =	sst s0;
	s0 =	simm.s32 @!p1 $0x0  }
0x14: {  	s2 =	sld [smem:$0x3F95];
	s0 =	simm.s32 @p1 $0x1  }
0x15: {  	[smem:$0x3FB2] =	sst s0;
	s0 =	simm.s32 @!p2 $0x0  }
0x16: {  	s3 =	sld [smem:$0x3FDB];
	s0 =	simm.s32 @p2 $0x1  }
0x17: {  	s4 =	simm.s32 $0x1BF5;
	[smem:$0x3FB4] =	sst s0  }
0x18: {  	s0 =	sld [smem:$0x3F97];
	_ =	swait.ge [sflag:s4], $0x0  }
0x19: {  	s7 =	sld [smem:$0x3F98]  }
0x1a: {  	s8 =	sadd.s32 $0xFFFFE003, lr  }
0x1b: {  	s9 =	sadd.s32 $0xFFFFFEF7, lr;
	s5 =	simm.s32 $0xFFFFFFFF;
	p2 =	slt.u32 s8, $0xFFFFF086  }
0x1c: {  	p1 =	slt.u32 s9, $0xF7A;
	s5 =	simm.s32 @!p2 $0x0  }
0x1d: {  	s5 =	simm.s32 @p1 $0x1;
	p0 =	seq.s32 s7, s2  }
0x1e: {  	s7 =	smul.u32 @!p0 $0xF7A, s2;
	p2 =	seq.s32 @!p0 s5, $0x0  }
0x1f: {  	s9 =	smul.u32 $0xF7A, s1;
	s8 =	simm.s32 @!p0 $0x1BF5;
	p2 =	por !p2, p0  }
0x20: {  	[sflag:s8] =	ssyncset.s32 @!p0 $0xFFFFF086;
	s6 =	sadd.s32 @!p0 s3, s7;
	s7 =	simm.s32 @!p0 $0x108  }
0x21: {  	s3 =	sadd.s32 s3, s9;
	s6 =	sadd.s32 @!p0 $0x88, s6;
	s7 =	simm.s32 @p2 $0x1082  }
0x22: {  	[simem:s7], [sflag:s8] =	dma.local @!p0 [hbm:s6], $0xF7A  }
0x23: {  	s9 =	sor.u32 $0xD0000000, s2;
	s6 =	simm.s32 $0x108;
	_ =	swait.ge @!p0 [sflag:s8], $0x0  }
0x24: {  	s3 =	sadd.s32 $0x88, s3;
	s6 =	simm.s32 @!p1 $0x1082;
	[sflag:s4] =	ssyncset.s32 $0xFFFFF086  }
0x25: {  	[simem:s6], [sflag:s4] =	dma.local [hbm:s3], $0xF7A  }
0x26: {  	[smem:$0x3F98] =	sst s1;
	(tag) =	ssettag s2;
	_ =	strace s9  }
0x27: {  	s1 =	sld [smem:$0x3FA8]  }
0x28: {  	s2 =	sld [smem:$0x3FA9]  }
0x29: {  	s4 =	sld [smem:$0x3FAB]  }
0x2a: {  	p0 =	seq.s32 s5, $0x0;
	s5 =	sld [smem:$0x3FAC]  }
0x2b: {  	s6 =	sld [smem:$0x3FAD]  }
0x2c: {  	s7 =	sld [smem:$0x3FAE]  }
0x2d: {  	s3 =	simm.s32 $0x108;
	s8 =	sld [smem:$0x3FAF]  }
0x2e: {  	s3 =	simm.s32 @!p0 $0x1082;
	s9 =	sld [smem:$0x3FB0]  }
0x2f: {  	lr =	sadd.s32 s0, s3;
	s0 =	sld [smem:$0x3FA7]  }
0x30: {  	s3 =	sld [smem:$0x3FAA]  }
0x31: {  	[smem:$0x3FB3] =	sst s10  }
0x32: {  	s10 =	sld [smem:$0x3FB1];
	_ =	sdelay $0x3  }
0x33: {  	p0 =	seq.s32 s10, $0x1;
	s10 =	sld [smem:$0x3FB3];
	_ =	sdelay $0x3  }
0x34: {  	[smem:$0x3FB3] =	sst s10  }
0x35: {  	s10 =	sld [smem:$0x3FB2];
	_ =	sdelay $0x3  }
0x36: {  	p1 =	seq.s32 s10, $0x1;
	s10 =	sld [smem:$0x3FB3];
	_ =	sdelay $0x3  }
0x37: {  	[smem:$0x3FB3] =	sst s10  }
0x38: {  	s10 =	sld [smem:$0x3FB4]  }
0x39: {  	_ = 	snop;
	(pc) =	sbr.ind lr, $3  }
0x3a: {  	_ = 	snop  }
0x3b: {  	_ = 	snop  }
0x3c: {  	p2 =	seq.s32 s10, $0x1;
	s10 =	sld [smem:$0x3FB3]  }
0x3d: {  	_ =	shalt  }
0x3e: {  	_ =	shalt  }
0x3f: {  	_ =	shalt  }
0x40: {  	_ =	shalt  }
0x41: {  	_ =	shalt  }
0x42: {  	_ =	shalt  }
0x43: {  	_ =	shalt  }
0x44: {  	_ =	shalt  }
0x45: {  	_ =	shalt  }
0x46: {  	_ =	shalt  }
0x47: {  	_ =	shalt  }
0x48: {  	_ =	shalt  }
0x49: {  	_ =	shalt  }
0x4a: {  	_ =	shalt  }
0x4b: {  	_ =	shalt  }
0x4c: {  	_ =	shalt  }
0x4d: {  	_ =	shalt  }
0x4e: {  	_ =	shalt  }
0x4f: {  	_ =	shalt  }
0x50: {  	_ =	shalt  }
0x51: {  	_ =	shalt  }
0x52: {  	_ =	shalt  }
0x53: {  	_ =	shalt  }
0x54: {  	_ =	shalt  }
0x55: {  	_ =	shalt  }
0x56: {  	_ =	shalt  }
0x57: {  	_ =	shalt  }
0x58: {  	_ =	shalt  }
0x59: {  	_ =	shalt  }
0x5a: {  	_ =	shalt  }
0x5b: {  	_ =	shalt  }
0x5c: {  	_ =	shalt  }
0x5d: {  	_ =	shalt  }
0x5e: {  	_ =	shalt  }
0x5f: {  	_ =	shalt  }
0x60: {  	_ =	shalt  }
0x61: {  	_ =	shalt  }
0x62: {  	_ =	shalt  }
0x63: {  	_ =	shalt  }
0x64: {  	_ =	shalt  }
0x65: {  	_ =	shalt  }
0x66: {  	_ =	shalt  }
0x67: {  	_ =	shalt  }
0x68: {  	_ =	shalt  }
0x69: {  	_ =	shalt  }
0x6a: {  	_ =	shalt  }
0x6b: {  	_ =	shalt  }
0x6c: {  	_ =	shalt  }
0x6d: {  	_ =	shalt  }
0x6e: {  	_ =	shalt  }
0x6f: {  	_ =	shalt  }
0x70: {  	_ =	shalt  }
0x71: {  	_ =	shalt  }
0x72: {  	_ =	shalt  }
0x73: {  	_ =	shalt  }
0x74: {  	_ =	shalt  }
0x75: {  	_ =	shalt  }
0x76: {  	_ =	shalt  }
0x77: {  	_ =	shalt  }
0x78: {  	_ =	shalt  }
0x79: {  	_ =	shalt  }
0x7a: {  	_ =	shalt  }
0x7b: {  	_ =	shalt  }
0x7c: {  	_ =	shalt  }
0x7d: {  	_ =	shalt  }
0x7e: {  	_ =	shalt  }
0x7f: {  	_ =	shalt  }
0x80: {  	_ =	shalt  }
0x81: {  	_ =	shalt  }
0x82: {  	_ =	shalt  }
0x83: {  	_ =	shalt  }
0x84: {  	_ =	shalt  }
0x85: {  	_ =	shalt  }
0x86: {  	_ =	shalt  }
0x87: {  	_ =	shalt  }
.Lfunc_end0:
.L_simem_size_0:
called_computation.2_lowered:
.L_overlay_start_0:
0x88: {  	s2 =	sld [smem:$0x3FD9]  }
0x89: {  	s3 =	sld [smem:$0x3FFE];
	_ =	sdelay $0x1  }
0x8a: {  	s1 =	srdreg.scid  }
0x8b: {  	s0 =	sand.u32 $0x1, s1  }
0x8c: {  	s15 =	sshll.u32 s0, $0xA;
	s2 =	sadd.s32 s3, s2  }
0x8d: {  	s2 =	sadd.s32 s2, s15  }
0x8e: {  	[smem:$0x3FBF] =	sst s2  }
0x8f: {  	_ = 	snop  }
0x90: {  	s2 =	sld [smem:$0x3FD0];
	_ =	sdelay $0x2  }
0x91: {  	s4 =	simm.s32 $0xB;
	s16 =	simm.s32 $0x10  }
0x92: {  	[smem:s16], [sflag:s4] =	dma.local [hbm:s2], $0x1  }
0x93: {  	_ =	swait.eq [sflag:s4], $0x1  }
0x94: {  	[sflag:s4] =	ssyncset.done $0x0  }
0x95: {  	s17 =	sld [smem:$0x10];
	[sflag:s4] =	ssyncadd.s32 $0xFFFFFFFF  }
0x96: {  	s18 =	sld [smem:$0x11];
	(tm) =	ssettm $0x1  }
0x97: {  	s19 =	sld [smem:$0x3FFB];
	_ =	sdelay $0x3  }
0x98: {  	_ =	strace s19  }
0x99: {  	s2 =	sld [smem:$0x3FFC];
	_ =	sdelay $0x3  }
0x9a: {  	_ =	strace s2  }
0x9b: {  	s2 =	sld [smem:$0x3FFD];
	_ =	sdelay $0x3  }
0x9c: {  	_ =	strace s2  }
0x9d: {  	_ =	strace $0x8FFFFFFF  }
0x9e: {  	s20 =	sld [smem:$0x3FDB];
	_ =	sdelay $0x1  }
0x9f: {  	s5 =	simm.s32 $_scs_section_size  }
0xa0: {  	s6 =	simm.s32 $_size__tile_overlayer_lowered;
	s7 =	simm.s32 $_tile_overlayer_lowered  }
0xa1: {  	s8 =	simm.s32 $0x1BFF;
	s21 =	sshll.u32 s7, $0x1;
	s5 =	sadd.s32 s5, s20  }
0xa2: {  	s22 =	simm.s32 $0x0;
	s6 =	sshll.u32 s6, $0x1;
	s7 =	sadd.s32 s21, s5  }
0xa3: {  	[timem:s22], [sflag:s8] =	dma.local [hbm:s7], s6  }
0xa4: {  	_ =	swait.ge [sflag:s8], s6  }
0xa5: {  	s6 =	ssub.s32 $0x0, s6;
	[sflag:s8] =	ssyncset.done $0x0  }
0xa6: {  	[sflag:s8] =	ssyncadd.s32 s6;
	_ =	sdelay $0x1  }
0xa7: {  	s23 =	simm.s32 $0x1B8B  }
0xa8: {  	_ =	swait.ge [sflag:s23], $0x1  }
0xa9: {  	[sflag:s23] =	ssyncset.done $0x0  }
0xaa: {  	[sflag:s23] =	ssyncadd.s32 $0xFFFFFFFF  }
0xab: {  	s6 =	sld [smem:$0x0]  }
0xac: {  	s7 =	sand.u32 $0xFFFFFFFE, s1  }
0xad: {  	p0 =	sne.s32 s1, s7  }
0xae: {  	s7 =	sshll.u32 @p0 s7, $0xE  }
0xaf: {  	s7 =	sadd.s32 @p0 $0x11B8D, s7;
	s8 =	sshll.u32 @p0 s6, $0x11  }
0xb0: {  	s7 =	sor.u32 @p0 s8, s7  }
0xb1: {  	[sflag:s7] =	ssyncadd.remote.s32 @p0 $0x1;
	_ =	sdelay $0x1  }
0xb2: {  	s7 =	simm.s32 @p0 $0x1B8D  }
0xb3: {  	_ =	swait.eq @p0 [sflag:s7], $0x1  }
0xb4: {  	[sflag:s7] =	ssyncadd.s32 @p0 $0xFFFFFFFF  }
0xb5: {  	s8 =	sshll.u32 @!p0 s1, $0xE  }
0xb6: {  	s8 =	sor.u32 @!p0 $0x4000, s8;
	s7 =	simm.s32 @!p0 $0x1B8D  }
0xb7: {  	s6 =	sshll.u32 @!p0 s6, $0x11;
	s8 =	sadd.s32 @!p0 $0x11B8D, s8;
	_ =	swait.eq @!p0 [sflag:s7], $0x1  }
0xb8: {  	s6 =	sor.u32 @!p0 s6, s8;
	[sflag:s7] =	ssyncadd.s32 @!p0 $0xFFFFFFFF  }
0xb9: {  	s25 =	simm.s32 $0x1B8E;
	s24 =	sld [smem:$0x3FFE];
	[sflag:s6] =	ssyncadd.remote.s32 @!p0 $0x1  }
0xba: {  	s26 =	simm.s32 $execute0_lowered;
	[smem:$0x3FD2] =	sst s25  }
0xbb: {  	s7 =	sshll.u32 s26, $0x1;
	_ =	strace $0x80000049;
	[dreg:$0x1] =	wrdreg $0xFFFFFFFF  }
0xbc: {  	s28 =	simm.s32 $_size_execute0_lowered;
	s5 =	sadd.s32 s5, s7;
	[dreg:$0x0] =	wrdreg $0x0  }
0xbd: {  	s7 =	sshll.u32 s28, $0x1;
	[dreg:$0x2] =	wrdreg s5  }
0xbe: {  	[dreg:$0x3] =	wrdreg s7  }
0xbf: {  	[dreg:$0x4] =	wrdreg $0xC0  }
0xc0: {  	_ =	task [dreg:s22], $0x5FFFF  }
0xc1: {  	[dreg:$0x1] =	wrdreg $0xFFFFFFFF  }
0xc2: {  	[dreg:$0x0] =	wrdreg $0x60  }
0xc3: {  	[dreg:$0x2] =	wrdreg s17  }
0xc4: {  	[dreg:$0x3] =	wrdreg s18  }
0xc5: {  	[dreg:$0x4] =	wrdreg s24  }
0xc6: {  	[dreg:$0x5] =	wrdreg $0xA  }
0xc7: {  	_ =	task.clear_ibuf [dreg:s22], $0x6FFFF;
	_ =	strace $0x90000049  }
0xc8: {  	s29 =	simm.s32 $0xA;
	_ =	strace $0x8000004B  }
0xc9: {  	_ =	swait.ge [sflag:s29], $0x1  }
0xca: {  	[sflag:s29] =	ssyncadd.s32 $0xFFFFFFFF  }
0xcb: {  	_ =	strace $0x9000004B  }
0xcc: {  	_ =	sfence  }
0xcd: {  	s30 =	sld [smem:$0x0];
	_ =	sdelay $0x2  }
0xce: {  	s31 =	sshll.u32 s1, $0xD;
	s1 =	sshrl.u32 s1, $0x2  }
0xcf: {  	s4 =	sand.u32 $0x4000, s31;
	s1 =	sadd.s32 s1, s30  }
0xd0: {  	s0 =	sor.u32 s4, s0;
	s1 =	sshll.u32 s1, $0x11  }
0xd1: {  	s0 =	sor.u32 s1, s0  }
0xd2: {  	s0 =	sadd.s32 $0x8F2B, s0  }
0xd3: {  	[sflag:s0] =	ssyncadd.remote.s32 $0x1  }
0xd4: {  	_ =	sfence.sel $0xFFFF  }
0xd5: {  	[dreg:$0x0] =	wrdreg $0xFFFFFFFF;
	(pc) =	sbr.abs _section_cstart, $3  }
0xd6: {  	[dreg:$0x1] =	wrdreg $0xFFFFFFFF  }
0xd7: {  	_ =	task.clear_ibuf [dreg:s22], $0x2FFFF;
	_ =	strace $0x9FFFFFFF  }
0xd8: {  	(tm) =	ssettm $0x7FFFFFFF  }
0xd9: {  	_ =	shalt  }
tec
execute0_lowered:
.L_overlay_start_1:
0x0: {  	(tag) =	ssettag $0x1  }
0x1: {  	s1 =	srdreg.scid;
	s0 =	stileid.u32  }
0x2: {  	s16 =	sand.u32 $0x1, s1;
	s29 =	sshll.u32 s0, $0x1  }
0x3: {  	s2 =	rddreg [dreg:$0x0];
	s10 =	sor.u32 s16, s29  }
0x4: {  	s13 =	rddreg [dreg:$0x1];
	s14 =	smul.u32 $0x1388, s10  }
0x5: {  	s8 =	rddreg [dreg:$0x2]  }
0x6: {  	s3 =	simm.s32 $0x0;
	s1 =	rddreg [dreg:$0x3];
	s4 =	sshrl.u32 s14, $0x3  }
0x7: {  	[smem:$0x7FF] =	sst s3;
	s15 =	sadd.s32 s13, s4  }
0x8: {  	_ =	strace $0x8000004A;
	s4 =	simm.s32 $0x2;
	s5 =	sadd.s32 $0x4E20, s15  }
0x9: {  	[tilespmem:s3], [sflag:$0x2] =	stream.linear.gather [hbm4b:s5+s3], $0x3E8, $0x38;
	[tilespmem:$0x4268] =	vst v63  }
0xa: {  	_ =	swait.ge [sflag:s4], $0x3E8  }
0xb: {  	[sflag:s4] =	ssyncset.done $0x0  }
0xc: {  	s6 =	simm.s32 $0x3E8;
	s7 =	simm.s32 $0x1;
	[sflag:s4] =	ssyncadd.s32 $0xFFFFFC18  }
0xd: {  	[tilespmem:s6], [sflag:$0x1] =	stream.indirect.gather [hbm4b:s2+s6], $0x10, s3, s6, $0xb8;
	[tilespmem:$0x4268] =	vst v63  }
0xe: {  	s9 =	smul.u32 $0x2710, s10;
	_ =	swait.ge [sflag:s7], $0x3E80  }
0xf: {  	s11 =	sadd.s32 $0x7BC00, s8;
	[sflag:s7] =	ssyncset.done $0x0  }
0x10: {  	s8 =	sadd.s32 s11, s9;
	[sflag:s7] =	ssyncadd.s32 $0xFFFFC180  }
0x11: {  	[hbm4b:s8+s3] =	stream.linear.scatter [tilespmem:s6], [sflag:$0x2], $0x3E80, $0x38;
	[tilespmem:$0x4268] =	vst v63  }
0x12: {  	s30 =	sadd.s32 $0x274E8, s14;
	_ =	swait.ge [sflag:s4], $0x3E80  }
0x13: {  	s9 =	sshrl.u32 s30, $0x3;
	[sflag:s4] =	ssyncset.done $0x0  }
0x14: {  	s9 =	sadd.s32 s13, s9;
	[sflag:s4] =	ssyncadd.s32 $0xFFFFC180  }
0x15: {  	[tilespmem:s3], [sflag:$0x2] =	stream.linear.gather [hbm4b:s9+s3], $0x3E8, $0x38;
	[tilespmem:$0x4268] =	vst v63  }
0x16: {  	_ =	swait.ge [sflag:s4], $0x3E8  }
0x17: {  	[sflag:s4] =	ssyncset.done $0x0  }
0x18: {  	s10 =	smul.u32 $0x13880, s10;
	[sflag:s4] =	ssyncadd.s32 $0xFFFFFC18  }
0x19: {  	[tilespmem:s6], [sflag:$0x1] =	stream.indirect.gather [hbm4b:s2+s6], $0x10, s3, s6, $0xb8;
	[tilespmem:$0x4268] =	vst v63  }
0x1a: {  	s10 =	sshrl.u32 s10, $0x3;
	_ =	swait.ge [sflag:s7], $0x3E80  }
0x1b: {  	s17 =	sadd.s32 s11, s10;
	[sflag:s7] =	ssyncset.done $0x0  }
0x1c: {  	s10 =	sadd.s32 $0x7D0, s17;
	[sflag:s7] =	ssyncadd.s32 $0xFFFFC180  }
0x1d: {  	[hbm4b:s10+s3] =	stream.linear.scatter [tilespmem:s6], [sflag:$0x2], $0x3E80, $0x38;
	[tilespmem:$0x4268] =	vst v63  }
0x1e: {  	_ =	swait.ge [sflag:s4], $0x3E80  }
0x1f: {  	[sflag:s4] =	ssyncset.done $0x0  }
0x20: {  	s11 =	sadd.s32 $0x4F1A, s15;
	[sflag:s4] =	ssyncadd.s32 $0xFFFFC180  }
0x21: {  	[tilespmem:s3], [sflag:$0x2] =	stream.linear.gather [hbm4b:s11+s3], $0x3E8, $0x38;
	[tilespmem:$0x4268] =	vst v63  }
0x22: {  	_ =	swait.ge [sflag:s4], $0x3E8  }
0x23: {  	[sflag:s4] =	ssyncset.done $0x0  }
0x24: {  	[sflag:s4] =	ssyncadd.s32 $0xFFFFFC18  }
0x25: {  	[tilespmem:s6], [sflag:$0x1] =	stream.indirect.gather [hbm4b:s2+s6], $0x10, s3, s6, $0xb8;
	[tilespmem:$0x4268] =	vst v63  }
0x26: {  	_ =	swait.ge [sflag:s7], $0x3E80  }
0x27: {  	[sflag:s7] =	ssyncset.done $0x0  }
0x28: {  	s12 =	sadd.s32 $0xFA0, s17;
	[sflag:s7] =	ssyncadd.s32 $0xFFFFC180  }
0x29: {  	[hbm4b:s12+s3] =	stream.linear.scatter [tilespmem:s6], [sflag:$0x2], $0x3E80, $0x38;
	[tilespmem:$0x4268] =	vst v63  }
0x2a: {  	s14 =	sadd.s32 $0x27CB8, s14;
	_ =	swait.ge [sflag:s4], $0x3E80  }
0x2b: {  	s14 =	sshrl.u32 s14, $0x3;
	[sflag:s4] =	ssyncset.done $0x0  }
0x2c: {  	s13 =	sadd.s32 s13, s14;
	[sflag:s4] =	ssyncadd.s32 $0xFFFFC180  }
0x2d: {  	[tilespmem:s3], [sflag:$0x2] =	stream.linear.gather [hbm4b:s13+s3], $0x3E8, $0x38;
	[tilespmem:$0x4268] =	vst v63  }
0x2e: {  	_ =	swait.ge [sflag:s4], $0x3E8  }
0x2f: {  	[sflag:s4] =	ssyncset.done $0x0  }
0x30: {  	[sflag:s4] =	ssyncadd.s32 $0xFFFFFC18  }
0x31: {  	[tilespmem:s6], [sflag:$0x1] =	stream.indirect.gather [hbm4b:s2+s6], $0x10, s3, s6, $0xb8;
	[tilespmem:$0x4268] =	vst v63  }
0x32: {  	_ =	swait.ge [sflag:s7], $0x3E80  }
0x33: {  	[sflag:s7] =	ssyncset.done $0x0  }
0x34: {  	s14 =	sadd.s32 $0x1770, s17;
	[sflag:s7] =	ssyncadd.s32 $0xFFFFC180  }
0x35: {  	[hbm4b:s14+s3] =	stream.linear.scatter [tilespmem:s6], [sflag:$0x2], $0x3E80, $0x38;
	[tilespmem:$0x4268] =	vst v63  }
0x36: {  	_ =	swait.ge [sflag:s4], $0x3E80  }
0x37: {  	[sflag:s4] =	ssyncset.done $0x0  }
0x38: {  	s16 =	ssub.s32 $0x2, s16;
	s15 =	sadd.s32 $0x5014, s15;
	[sflag:s4] =	ssyncadd.s32 $0xFFFFC180  }
0x39: {  	[tilespmem:s3], [sflag:$0x2] =	stream.linear.gather [hbm4b:s15+s3], $0x3E8, $0x38;
	[tilespmem:$0x4268] =	vst v63  }
0x3a: {  	s18 =	sshrl.u32 s16, $0x1;
	_ =	swait.ge [sflag:s4], $0x3E8  }
0x3b: {  	s18 =	ssub.s32 s16, s18;
	[sflag:s4] =	ssyncset.done $0x0  }
0x3c: {  	s31 =	smax.u32 s18, $0x1;
	[sflag:s4] =	ssyncadd.s32 $0xFFFFFC18  }
0x3d: {  	[tilespmem:s6], [sflag:$0x1] =	stream.indirect.gather [hbm4b:s2+s6], $0x10, s3, s6, $0xb8;
	[tilespmem:$0x4268] =	vst v63  }
0x3e: {  	p0 =	sne.s32 s31, $0x1;
	_ =	swait.ge [sflag:s7], $0x3E80  }
.Ltmp0:
0x3f: {  	[sflag:s7] =	ssyncset.done $0x0;
	(pc) =	sbr.rel @!p0 .LBB2_2-.Ltmp0, $4  }
0x40: {  	s16 =	sadd.s32 $0x1F40, s17;
	[sflag:s7] =	ssyncadd.s32 $0xFFFFC180  }
0x41: {  	[hbm4b:s16+s3] =	stream.linear.scatter [tilespmem:s6], [sflag:$0x2], $0x3E80, $0x38;
	[tilespmem:$0x4268] =	vst v63  }
0x42: {  	_ =	swait.ge [sflag:s4], $0x3E80  }
0x43: {  	s17 =	sadd.s32 $0xFFFFFFFF, s31;
	[sflag:s4] =	ssyncset.done $0x0  }
.LBB2_1:
0x44: {  	p0 =	sne.s32 s17, $0x1;
	s17 =	sadd.s32 $0xFFFFFFFF, s17;
	[sflag:s4] =	ssyncadd.s32 $0xFFFFC180  }
0x45: {  	[tilespmem:s3], [sflag:$0x2] =	stream.linear.gather [hbm4b:s5+s3], $0x3E8, $0x38;
	[tilespmem:$0x4268] =	vst v63  }
0x46: {  	_ =	swait.ge [sflag:s4], $0x3E8  }
0x47: {  	[sflag:s4] =	ssyncset.done $0x0  }
0x48: {  	[sflag:s4] =	ssyncadd.s32 $0xFFFFFC18  }
0x49: {  	[tilespmem:s6], [sflag:$0x1] =	stream.indirect.gather [hbm4b:s2+s6], $0x10, s3, s6, $0xb8;
	[tilespmem:$0x4268] =	vst v63  }
0x4a: {  	_ =	swait.ge [sflag:s7], $0x3E80  }
0x4b: {  	[sflag:s7] =	ssyncset.done $0x0  }
0x4c: {  	[sflag:s7] =	ssyncadd.s32 $0xFFFFC180  }
0x4d: {  	[hbm4b:s8+s3] =	stream.linear.scatter [tilespmem:s6], [sflag:$0x2], $0x3E80, $0x38;
	[tilespmem:$0x4268] =	vst v63  }
0x4e: {  	_ =	swait.ge [sflag:s4], $0x3E80  }
0x4f: {  	[sflag:s4] =	ssyncset.done $0x0  }
0x50: {  	[sflag:s4] =	ssyncadd.s32 $0xFFFFC180  }
0x51: {  	[tilespmem:s3], [sflag:$0x2] =	stream.linear.gather [hbm4b:s9+s3], $0x3E8, $0x38;
	[tilespmem:$0x4268] =	vst v63  }
0x52: {  	_ =	swait.ge [sflag:s4], $0x3E8  }
0x53: {  	[sflag:s4] =	ssyncset.done $0x0  }
0x54: {  	[sflag:s4] =	ssyncadd.s32 $0xFFFFFC18  }
0x55: {  	[tilespmem:s6], [sflag:$0x1] =	stream.indirect.gather [hbm4b:s2+s6], $0x10, s3, s6, $0xb8;
	[tilespmem:$0x4268] =	vst v63  }
0x56: {  	_ =	swait.ge [sflag:s7], $0x3E80  }
0x57: {  	[sflag:s7] =	ssyncset.done $0x0  }
0x58: {  	[sflag:s7] =	ssyncadd.s32 $0xFFFFC180  }
0x59: {  	[hbm4b:s10+s3] =	stream.linear.scatter [tilespmem:s6], [sflag:$0x2], $0x3E80, $0x38;
	[tilespmem:$0x4268] =	vst v63  }
0x5a: {  	_ =	swait.ge [sflag:s4], $0x3E80  }
0x5b: {  	[sflag:s4] =	ssyncset.done $0x0  }
0x5c: {  	[sflag:s4] =	ssyncadd.s32 $0xFFFFC180  }
0x5d: {  	[tilespmem:s3], [sflag:$0x2] =	stream.linear.gather [hbm4b:s11+s3], $0x3E8, $0x38;
	[tilespmem:$0x4268] =	vst v63  }
0x5e: {  	_ =	swait.ge [sflag:s4], $0x3E8  }
0x5f: {  	[sflag:s4] =	ssyncset.done $0x0  }
0x60: {  	[sflag:s4] =	ssyncadd.s32 $0xFFFFFC18  }
0x61: {  	[tilespmem:s6], [sflag:$0x1] =	stream.indirect.gather [hbm4b:s2+s6], $0x10, s3, s6, $0xb8;
	[tilespmem:$0x4268] =	vst v63  }
0x62: {  	_ =	swait.ge [sflag:s7], $0x3E80  }
0x63: {  	[sflag:s7] =	ssyncset.done $0x0  }
0x64: {  	[sflag:s7] =	ssyncadd.s32 $0xFFFFC180  }
0x65: {  	[hbm4b:s12+s3] =	stream.linear.scatter [tilespmem:s6], [sflag:$0x2], $0x3E80, $0x38;
	[tilespmem:$0x4268] =	vst v63  }
0x66: {  	_ =	swait.ge [sflag:s4], $0x3E80  }
0x67: {  	[sflag:s4] =	ssyncset.done $0x0  }
0x68: {  	[sflag:s4] =	ssyncadd.s32 $0xFFFFC180  }
0x69: {  	[tilespmem:s3], [sflag:$0x2] =	stream.linear.gather [hbm4b:s13+s3], $0x3E8, $0x38;
	[tilespmem:$0x4268] =	vst v63  }
0x6a: {  	_ =	swait.ge [sflag:s4], $0x3E8  }
0x6b: {  	[sflag:s4] =	ssyncset.done $0x0  }
0x6c: {  	[sflag:s4] =	ssyncadd.s32 $0xFFFFFC18  }
0x6d: {  	[tilespmem:s6], [sflag:$0x1] =	stream.indirect.gather [hbm4b:s2+s6], $0x10, s3, s6, $0xb8;
	[tilespmem:$0x4268] =	vst v63  }
0x6e: {  	_ =	swait.ge [sflag:s7], $0x3E80  }
0x6f: {  	[sflag:s7] =	ssyncset.done $0x0  }
0x70: {  	[sflag:s7] =	ssyncadd.s32 $0xFFFFC180  }
0x71: {  	[hbm4b:s14+s3] =	stream.linear.scatter [tilespmem:s6], [sflag:$0x2], $0x3E80, $0x38;
	[tilespmem:$0x4268] =	vst v63  }
0x72: {  	_ =	swait.ge [sflag:s4], $0x3E80  }
0x73: {  	[sflag:s4] =	ssyncset.done $0x0  }
0x74: {  	[sflag:s4] =	ssyncadd.s32 $0xFFFFC180  }
0x75: {  	[tilespmem:s3], [sflag:$0x2] =	stream.linear.gather [hbm4b:s15+s3], $0x3E8, $0x38;
	[tilespmem:$0x4268] =	vst v63  }
0x76: {  	_ =	swait.ge [sflag:s4], $0x3E8  }
0x77: {  	[sflag:s4] =	ssyncset.done $0x0  }
0x78: {  	[sflag:s4] =	ssyncadd.s32 $0xFFFFFC18  }
0x79: {  	[tilespmem:s6], [sflag:$0x1] =	stream.indirect.gather [hbm4b:s2+s6], $0x10, s3, s6, $0xb8;
	[tilespmem:$0x4268] =	vst v63  }
0x7a: {  	_ =	swait.ge [sflag:s7], $0x3E80  }
.Ltmp1:
0x7b: {  	[sflag:s7] =	ssyncset.done $0x0;
	(pc) =	sbr.rel @p0 .LBB2_1-.Ltmp1, $4  }
0x7c: {  	[sflag:s7] =	ssyncadd.s32 $0xFFFFC180  }
0x7d: {  	[hbm4b:s16+s3] =	stream.linear.scatter [tilespmem:s6], [sflag:$0x2], $0x3E80, $0x38;
	[tilespmem:$0x4268] =	vst v63  }
0x7e: {  	_ =	swait.ge [sflag:s4], $0x3E80  }
0x7f: {  	[sflag:s4] =	ssyncset.done $0x0  }
.LBB2_2:
0x80: {  	[sflag:s4] =	ssyncadd.s32 $0xFFFFC180  }
0x81: {  	_ =	sfence.sel $0x180000  }
0x82: {  	[bflag:$0x0] =	sbarrier.arrive $0xFFFF  }
0x83: {  	p0 =	sne.s32 s0, $0x0;
	_ =	strace $0x9000004A  }
0x84: {  	s0 =	sadd.s32 @!p0 $0x100000, s1;
	[bflag:$0x2] =	sbarrier.arrive $0xFFFF  }
0x85: {  	[sflag:s0] =	ssyncadd.tile.s32 @!p0 $0x1;
	_ =	shalt  }
.Lfunc_end2:
_tile_overlayer_lowered:
.L_overlay_start_2:
0x86: {  	(tag) =	ssettag $0x2  }
0x87: {  	s0 =	rddreg [dreg:$0x0];
	s2 =	stileid.u32  }
0x88: {  	s1 =	rddreg [dreg:$0x1];
	p0 =	sne.s32 s2, $0x0  }
0x89: {  	s3 =	rddreg [dreg:$0x2];
	[bflag:$0x3] =	sbarrier.arrive $0xFFFF;
	s2 =	simm.s32 @!p0 $0x1C02  }
0x8a: {  	[timem:s3], [sflag:s2] =	dma.local @!p0 [hbm:s0], s1  }
0x8b: {  	s0 =	simm.s32 @!p0 $0x2  }
0x8c: {  	_ =	swait.ge @!p0 [sflag:s0], s1  }
0x8d: {  	s1 =	ssub.s32 @!p0 $0x0, s1;
	[sflag:s0] =	ssyncset.done @!p0 $0x0  }
0x8e: {  	[sflag:s0] =	ssyncadd.s32 @!p0 s1  }
0x8f: {  	[bflag:$0x3] =	sbarrier.arrive $0xFFFF  }
0x90: {  	_ =	shalt  }

// kernel: kernel.18.cloned.1.call-start
scs
__scs_entry_jumppad:
0x0: {  	(pc) =	sbr.rel $0x88, $3  }
0x1: {  	(tag) =	ssettag $0x0;
	lr =	simm.s32 $0x1  }
0x2: {  	[smem:$0x3F98] =	sst lr;
	_ =	strace $0xD0000000  }
0x3: {  	_ = 	snop  }
0x4: {  	_ = 	snop  }
0x5: {  	_ = 	snop  }
0x6: {  	_ = 	snop  }
0x7: {  	_ = 	snop  }
__scs_overlays_trampoline_lowered:
0x8: {  	[smem:$0x3FA7] =	sst s0  }
0x9: {  	[smem:$0x3FA8] =	sst s1  }
0xa: {  	[smem:$0x3FA9] =	sst s2  }
0xb: {  	[smem:$0x3FAA] =	sst s3  }
0xc: {  	[smem:$0x3FAB] =	sst s4  }
0xd: {  	[smem:$0x3FAC] =	sst s5  }
0xe: {  	[smem:$0x3FAD] =	sst s6  }
0xf: {  	[smem:$0x3FAE] =	sst s7  }
0x10: {  	[smem:$0x3FAF] =	sst s8  }
0x11: {  	[smem:$0x3FB0] =	sst s9;
	s0 =	simm.s32 @!p0 $0x0  }
0x12: {  	s1 =	sld [smem:$0x3F96];
	s0 =	simm.s32 @p0 $0x1  }
0x13: {  	[smem:$0x3FB1] =	sst s0;
	s0 =	simm.s32 @!p1 $0x0  }
0x14: {  	s2 =	sld [smem:$0x3F95];
	s0 =	simm.s32 @p1 $0x1  }
0x15: {  	[smem:$0x3FB2] =	sst s0;
	s0 =	simm.s32 @!p2 $0x0  }
0x16: {  	s3 =	sld [smem:$0x3FDB];
	s0 =	simm.s32 @p2 $0x1  }
0x17: {  	s4 =	simm.s32 $0x1BF5;
	[smem:$0x3FB4] =	sst s0  }
0x18: {  	s0 =	sld [smem:$0x3F97];
	_ =	swait.ge [sflag:s4], $0x0  }
0x19: {  	s7 =	sld [smem:$0x3F98]  }
0x1a: {  	s8 =	sadd.s32 $0xFFFFE003, lr  }
0x1b: {  	s9 =	sadd.s32 $0xFFFFFEF7, lr;
	s5 =	simm.s32 $0xFFFFFFFF;
	p2 =	slt.u32 s8, $0xFFFFF086  }
0x1c: {  	p1 =	slt.u32 s9, $0xF7A;
	s5 =	simm.s32 @!p2 $0x0  }
0x1d: {  	s5 =	simm.s32 @p1 $0x1;
	p0 =	seq.s32 s7, s2  }
0x1e: {  	s7 =	smul.u32 @!p0 $0xF7A, s2;
	p2 =	seq.s32 @!p0 s5, $0x0  }
0x1f: {  	s9 =	smul.u32 $0xF7A, s1;
	s8 =	simm.s32 @!p0 $0x1BF5;
	p2 =	por !p2, p0  }
0x20: {  	[sflag:s8] =	ssyncset.s32 @!p0 $0xFFFFF086;
	s6 =	sadd.s32 @!p0 s3, s7;
	s7 =	simm.s32 @!p0 $0x108  }
0x21: {  	s3 =	sadd.s32 s3, s9;
	s6 =	sadd.s32 @!p0 $0x88, s6;
	s7 =	simm.s32 @p2 $0x1082  }
0x22: {  	[simem:s7], [sflag:s8] =	dma.local @!p0 [hbm:s6], $0xF7A  }
0x23: {  	s9 =	sor.u32 $0xD0000000, s2;
	s6 =	simm.s32 $0x108;
	_ =	swait.ge @!p0 [sflag:s8], $0x0  }
0x24: {  	s3 =	sadd.s32 $0x88, s3;
	s6 =	simm.s32 @!p1 $0x1082;
	[sflag:s4] =	ssyncset.s32 $0xFFFFF086  }
0x25: {  	[simem:s6], [sflag:s4] =	dma.local [hbm:s3], $0xF7A  }
0x26: {  	[smem:$0x3F98] =	sst s1;
	(tag) =	ssettag s2;
	_ =	strace s9  }
0x27: {  	s1 =	sld [smem:$0x3FA8]  }
0x28: {  	s2 =	sld [smem:$0x3FA9]  }
0x29: {  	s4 =	sld [smem:$0x3FAB]  }
0x2a: {  	p0 =	seq.s32 s5, $0x0;
	s5 =	sld [smem:$0x3FAC]  }
0x2b: {  	s6 =	sld [smem:$0x3FAD]  }
0x2c: {  	s7 =	sld [smem:$0x3FAE]  }
0x2d: {  	s3 =	simm.s32 $0x108;
	s8 =	sld [smem:$0x3FAF]  }
0x2e: {  	s3 =	simm.s32 @!p0 $0x1082;
	s9 =	sld [smem:$0x3FB0]  }
0x2f: {  	lr =	sadd.s32 s0, s3;
	s0 =	sld [smem:$0x3FA7]  }
0x30: {  	s3 =	sld [smem:$0x3FAA]  }
0x31: {  	[smem:$0x3FB3] =	sst s10  }
0x32: {  	s10 =	sld [smem:$0x3FB1];
	_ =	sdelay $0x3  }
0x33: {  	p0 =	seq.s32 s10, $0x1;
	s10 =	sld [smem:$0x3FB3];
	_ =	sdelay $0x3  }
0x34: {  	[smem:$0x3FB3] =	sst s10  }
0x35: {  	s10 =	sld [smem:$0x3FB2];
	_ =	sdelay $0x3  }
0x36: {  	p1 =	seq.s32 s10, $0x1;
	s10 =	sld [smem:$0x3FB3];
	_ =	sdelay $0x3  }
0x37: {  	[smem:$0x3FB3] =	sst s10  }
0x38: {  	s10 =	sld [smem:$0x3FB4]  }
0x39: {  	_ = 	snop;
	(pc) =	sbr.ind lr, $3  }
0x3a: {  	_ = 	snop  }
0x3b: {  	_ = 	snop  }
0x3c: {  	p2 =	seq.s32 s10, $0x1;
	s10 =	sld [smem:$0x3FB3]  }
0x3d: {  	_ =	shalt  }
0x3e: {  	_ =	shalt  }
0x3f: {  	_ =	shalt  }
0x40: {  	_ =	shalt  }
0x41: {  	_ =	shalt  }
0x42: {  	_ =	shalt  }
0x43: {  	_ =	shalt  }
0x44: {  	_ =	shalt  }
0x45: {  	_ =	shalt  }
0x46: {  	_ =	shalt  }
0x47: {  	_ =	shalt  }
0x48: {  	_ =	shalt  }
0x49: {  	_ =	shalt  }
0x4a: {  	_ =	shalt  }
0x4b: {  	_ =	shalt  }
0x4c: {  	_ =	shalt  }
0x4d: {  	_ =	shalt  }
0x4e: {  	_ =	shalt  }
0x4f: {  	_ =	shalt  }
0x50: {  	_ =	shalt  }
0x51: {  	_ =	shalt  }
0x52: {  	_ =	shalt  }
0x53: {  	_ =	shalt  }
0x54: {  	_ =	shalt  }
0x55: {  	_ =	shalt  }
0x56: {  	_ =	shalt  }
0x57: {  	_ =	shalt  }
0x58: {  	_ =	shalt  }
0x59: {  	_ =	shalt  }
0x5a: {  	_ =	shalt  }
0x5b: {  	_ =	shalt  }
0x5c: {  	_ =	shalt  }
0x5d: {  	_ =	shalt  }
0x5e: {  	_ =	shalt  }
0x5f: {  	_ =	shalt  }
0x60: {  	_ =	shalt  }
0x61: {  	_ =	shalt  }
0x62: {  	_ =	shalt  }
0x63: {  	_ =	shalt  }
0x64: {  	_ =	shalt  }
0x65: {  	_ =	shalt  }
0x66: {  	_ =	shalt  }
0x67: {  	_ =	shalt  }
0x68: {  	_ =	shalt  }
0x69: {  	_ =	shalt  }
0x6a: {  	_ =	shalt  }
0x6b: {  	_ =	shalt  }
0x6c: {  	_ =	shalt  }
0x6d: {  	_ =	shalt  }
0x6e: {  	_ =	shalt  }
0x6f: {  	_ =	shalt  }
0x70: {  	_ =	shalt  }
0x71: {  	_ =	shalt  }
0x72: {  	_ =	shalt  }
0x73: {  	_ =	shalt  }
0x74: {  	_ =	shalt  }
0x75: {  	_ =	shalt  }
0x76: {  	_ =	shalt  }
0x77: {  	_ =	shalt  }
0x78: {  	_ =	shalt  }
0x79: {  	_ =	shalt  }
0x7a: {  	_ =	shalt  }
0x7b: {  	_ =	shalt  }
0x7c: {  	_ =	shalt  }
0x7d: {  	_ =	shalt  }
0x7e: {  	_ =	shalt  }
0x7f: {  	_ =	shalt  }
0x80: {  	_ =	shalt  }
0x81: {  	_ =	shalt  }
0x82: {  	_ =	shalt  }
0x83: {  	_ =	shalt  }
0x84: {  	_ =	shalt  }
0x85: {  	_ =	shalt  }
0x86: {  	_ =	shalt  }
0x87: {  	_ =	shalt  }
.Lfunc_end0:
.L_simem_size_0:
called_computation.3_lowered:
.L_overlay_start_0:
0x88: {  	s2 =	sld [smem:$0x3FD9]  }
0x89: {  	s3 =	sld [smem:$0x3FFE];
	_ =	sdelay $0x1  }
0x8a: {  	s1 =	srdreg.scid  }
0x8b: {  	s0 =	sand.u32 $0x1, s1  }
0x8c: {  	s15 =	sshll.u32 s0, $0xA;
	s2 =	sadd.s32 s3, s2  }
0x8d: {  	s2 =	sadd.s32 s2, s15  }
0x8e: {  	[smem:$0x3FBF] =	sst s2  }
0x8f: {  	_ = 	snop  }
0x90: {  	s2 =	sld [smem:$0x3FD0];
	_ =	sdelay $0x2  }
0x91: {  	s16 =	simm.s32 $0xB;
	s4 =	simm.s32 $0x10  }
0x92: {  	[smem:s4], [sflag:s16] =	dma.local [hbm:s2], $0x1  }
0x93: {  	_ =	swait.eq [sflag:s16], $0x1  }
0x94: {  	[sflag:s16] =	ssyncset.done $0x0  }
0x95: {  	[sflag:s16] =	ssyncadd.s32 $0xFFFFFFFF  }
0x96: {  	s17 =	sld [smem:$0x11];
	(tm) =	ssettm $0x1  }
0x97: {  	s18 =	sld [smem:$0x3FFB];
	_ =	sdelay $0x3  }
0x98: {  	_ =	strace s18  }
0x99: {  	s2 =	sld [smem:$0x3FFC];
	_ =	sdelay $0x3  }
0x9a: {  	_ =	strace s2  }
0x9b: {  	s2 =	sld [smem:$0x3FFD];
	_ =	sdelay $0x3  }
0x9c: {  	_ =	strace s2  }
0x9d: {  	_ =	strace $0x8FFFFFFF  }
0x9e: {  	s19 =	sld [smem:$0x3FDB];
	_ =	sdelay $0x1  }
0x9f: {  	s20 =	simm.s32 $_scs_section_size  }
0xa0: {  	s5 =	simm.s32 $_size__tile_overlayer_lowered;
	s6 =	simm.s32 $_tile_overlayer_lowered  }
0xa1: {  	s7 =	simm.s32 $0x1BFF;
	s21 =	sshll.u32 s6, $0x1;
	s4 =	sadd.s32 s20, s19  }
0xa2: {  	s22 =	simm.s32 $0x0;
	s5 =	sshll.u32 s5, $0x1;
	s6 =	sadd.s32 s21, s4  }
0xa3: {  	[timem:s22], [sflag:s7] =	dma.local [hbm:s6], s5  }
0xa4: {  	_ =	swait.ge [sflag:s7], s5  }
0xa5: {  	s5 =	ssub.s32 $0x0, s5;
	[sflag:s7] =	ssyncset.done $0x0  }
0xa6: {  	[sflag:s7] =	ssyncadd.s32 s5;
	_ =	sdelay $0x1  }
0xa7: {  	s23 =	simm.s32 $0x1B8B  }
0xa8: {  	_ =	swait.ge [sflag:s23], $0x1  }
0xa9: {  	[sflag:s23] =	ssyncset.done $0x0  }
0xaa: {  	[sflag:s23] =	ssyncadd.s32 $0xFFFFFFFF  }
0xab: {  	s5 =	sld [smem:$0x0]  }
0xac: {  	s6 =	sand.u32 $0xFFFFFFFE, s1  }
0xad: {  	p0 =	sne.s32 s1, s6  }
0xae: {  	s6 =	sshll.u32 @p0 s6, $0xE  }
0xaf: {  	s6 =	sadd.s32 @p0 $0x11B8D, s6;
	s7 =	sshll.u32 @p0 s5, $0x11  }
0xb0: {  	s6 =	sor.u32 @p0 s7, s6  }
0xb1: {  	[sflag:s6] =	ssyncadd.remote.s32 @p0 $0x1;
	_ =	sdelay $0x1  }
0xb2: {  	s6 =	simm.s32 @p0 $0x1B8D  }
0xb3: {  	_ =	swait.eq @p0 [sflag:s6], $0x1  }
0xb4: {  	[sflag:s6] =	ssyncadd.s32 @p0 $0xFFFFFFFF  }
0xb5: {  	s7 =	sshll.u32 @!p0 s1, $0xE  }
0xb6: {  	s7 =	sor.u32 @!p0 $0x4000, s7;
	s6 =	simm.s32 @!p0 $0x1B8D  }
0xb7: {  	s5 =	sshll.u32 @!p0 s5, $0x11;
	s7 =	sadd.s32 @!p0 $0x11B8D, s7;
	_ =	swait.eq @!p0 [sflag:s6], $0x1  }
0xb8: {  	s5 =	sor.u32 @!p0 s5, s7;
	[sflag:s6] =	ssyncadd.s32 @!p0 $0xFFFFFFFF  }
0xb9: {  	s25 =	simm.s32 $0x1B8E;
	s24 =	sld [smem:$0x3FFE];
	[sflag:s5] =	ssyncadd.remote.s32 @!p0 $0x1  }
0xba: {  	s26 =	simm.s32 $execute0_lowered;
	[smem:$0x3FD2] =	sst s25  }
0xbb: {  	s6 =	sshll.u32 s26, $0x1;
	_ =	strace $0x8000004F;
	[dreg:$0x1] =	wrdreg $0xFFFFFFFF  }
0xbc: {  	s28 =	simm.s32 $_size_execute0_lowered;
	s4 =	sadd.s32 s4, s6;
	[dreg:$0x0] =	wrdreg $0x0  }
0xbd: {  	s6 =	sshll.u32 s28, $0x1;
	[dreg:$0x2] =	wrdreg s4  }
0xbe: {  	[dreg:$0x3] =	wrdreg s6  }
0xbf: {  	[dreg:$0x4] =	wrdreg $0xC0  }
0xc0: {  	_ =	task [dreg:s22], $0x5FFFF  }
0xc1: {  	[dreg:$0x1] =	wrdreg $0xFFFFFFFF  }
0xc2: {  	[dreg:$0x0] =	wrdreg $0x60  }
0xc3: {  	[dreg:$0x2] =	wrdreg s24  }
0xc4: {  	[dreg:$0x3] =	wrdreg s17  }
0xc5: {  	[dreg:$0x4] =	wrdreg $0x0  }
0xc6: {  	[dreg:$0x5] =	wrdreg $0x27100  }
0xc7: {  	[dreg:$0x6] =	wrdreg $0xA  }
0xc8: {  	_ =	task.clear_ibuf [dreg:s22], $0x7FFFF;
	_ =	strace $0x9000004F  }
0xc9: {  	s29 =	simm.s32 $0xA;
	_ =	strace $0x80000051  }
0xca: {  	_ =	swait.ge [sflag:s29], $0x1  }
0xcb: {  	[sflag:s29] =	ssyncadd.s32 $0xFFFFFFFF  }
0xcc: {  	_ =	strace $0x90000051  }
0xcd: {  	_ =	sfence  }
0xce: {  	s30 =	sld [smem:$0x0];
	_ =	sdelay $0x2  }
0xcf: {  	s31 =	sshll.u32 s1, $0xD;
	s1 =	sshrl.u32 s1, $0x2  }
0xd0: {  	s4 =	sand.u32 $0x4000, s31;
	s1 =	sadd.s32 s1, s30  }
0xd1: {  	s0 =	sor.u32 s4, s0;
	s1 =	sshll.u32 s1, $0x11  }
0xd2: {  	s0 =	sor.u32 s1, s0  }
0xd3: {  	s0 =	sadd.s32 $0x8F2B, s0  }
0xd4: {  	[sflag:s0] =	ssyncadd.remote.s32 $0x1  }
0xd5: {  	_ =	sfence.sel $0xFFFF  }
0xd6: {  	[dreg:$0x0] =	wrdreg $0xFFFFFFFF;
	(pc) =	sbr.abs _section_cstart, $3  }
0xd7: {  	[dreg:$0x1] =	wrdreg $0xFFFFFFFF  }
0xd8: {  	_ =	task.clear_ibuf [dreg:s22], $0x2FFFF;
	_ =	strace $0x9FFFFFFF  }
0xd9: {  	(tm) =	ssettm $0x7FFFFFFF  }
tec
execute0_lowered:
.L_overlay_start_1:
0x0: {  	(tag) =	ssettag $0x1  }
0x1: {  	s25 =	rddreg [dreg:$0x0]  }
0x2: {  	s21 =	rddreg [dreg:$0x1]  }
0x3: {  	s1 =	rddreg [dreg:$0x2]  }
0x4: {  	s2 =	rddreg [dreg:$0x3]  }
0x5: {  	s0 =	rddreg [dreg:$0x4];
	s3 =	simm.s32 $0x0  }
0x6: {  	s11 =	stileid.u32;
	s5 =	simm.s32 $0x9088;
	[smem:$0x7FF] =	sst s3  }
0x7: {  	s6 =	simm.s32 $0x1;
	s4 =	sadd.s32 $0x32A00, s25;
	_ =	strace $0x80000050  }
0x8: {  	[tilespmem:s5], [sflag:$0x1] =	stream.linear.gather [hbm4b:s4+s3], $0x3E80, $0x38;
	[tilespmem:$0xCF08] =	vst v63  }
0x9: {  	s12 =	srdreg.scid;
	p0 =	sne.s32 s11, $0x0;
	_ =	swait.ge [sflag:s6], $0x3E80  }
0xa: {  	s7 =	sadd.s32 $0x2DA00, s25;
	s8 =	simm.s32 @!p0 $0x1;
	[sflag:s6] =	ssyncset.done $0x0  }
0xb: {  	s9 =	sshrl.u32 @!p0 s1, $0x3;
	s10 =	simm.s32 @!p0 $0x1C01;
	[sflag:s6] =	ssyncadd.s32 $0xFFFFC180  }
0xc: {  	[spmem:s9], [sflag:s10] =	dma.local @!p0 [hbm:s7], $0x4E20  }
0xd: {  	s26 =	sand.u32 $0x1, s12;
	s11 =	sshll.u32 s11, $0x1;
	_ =	swait.ge @!p0 [sflag:s8], $0x4E20  }
0xe: {  	s18 =	sor.u32 s26, s11;
	[sflag:s8] =	ssyncset.done @!p0 $0x0  }
0xf: {  	s11 =	sshrl.u32 @!p0 s2, $0x3;
	s22 =	smul.u32 $0x1388, s18;
	[sflag:s8] =	ssyncadd.s32 @!p0 $0xFFFFB1E0  }
0x10: {  	[spmem:s11], [sflag:s10] =	dma.local @!p0 [hbm:s7], $0x4E20  }
0x11: {  	_ =	swait.ge @!p0 [sflag:s8], $0x4E20  }
0x12: {  	s31 =	sshrl.u32 s22, $0x3;
	[sflag:s8] =	ssyncset.done @!p0 $0x0  }
0x13: {  	s23 =	sadd.s32 s21, s31;
	[sflag:s8] =	ssyncadd.s32 @!p0 $0xFFFFB1E0  }
0x14: {  	s13 =	simm.s32 $0x4E20;
	s12 =	sadd.s32 $0xEA60, s23;
	[bflag:$0x0] =	sbarrier.arrive $0xFFFF  }
0x15: {  	[tilespmem:s13], [sflag:$0x1] =	stream.linear.gather [hbm4b:s12+s3], $0x3E8, $0x38;
	[tilespmem:$0xCF08] =	vst v63  }
0x16: {  	s14 =	smul.u32 $0x2710, s18;
	_ =	swait.ge [sflag:s6], $0x3E8  }
0x17: {  	s19 =	sadd.s32 $0x46E00, s25;
	[sflag:s6] =	ssyncset.done $0x0  }
0x18: {  	s15 =	simm.s32 $0x5208;
	s14 =	sadd.s32 s19, s14;
	[sflag:s6] =	ssyncadd.s32 $0xFFFFFC18  }
0x19: {  	[tilespmem:s15], [sflag:$0x1] =	stream.linear.gather [hbm4b:s14+s3], $0x3E80, $0x38;
	[tilespmem:$0xCF08] =	vst v63  }
0x1a: {  	_ =	swait.ge [sflag:s6], $0x3E80  }
0x1b: {  	[sflag:s6] =	ssyncset.done $0x0  }
0x1c: {  	s16 =	simm.s32 $0x3E8;
	[sflag:s6] =	ssyncadd.s32 $0xFFFFC180  }
0x1d: {  	[spmem:s1] =	stream.indirect.scatter.add.f32 [tilespmem:s15], [sflag:$0x1], $0x10, s13, s16, $0xb8;
	[tilespmem:$0xCF08] =	vst v63  }
0x1e: {  	_ =	swait.ge [sflag:s6], $0x3E80  }
0x1f: {  	[sflag:s6] =	ssyncset.done $0x0  }
0x20: {  	[sflag:s6] =	ssyncadd.s32 $0xFFFFC180  }
0x21: {  	[spmem:s2] =	stream.indirect.scatter.add.f32 [tilespmem:s5], [sflag:$0x1], $0x10, s13, s16, $0xb8;
	[tilespmem:$0xCF08] =	vst v63  }
0x22: {  	s17 =	sadd.s32 $0x756E8, s22;
	_ =	swait.ge [sflag:s6], $0x3E80  }
0x23: {  	s17 =	sshrl.u32 s17, $0x3;
	[sflag:s6] =	ssyncset.done $0x0  }
0x24: {  	s18 =	smul.u32 $0x13880, s18;
	s17 =	sadd.s32 s21, s17;
	[sflag:s6] =	ssyncadd.s32 $0xFFFFC180  }
0x25: {  	[tilespmem:s13], [sflag:$0x1] =	stream.linear.gather [hbm4b:s17+s3], $0x3E8, $0x38;
	[tilespmem:$0xCF08] =	vst v63  }
0x26: {  	s18 =	sshrl.u32 s18, $0x3;
	_ =	swait.ge [sflag:s6], $0x3E8  }
0x27: {  	s24 =	sadd.s32 s19, s18;
	[sflag:s6] =	ssyncset.done $0x0  }
0x28: {  	s18 =	sadd.s32 $0x7D0, s24;
	[sflag:s6] =	ssyncadd.s32 $0xFFFFFC18  }
0x29: {  	[tilespmem:s15], [sflag:$0x1] =	stream.linear.gather [hbm4b:s18+s3], $0x3E80, $0x38;
	[tilespmem:$0xCF08] =	vst v63  }
0x2a: {  	_ =	swait.ge [sflag:s6], $0x3E80  }
0x2b: {  	[sflag:s6] =	ssyncset.done $0x0  }
0x2c: {  	[sflag:s6] =	ssyncadd.s32 $0xFFFFC180  }
0x2d: {  	[spmem:s1] =	stream.indirect.scatter.add.f32 [tilespmem:s15], [sflag:$0x1], $0x10, s13, s16, $0xb8;
	[tilespmem:$0xCF08] =	vst v63  }
0x2e: {  	_ =	swait.ge [sflag:s6], $0x3E80  }
0x2f: {  	[sflag:s6] =	ssyncset.done $0x0  }
0x30: {  	[sflag:s6] =	ssyncadd.s32 $0xFFFFC180  }
0x31: {  	[spmem:s2] =	stream.indirect.scatter.add.f32 [tilespmem:s5], [sflag:$0x1], $0x10, s13, s16, $0xb8;
	[tilespmem:$0xCF08] =	vst v63  }
0x32: {  	_ =	swait.ge [sflag:s6], $0x3E80  }
0x33: {  	[sflag:s6] =	ssyncset.done $0x0  }
0x34: {  	s19 =	sadd.s32 $0xEB5A, s23;
	[sflag:s6] =	ssyncadd.s32 $0xFFFFC180  }
0x35: {  	[tilespmem:s13], [sflag:$0x1] =	stream.linear.gather [hbm4b:s19+s3], $0x3E8, $0x38;
	[tilespmem:$0xCF08] =	vst v63  }
0x36: {  	_ =	swait.ge [sflag:s6], $0x3E8  }
0x37: {  	[sflag:s6] =	ssyncset.done $0x0  }
0x38: {  	s20 =	sadd.s32 $0xFA0, s24;
	[sflag:s6] =	ssyncadd.s32 $0xFFFFFC18  }
0x39: {  	[tilespmem:s15], [sflag:$0x1] =	stream.linear.gather [hbm4b:s20+s3], $0x3E80, $0x38;
	[tilespmem:$0xCF08] =	vst v63  }
0x3a: {  	_ =	swait.ge [sflag:s6], $0x3E80  }
0x3b: {  	[sflag:s6] =	ssyncset.done $0x0  }
0x3c: {  	[sflag:s6] =	ssyncadd.s32 $0xFFFFC180  }
0x3d: {  	[spmem:s1] =	stream.indirect.scatter.add.f32 [tilespmem:s15], [sflag:$0x1], $0x10, s13, s16, $0xb8;
	[tilespmem:$0xCF08] =	vst v63  }
0x3e: {  	_ =	swait.ge [sflag:s6], $0x3E80  }
0x3f: {  	[sflag:s6] =	ssyncset.done $0x0  }
0x40: {  	[sflag:s6] =	ssyncadd.s32 $0xFFFFC180  }
0x41: {  	[spmem:s2] =	stream.indirect.scatter.add.f32 [tilespmem:s5], [sflag:$0x1], $0x10, s13, s16, $0xb8;
	[tilespmem:$0xCF08] =	vst v63  }
0x42: {  	s22 =	sadd.s32 $0x75EB8, s22;
	_ =	swait.ge [sflag:s6], $0x3E80  }
0x43: {  	s22 =	sshrl.u32 s22, $0x3;
	[sflag:s6] =	ssyncset.done $0x0  }
0x44: {  	s21 =	sadd.s32 s21, s22;
	[sflag:s6] =	ssyncadd.s32 $0xFFFFC180  }
0x45: {  	[tilespmem:s13], [sflag:$0x1] =	stream.linear.gather [hbm4b:s21+s3], $0x3E8, $0x38;
	[tilespmem:$0xCF08] =	vst v63  }
0x46: {  	_ =	swait.ge [sflag:s6], $0x3E8  }
0x47: {  	[sflag:s6] =	ssyncset.done $0x0  }
0x48: {  	s22 =	sadd.s32 $0x1770, s24;
	[sflag:s6] =	ssyncadd.s32 $0xFFFFFC18  }
0x49: {  	[tilespmem:s15], [sflag:$0x1] =	stream.linear.gather [hbm4b:s22+s3], $0x3E80, $0x38;
	[tilespmem:$0xCF08] =	vst v63  }
0x4a: {  	_ =	swait.ge [sflag:s6], $0x3E80  }
0x4b: {  	[sflag:s6] =	ssyncset.done $0x0  }
0x4c: {  	[sflag:s6] =	ssyncadd.s32 $0xFFFFC180  }
0x4d: {  	[spmem:s1] =	stream.indirect.scatter.add.f32 [tilespmem:s15], [sflag:$0x1], $0x10, s13, s16, $0xb8;
	[tilespmem:$0xCF08] =	vst v63  }
0x4e: {  	_ =	swait.ge [sflag:s6], $0x3E80  }
0x4f: {  	[sflag:s6] =	ssyncset.done $0x0  }
0x50: {  	[sflag:s6] =	ssyncadd.s32 $0xFFFFC180  }
0x51: {  	[spmem:s2] =	stream.indirect.scatter.add.f32 [tilespmem:s5], [sflag:$0x1], $0x10, s13, s16, $0xb8;
	[tilespmem:$0xCF08] =	vst v63  }
0x52: {  	_ =	swait.ge [sflag:s6], $0x3E80  }
0x53: {  	[sflag:s6] =	ssyncset.done $0x0  }
0x54: {  	s23 =	sadd.s32 $0xEC54, s23;
	[sflag:s6] =	ssyncadd.s32 $0xFFFFC180  }
0x55: {  	[tilespmem:s13], [sflag:$0x1] =	stream.linear.gather [hbm4b:s23+s3], $0x3E8, $0x38;
	[tilespmem:$0xCF08] =	vst v63  }
0x56: {  	_ =	swait.ge [sflag:s6], $0x3E8  }
0x57: {  	[sflag:s6] =	ssyncset.done $0x0  }
0x58: {  	s24 =	sadd.s32 $0x1F40, s24;
	[sflag:s6] =	ssyncadd.s32 $0xFFFFFC18  }
0x59: {  	[tilespmem:s15], [sflag:$0x1] =	stream.linear.gather [hbm4b:s24+s3], $0x3E80, $0x38;
	[tilespmem:$0xCF08] =	vst v63  }
0x5a: {  	_ =	swait.ge [sflag:s6], $0x3E80  }
0x5b: {  	[sflag:s6] =	ssyncset.done $0x0  }
0x5c: {  	[sflag:s6] =	ssyncadd.s32 $0xFFFFC180  }
0x5d: {  	[spmem:s1] =	stream.indirect.scatter.add.f32 [tilespmem:s15], [sflag:$0x1], $0x10, s13, s16, $0xb8;
	[tilespmem:$0xCF08] =	vst v63  }
0x5e: {  	_ =	swait.ge [sflag:s6], $0x3E80  }
0x5f: {  	[sflag:s6] =	ssyncset.done $0x0  }
0x60: {  	s28 =	smul.u32 $0x4E20, s26;
	s26 =	ssub.s32 $0x2, s26;
	[sflag:s6] =	ssyncadd.s32 $0xFFFFC180  }
0x61: {  	[spmem:s2] =	stream.indirect.scatter.add.f32 [tilespmem:s5], [sflag:$0x1], $0x10, s13, s16, $0xb8;
	[tilespmem:$0xCF08] =	vst v63  }
0x62: {  	s29 =	sshrl.u32 s26, $0x1;
	_ =	swait.ge [sflag:s6], $0x3E80  }
0x63: {  	s28 =	sadd.s32 s28, s25;
	s26 =	ssub.s32 s26, s29;
	[sflag:s6] =	ssyncset.done $0x0  }
0x64: {  	s25 =	sadd.s32 $0x95000, s28;
	s29 =	smax.u32 s26, $0x1;
	[sflag:s6] =	ssyncadd.s32 $0xFFFFC180  }
0x65: {  	s26 =	sadd.s32 $0x9EE00, s28;
	s28 =	sadd.s32 $0xFFFFFFFF, s29;
	[bflag:$0x0] =	sbarrier.arrive $0xFFFF  }
0x66: {  	[hbm:s25], [sflag:s10] =	dma.local @!p0 [spmem:s9], $0x4E20  }
0x67: {  	p1 =	sne.s32 s28, $0x0;
	_ =	swait.ge @!p0 [sflag:s8], $0x4E20  }
.Ltmp0:
0x68: {  	[sflag:s8] =	ssyncset.done @!p0 $0x0;
	(pc) =	sbr.rel @!p1 .LBB2_2-.Ltmp0, $4  }
0x69: {  	[sflag:s8] =	ssyncadd.s32 @!p0 $0xFFFFB1E0  }
0x6a: {  	[hbm:s26], [sflag:s10] =	dma.local @!p0 [spmem:s11], $0x4E20  }
0x6b: {  	_ =	swait.ge @!p0 [sflag:s8], $0x4E20  }
0x6c: {  	[sflag:s8] =	ssyncset.done @!p0 $0x0  }
.LBB2_1:
0x6d: {  	s28 =	sadd.s32 $0xFFFFFFFF, s28;
	[sflag:s8] =	ssyncadd.s32 @!p0 $0xFFFFB1E0  }
0x6e: {  	[tilespmem:s5], [sflag:$0x1] =	stream.linear.gather [hbm4b:s4+s3], $0x3E80, $0x38;
	[tilespmem:$0xCF08] =	vst v63  }
0x6f: {  	p1 =	sne.s32 s28, $0x0;
	_ =	swait.ge [sflag:s6], $0x3E80  }
0x70: {  	[sflag:s6] =	ssyncset.done $0x0  }
0x71: {  	[sflag:s6] =	ssyncadd.s32 $0xFFFFC180  }
0x72: {  	[spmem:s9], [sflag:s10] =	dma.local @!p0 [hbm:s7], $0x4E20  }
0x73: {  	_ =	swait.ge @!p0 [sflag:s8], $0x4E20  }
0x74: {  	[sflag:s8] =	ssyncset.done @!p0 $0x0  }
0x75: {  	[sflag:s8] =	ssyncadd.s32 @!p0 $0xFFFFB1E0  }
0x76: {  	[spmem:s11], [sflag:s10] =	dma.local @!p0 [hbm:s7], $0x4E20  }
0x77: {  	_ =	swait.ge @!p0 [sflag:s8], $0x4E20  }
0x78: {  	[sflag:s8] =	ssyncset.done @!p0 $0x0  }
0x79: {  	[sflag:s8] =	ssyncadd.s32 @!p0 $0xFFFFB1E0  }
0x7a: {  	[bflag:$0x0] =	sbarrier.arrive $0xFFFF  }
0x7b: {  	[tilespmem:s13], [sflag:$0x1] =	stream.linear.gather [hbm4b:s12+s3], $0x3E8, $0x38;
	[tilespmem:$0xCF08] =	vst v63  }
0x7c: {  	_ =	swait.ge [sflag:s6], $0x3E8  }
0x7d: {  	[sflag:s6] =	ssyncset.done $0x0  }
0x7e: {  	[sflag:s6] =	ssyncadd.s32 $0xFFFFFC18  }
0x7f: {  	[tilespmem:s15], [sflag:$0x1] =	stream.linear.gather [hbm4b:s14+s3], $0x3E80, $0x38;
	[tilespmem:$0xCF08] =	vst v63  }
0x80: {  	_ =	swait.ge [sflag:s6], $0x3E80  }
0x81: {  	[sflag:s6] =	ssyncset.done $0x0  }
0x82: {  	[sflag:s6] =	ssyncadd.s32 $0xFFFFC180  }
0x83: {  	[spmem:s1] =	stream.indirect.scatter.add.f32 [tilespmem:s15], [sflag:$0x1], $0x10, s13, s16, $0xb8;
	[tilespmem:$0xCF08] =	vst v63  }
0x84: {  	_ =	swait.ge [sflag:s6], $0x3E80  }
0x85: {  	[sflag:s6] =	ssyncset.done $0x0  }
0x86: {  	[sflag:s6] =	ssyncadd.s32 $0xFFFFC180  }
0x87: {  	[spmem:s2] =	stream.indirect.scatter.add.f32 [tilespmem:s5], [sflag:$0x1], $0x10, s13, s16, $0xb8;
	[tilespmem:$0xCF08] =	vst v63  }
0x88: {  	_ =	swait.ge [sflag:s6], $0x3E80  }
0x89: {  	[sflag:s6] =	ssyncset.done $0x0  }
0x8a: {  	[sflag:s6] =	ssyncadd.s32 $0xFFFFC180  }
0x8b: {  	[tilespmem:s13], [sflag:$0x1] =	stream.linear.gather [hbm4b:s17+s3], $0x3E8, $0x38;
	[tilespmem:$0xCF08] =	vst v63  }
0x8c: {  	_ =	swait.ge [sflag:s6], $0x3E8  }
0x8d: {  	[sflag:s6] =	ssyncset.done $0x0  }
0x8e: {  	[sflag:s6] =	ssyncadd.s32 $0xFFFFFC18  }
0x8f: {  	[tilespmem:s15], [sflag:$0x1] =	stream.linear.gather [hbm4b:s18+s3], $0x3E80, $0x38;
	[tilespmem:$0xCF08] =	vst v63  }
0x90: {  	_ =	swait.ge [sflag:s6], $0x3E80  }
0x91: {  	[sflag:s6] =	ssyncset.done $0x0  }
0x92: {  	[sflag:s6] =	ssyncadd.s32 $0xFFFFC180  }
0x93: {  	[spmem:s1] =	stream.indirect.scatter.add.f32 [tilespmem:s15], [sflag:$0x1], $0x10, s13, s16, $0xb8;
	[tilespmem:$0xCF08] =	vst v63  }
0x94: {  	_ =	swait.ge [sflag:s6], $0x3E80  }
0x95: {  	[sflag:s6] =	ssyncset.done $0x0  }
0x96: {  	[sflag:s6] =	ssyncadd.s32 $0xFFFFC180  }
0x97: {  	[spmem:s2] =	stream.indirect.scatter.add.f32 [tilespmem:s5], [sflag:$0x1], $0x10, s13, s16, $0xb8;
	[tilespmem:$0xCF08] =	vst v63  }
0x98: {  	_ =	swait.ge [sflag:s6], $0x3E80  }
0x99: {  	[sflag:s6] =	ssyncset.done $0x0  }
0x9a: {  	[sflag:s6] =	ssyncadd.s32 $0xFFFFC180  }
0x9b: {  	[tilespmem:s13], [sflag:$0x1] =	stream.linear.gather [hbm4b:s19+s3], $0x3E8, $0x38;
	[tilespmem:$0xCF08] =	vst v63  }
0x9c: {  	_ =	swait.ge [sflag:s6], $0x3E8  }
0x9d: {  	[sflag:s6] =	ssyncset.done $0x0  }
0x9e: {  	[sflag:s6] =	ssyncadd.s32 $0xFFFFFC18  }
0x9f: {  	[tilespmem:s15], [sflag:$0x1] =	stream.linear.gather [hbm4b:s20+s3], $0x3E80, $0x38;
	[tilespmem:$0xCF08] =	vst v63  }
0xa0: {  	_ =	swait.ge [sflag:s6], $0x3E80  }
0xa1: {  	[sflag:s6] =	ssyncset.done $0x0  }
0xa2: {  	[sflag:s6] =	ssyncadd.s32 $0xFFFFC180  }
0xa3: {  	[spmem:s1] =	stream.indirect.scatter.add.f32 [tilespmem:s15], [sflag:$0x1], $0x10, s13, s16, $0xb8;
	[tilespmem:$0xCF08] =	vst v63  }
0xa4: {  	_ =	swait.ge [sflag:s6], $0x3E80  }
0xa5: {  	[sflag:s6] =	ssyncset.done $0x0  }
0xa6: {  	[sflag:s6] =	ssyncadd.s32 $0xFFFFC180  }
0xa7: {  	[spmem:s2] =	stream.indirect.scatter.add.f32 [tilespmem:s5], [sflag:$0x1], $0x10, s13, s16, $0xb8;
	[tilespmem:$0xCF08] =	vst v63  }
0xa8: {  	_ =	swait.ge [sflag:s6], $0x3E80  }
0xa9: {  	[sflag:s6] =	ssyncset.done $0x0  }
0xaa: {  	[sflag:s6] =	ssyncadd.s32 $0xFFFFC180  }
0xab: {  	[tilespmem:s13], [sflag:$0x1] =	stream.linear.gather [hbm4b:s21+s3], $0x3E8, $0x38;
	[tilespmem:$0xCF08] =	vst v63  }
0xac: {  	_ =	swait.ge [sflag:s6], $0x3E8  }
0xad: {  	[sflag:s6] =	ssyncset.done $0x0  }
0xae: {  	[sflag:s6] =	ssyncadd.s32 $0xFFFFFC18  }
0xaf: {  	[tilespmem:s15], [sflag:$0x1] =	stream.linear.gather [hbm4b:s22+s3], $0x3E80, $0x38;
	[tilespmem:$0xCF08] =	vst v63  }
0xb0: {  	_ =	swait.ge [sflag:s6], $0x3E80  }
0xb1: {  	[sflag:s6] =	ssyncset.done $0x0  }
0xb2: {  	[sflag:s6] =	ssyncadd.s32 $0xFFFFC180  }
0xb3: {  	[spmem:s1] =	stream.indirect.scatter.add.f32 [tilespmem:s15], [sflag:$0x1], $0x10, s13, s16, $0xb8;
	[tilespmem:$0xCF08] =	vst v63  }
0xb4: {  	_ =	swait.ge [sflag:s6], $0x3E80  }
0xb5: {  	[sflag:s6] =	ssyncset.done $0x0  }
0xb6: {  	[sflag:s6] =	ssyncadd.s32 $0xFFFFC180  }
0xb7: {  	[spmem:s2] =	stream.indirect.scatter.add.f32 [tilespmem:s5], [sflag:$0x1], $0x10, s13, s16, $0xb8;
	[tilespmem:$0xCF08] =	vst v63  }
0xb8: {  	_ =	swait.ge [sflag:s6], $0x3E80  }
0xb9: {  	[sflag:s6] =	ssyncset.done $0x0  }
0xba: {  	[sflag:s6] =	ssyncadd.s32 $0xFFFFC180  }
0xbb: {  	[tilespmem:s13], [sflag:$0x1] =	stream.linear.gather [hbm4b:s23+s3], $0x3E8, $0x38;
	[tilespmem:$0xCF08] =	vst v63  }
0xbc: {  	_ =	swait.ge [sflag:s6], $0x3E8  }
0xbd: {  	[sflag:s6] =	ssyncset.done $0x0  }
0xbe: {  	[sflag:s6] =	ssyncadd.s32 $0xFFFFFC18  }
0xbf: {  	[tilespmem:s15], [sflag:$0x1] =	stream.linear.gather [hbm4b:s24+s3], $0x3E80, $0x38;
	[tilespmem:$0xCF08] =	vst v63  }
0xc0: {  	_ =	swait.ge [sflag:s6], $0x3E80  }
0xc1: {  	[sflag:s6] =	ssyncset.done $0x0  }
0xc2: {  	[sflag:s6] =	ssyncadd.s32 $0xFFFFC180  }
0xc3: {  	[spmem:s1] =	stream.indirect.scatter.add.f32 [tilespmem:s15], [sflag:$0x1], $0x10, s13, s16, $0xb8;
	[tilespmem:$0xCF08] =	vst v63  }
0xc4: {  	_ =	swait.ge [sflag:s6], $0x3E80  }
0xc5: {  	[sflag:s6] =	ssyncset.done $0x0  }
0xc6: {  	[sflag:s6] =	ssyncadd.s32 $0xFFFFC180  }
0xc7: {  	[spmem:s2] =	stream.indirect.scatter.add.f32 [tilespmem:s5], [sflag:$0x1], $0x10, s13, s16, $0xb8;
	[tilespmem:$0xCF08] =	vst v63  }
0xc8: {  	_ =	swait.ge [sflag:s6], $0x3E80  }
0xc9: {  	[sflag:s6] =	ssyncset.done $0x0  }
0xca: {  	[sflag:s6] =	ssyncadd.s32 $0xFFFFC180  }
0xcb: {  	[bflag:$0x0] =	sbarrier.arrive $0xFFFF  }
0xcc: {  	[hbm:s25], [sflag:s10] =	dma.local @!p0 [spmem:s9], $0x4E20  }
0xcd: {  	_ =	swait.ge @!p0 [sflag:s8], $0x4E20  }
.Ltmp1:
0xce: {  	[sflag:s8] =	ssyncset.done @!p0 $0x0;
	(pc) =	sbr.rel @p1 .LBB2_1-.Ltmp1, $4  }
0xcf: {  	[sflag:s8] =	ssyncadd.s32 @!p0 $0xFFFFB1E0  }
0xd0: {  	[hbm:s26], [sflag:s10] =	dma.local @!p0 [spmem:s11], $0x4E20  }
0xd1: {  	_ =	swait.ge @!p0 [sflag:s8], $0x4E20  }
0xd2: {  	[sflag:s8] =	ssyncset.done @!p0 $0x0  }
.LBB2_2:
0xd3: {  	[sflag:s8] =	ssyncadd.s32 @!p0 $0xFFFFB1E0  }
0xd4: {  	_ =	sfence.sel $0x180000  }
0xd5: {  	[bflag:$0x0] =	sbarrier.arrive $0xFFFF  }
0xd6: {  	_ =	strace $0x90000050  }
0xd7: {  	s0 =	sadd.s32 @!p0 $0x100000, s0;
	[bflag:$0x2] =	sbarrier.arrive $0xFFFF  }
0xd8: {  	[sflag:s0] =	ssyncadd.tile.s32 @!p0 $0x1;
	_ =	shalt  }
.Lfunc_end2:
_tile_overlayer_lowered:
.L_overlay_start_2:
0xd9: {  	(tag) =	ssettag $0x2  }
0xda: {  	s0 =	rddreg [dreg:$0x0];
	s2 =	stileid.u32  }
0xdb: {  	s1 =	rddreg [dreg:$0x1];
	p0 =	sne.s32 s2, $0x0  }
0xdc: {  	s3 =	rddreg [dreg:$0x2];
	[bflag:$0x3] =	sbarrier.arrive $0xFFFF;
	s2 =	simm.s32 @!p0 $0x1C01  }
0xdd: {  	[timem:s3], [sflag:s2] =	dma.local @!p0 [hbm:s0], s1  }
0xde: {  	s0 =	simm.s32 @!p0 $0x1  }
0xdf: {  	_ =	swait.ge @!p0 [sflag:s0], s1  }
0xe0: {  	s1 =	ssub.s32 @!p0 $0x0, s1;
	[sflag:s0] =	ssyncset.done @!p0 $0x0  }
0xe1: {  	[sflag:s0] =	ssyncadd.s32 @!p0 s1  }
0xe2: {  	[bflag:$0x3] =	sbarrier.arrive $0xFFFF  }
0xe3: {  	_ =	shalt  }

// kernel: kernel.9.cloned.1.call-start
scs
__scs_entry_jumppad:
0x0: {  	(pc) =	sbr.rel $0x88, $3  }
0x1: {  	(tag) =	ssettag $0x0;
	lr =	simm.s32 $0x1  }
0x2: {  	[smem:$0x3F98] =	sst lr;
	_ =	strace $0xD0000000  }
0x3: {  	_ = 	snop  }
0x4: {  	_ = 	snop  }
0x5: {  	_ = 	snop  }
0x6: {  	_ = 	snop  }
0x7: {  	_ = 	snop  }
__scs_overlays_trampoline_lowered:
0x8: {  	[smem:$0x3FA7] =	sst s0  }
0x9: {  	[smem:$0x3FA8] =	sst s1  }
0xa: {  	[smem:$0x3FA9] =	sst s2  }
0xb: {  	[smem:$0x3FAA] =	sst s3  }
0xc: {  	[smem:$0x3FAB] =	sst s4  }
0xd: {  	[smem:$0x3FAC] =	sst s5  }
0xe: {  	[smem:$0x3FAD] =	sst s6  }
0xf: {  	[smem:$0x3FAE] =	sst s7  }
0x10: {  	[smem:$0x3FAF] =	sst s8  }
0x11: {  	[smem:$0x3FB0] =	sst s9;
	s0 =	simm.s32 @!p0 $0x0  }
0x12: {  	s1 =	sld [smem:$0x3F96];
	s0 =	simm.s32 @p0 $0x1  }
0x13: {  	[smem:$0x3FB1] =	sst s0;
	s0 =	simm.s32 @!p1 $0x0  }
0x14: {  	s2 =	sld [smem:$0x3F95];
	s0 =	simm.s32 @p1 $0x1  }
0x15: {  	[smem:$0x3FB2] =	sst s0;
	s0 =	simm.s32 @!p2 $0x0  }
0x16: {  	s3 =	sld [smem:$0x3FDB];
	s0 =	simm.s32 @p2 $0x1  }
0x17: {  	s4 =	simm.s32 $0x1BF5;
	[smem:$0x3FB4] =	sst s0  }
0x18: {  	s0 =	sld [smem:$0x3F97];
	_ =	swait.ge [sflag:s4], $0x0  }
0x19: {  	s7 =	sld [smem:$0x3F98]  }
0x1a: {  	s8 =	sadd.s32 $0xFFFFE003, lr  }
0x1b: {  	s9 =	sadd.s32 $0xFFFFFEF7, lr;
	s5 =	simm.s32 $0xFFFFFFFF;
	p2 =	slt.u32 s8, $0xFFFFF086  }
0x1c: {  	p1 =	slt.u32 s9, $0xF7A;
	s5 =	simm.s32 @!p2 $0x0  }
0x1d: {  	s5 =	simm.s32 @p1 $0x1;
	p0 =	seq.s32 s7, s2  }
0x1e: {  	s7 =	smul.u32 @!p0 $0xF7A, s2;
	p2 =	seq.s32 @!p0 s5, $0x0  }
0x1f: {  	s9 =	smul.u32 $0xF7A, s1;
	s8 =	simm.s32 @!p0 $0x1BF5;
	p2 =	por !p2, p0  }
0x20: {  	[sflag:s8] =	ssyncset.s32 @!p0 $0xFFFFF086;
	s6 =	sadd.s32 @!p0 s3, s7;
	s7 =	simm.s32 @!p0 $0x108  }
0x21: {  	s3 =	sadd.s32 s3, s9;
	s6 =	sadd.s32 @!p0 $0x88, s6;
	s7 =	simm.s32 @p2 $0x1082  }
0x22: {  	[simem:s7], [sflag:s8] =	dma.local @!p0 [hbm:s6], $0xF7A  }
0x23: {  	s9 =	sor.u32 $0xD0000000, s2;
	s6 =	simm.s32 $0x108;
	_ =	swait.ge @!p0 [sflag:s8], $0x0  }
0x24: {  	s3 =	sadd.s32 $0x88, s3;
	s6 =	simm.s32 @!p1 $0x1082;
	[sflag:s4] =	ssyncset.s32 $0xFFFFF086  }
0x25: {  	[simem:s6], [sflag:s4] =	dma.local [hbm:s3], $0xF7A  }
0x26: {  	[smem:$0x3F98] =	sst s1;
	(tag) =	ssettag s2;
	_ =	strace s9  }
0x27: {  	s1 =	sld [smem:$0x3FA8]  }
0x28: {  	s2 =	sld [smem:$0x3FA9]  }
0x29: {  	s4 =	sld [smem:$0x3FAB]  }
0x2a: {  	p0 =	seq.s32 s5, $0x0;
	s5 =	sld [smem:$0x3FAC]  }
0x2b: {  	s6 =	sld [smem:$0x3FAD]  }
0x2c: {  	s7 =	sld [smem:$0x3FAE]  }
0x2d: {  	s3 =	simm.s32 $0x108;
	s8 =	sld [smem:$0x3FAF]  }
0x2e: {  	s3 =	simm.s32 @!p0 $0x1082;
	s9 =	sld [smem:$0x3FB0]  }
0x2f: {  	lr =	sadd.s32 s0, s3;
	s0 =	sld [smem:$0x3FA7]  }
0x30: {  	s3 =	sld [smem:$0x3FAA]  }
0x31: {  	[smem:$0x3FB3] =	sst s10  }
0x32: {  	s10 =	sld [smem:$0x3FB1];
	_ =	sdelay $0x3  }
0x33: {  	p0 =	seq.s32 s10, $0x1;
	s10 =	sld [smem:$0x3FB3];
	_ =	sdelay $0x3  }
0x34: {  	[smem:$0x3FB3] =	sst s10  }
0x35: {  	s10 =	sld [smem:$0x3FB2];
	_ =	sdelay $0x3  }
0x36: {  	p1 =	seq.s32 s10, $0x1;
	s10 =	sld [smem:$0x3FB3];
	_ =	sdelay $0x3  }
0x37: {  	[smem:$0x3FB3] =	sst s10  }
0x38: {  	s10 =	sld [smem:$0x3FB4]  }
0x39: {  	_ = 	snop;
	(pc) =	sbr.ind lr, $3  }
0x3a: {  	_ = 	snop  }
0x3b: {  	_ = 	snop  }
0x3c: {  	p2 =	seq.s32 s10, $0x1;
	s10 =	sld [smem:$0x3FB3]  }
0x3d: {  	_ =	shalt  }
0x3e: {  	_ =	shalt  }
0x3f: {  	_ =	shalt  }
0x40: {  	_ =	shalt  }
0x41: {  	_ =	shalt  }
0x42: {  	_ =	shalt  }
0x43: {  	_ =	shalt  }
0x44: {  	_ =	shalt  }
0x45: {  	_ =	shalt  }
0x46: {  	_ =	shalt  }
0x47: {  	_ =	shalt  }
0x48: {  	_ =	shalt  }
0x49: {  	_ =	shalt  }
0x4a: {  	_ =	shalt  }
0x4b: {  	_ =	shalt  }
0x4c: {  	_ =	shalt  }
0x4d: {  	_ =	shalt  }
0x4e: {  	_ =	shalt  }
0x4f: {  	_ =	shalt  }
0x50: {  	_ =	shalt  }
0x51: {  	_ =	shalt  }
0x52: {  	_ =	shalt  }
0x53: {  	_ =	shalt  }
0x54: {  	_ =	shalt  }
0x55: {  	_ =	shalt  }
0x56: {  	_ =	shalt  }
0x57: {  	_ =	shalt  }
0x58: {  	_ =	shalt  }
0x59: {  	_ =	shalt  }
0x5a: {  	_ =	shalt  }
0x5b: {  	_ =	shalt  }
0x5c: {  	_ =	shalt  }
0x5d: {  	_ =	shalt  }
0x5e: {  	_ =	shalt  }
0x5f: {  	_ =	shalt  }
0x60: {  	_ =	shalt  }
0x61: {  	_ =	shalt  }
0x62: {  	_ =	shalt  }
0x63: {  	_ =	shalt  }
0x64: {  	_ =	shalt  }
0x65: {  	_ =	shalt  }
0x66: {  	_ =	shalt  }
0x67: {  	_ =	shalt  }
0x68: {  	_ =	shalt  }
0x69: {  	_ =	shalt  }
0x6a: {  	_ =	shalt  }
0x6b: {  	_ =	shalt  }
0x6c: {  	_ =	shalt  }
0x6d: {  	_ =	shalt  }
0x6e: {  	_ =	shalt  }
0x6f: {  	_ =	shalt  }
0x70: {  	_ =	shalt  }
0x71: {  	_ =	shalt  }
0x72: {  	_ =	shalt  }
0x73: {  	_ =	shalt  }
0x74: {  	_ =	shalt  }
0x75: {  	_ =	shalt  }
0x76: {  	_ =	shalt  }
0x77: {  	_ =	shalt  }
0x78: {  	_ =	shalt  }
0x79: {  	_ =	shalt  }
0x7a: {  	_ =	shalt  }
0x7b: {  	_ =	shalt  }
0x7c: {  	_ =	shalt  }
0x7d: {  	_ =	shalt  }
0x7e: {  	_ =	shalt  }
0x7f: {  	_ =	shalt  }
0x80: {  	_ =	shalt  }
0x81: {  	_ =	shalt  }
0x82: {  	_ =	shalt  }
0x83: {  	_ =	shalt  }
0x84: {  	_ =	shalt  }
0x85: {  	_ =	shalt  }
0x86: {  	_ =	shalt  }
0x87: {  	_ =	shalt  }
.Lfunc_end0:
.L_simem_size_0:
called_computation_lowered:
.L_overlay_start_0:
0x88: {  	s2 =	sld [smem:$0x3FD9]  }
0x89: {  	s3 =	sld [smem:$0x3FFE];
	_ =	sdelay $0x1  }
0x8a: {  	s1 =	srdreg.scid  }
0x8b: {  	s0 =	sand.u32 $0x1, s1  }
0x8c: {  	s14 =	sshll.u32 s0, $0xA;
	s2 =	sadd.s32 s3, s2  }
0x8d: {  	s2 =	sadd.s32 s2, s14  }
0x8e: {  	[smem:$0x3FBF] =	sst s2  }
0x8f: {  	_ = 	snop  }
0x90: {  	s2 =	sld [smem:$0x3FD0];
	_ =	sdelay $0x2  }
0x91: {  	s15 =	simm.s32 $0xB;
	s4 =	simm.s32 $0x10  }
0x92: {  	[smem:s4], [sflag:s15] =	dma.local [hbm:s2], $0x1  }
0x93: {  	_ =	swait.eq [sflag:s15], $0x1  }
0x94: {  	[sflag:s15] =	ssyncset.done $0x0  }
0x95: {  	s16 =	sld [smem:$0x10];
	[sflag:s15] =	ssyncadd.s32 $0xFFFFFFFF  }
0x96: {  	s17 =	sld [smem:$0x11];
	(tm) =	ssettm $0x1  }
0x97: {  	s18 =	sld [smem:$0x3FFB];
	_ =	sdelay $0x3  }
0x98: {  	_ =	strace s18  }
0x99: {  	s4 =	sld [smem:$0x3FFC];
	_ =	sdelay $0x3  }
0x9a: {  	_ =	strace s4  }
0x9b: {  	s4 =	sld [smem:$0x3FFD];
	_ =	sdelay $0x3  }
0x9c: {  	_ =	strace s4  }
0x9d: {  	_ =	strace $0x8FFFFFFF  }
0x9e: {  	s19 =	sld [smem:$0x3FDB];
	_ =	sdelay $0x1  }
0x9f: {  	s5 =	simm.s32 $_scs_section_size  }
0xa0: {  	s6 =	simm.s32 $_size__tile_overlayer_lowered;
	s7 =	simm.s32 $_tile_overlayer_lowered  }
0xa1: {  	s22 =	simm.s32 $0x1BFF;
	s21 =	sshll.u32 s7, $0x1;
	s4 =	sadd.s32 s5, s19  }
0xa2: {  	s8 =	simm.s32 $0x0;
	s20 =	sshll.u32 s6, $0x1;
	s6 =	sadd.s32 s21, s4  }
0xa3: {  	[timem:s8], [sflag:s22] =	dma.local [hbm:s6], s20  }
0xa4: {  	_ =	swait.ge [sflag:s22], s20  }
0xa5: {  	s5 =	ssub.s32 $0x0, s20;
	[sflag:s22] =	ssyncset.done $0x0  }
0xa6: {  	[sflag:s22] =	ssyncadd.s32 s5;
	_ =	sdelay $0x1  }
0xa7: {  	s23 =	simm.s32 $0x1B8B  }
0xa8: {  	_ =	swait.ge [sflag:s23], $0x1  }
0xa9: {  	[sflag:s23] =	ssyncset.done $0x0  }
0xaa: {  	s25 =	simm.s32 $0x1B8E;
	s24 =	sld [smem:$0x3FFE];
	[sflag:s23] =	ssyncadd.s32 $0xFFFFFFFF  }
0xab: {  	s26 =	simm.s32 $execute0_lowered;
	[smem:$0x3FD2] =	sst s25  }
0xac: {  	s6 =	sshll.u32 s26, $0x1;
	_ =	strace $0x80000046;
	[dreg:$0x1] =	wrdreg $0xFFFFFFFF  }
0xad: {  	s28 =	simm.s32 $_size_execute0_lowered;
	s4 =	sadd.s32 s4, s6;
	[dreg:$0x0] =	wrdreg $0x0  }
0xae: {  	s6 =	sshll.u32 s28, $0x1;
	[dreg:$0x2] =	wrdreg s4  }
0xaf: {  	[dreg:$0x3] =	wrdreg s6  }
0xb0: {  	[dreg:$0x4] =	wrdreg $0xC0  }
0xb1: {  	_ =	task [dreg:s8], $0x5FFFF  }
0xb2: {  	[dreg:$0x1] =	wrdreg $0xFFFFFFFF  }
0xb3: {  	[dreg:$0x0] =	wrdreg $0x60  }
0xb4: {  	[dreg:$0x2] =	wrdreg s16  }
0xb5: {  	[dreg:$0x3] =	wrdreg s17  }
0xb6: {  	[dreg:$0x4] =	wrdreg s24  }
0xb7: {  	[dreg:$0x5] =	wrdreg $0x9  }
0xb8: {  	_ =	task.clear_ibuf [dreg:s8], $0x6FFFF;
	_ =	strace $0x90000046  }
0xb9: {  	s29 =	simm.s32 $0x9;
	_ =	strace $0x80000048  }
0xba: {  	_ =	swait.ge [sflag:s29], $0x1  }
0xbb: {  	[sflag:s29] =	ssyncadd.s32 $0xFFFFFFFF  }
0xbc: {  	_ =	strace $0x90000048  }
0xbd: {  	_ =	sfence  }
0xbe: {  	s30 =	sld [smem:$0x0];
	_ =	sdelay $0x2  }
0xbf: {  	s31 =	sshll.u32 s1, $0xD;
	s1 =	sshrl.u32 s1, $0x2  }
0xc0: {  	s3 =	sand.u32 $0x4000, s31;
	s1 =	sadd.s32 s1, s30  }
0xc1: {  	s0 =	sor.u32 s3, s0;
	s1 =	sshll.u32 s1, $0x11  }
0xc2: {  	s0 =	sor.u32 s1, s0  }
0xc3: {  	s0 =	sadd.s32 $0x8F2B, s0  }
0xc4: {  	[sflag:s0] =	ssyncadd.remote.s32 $0x1  }
0xc5: {  	_ =	sfence.sel $0xFFFF  }
0xc6: {  	[dreg:$0x0] =	wrdreg $0xFFFFFFFF;
	(pc) =	sbr.abs _section_cstart, $3  }
0xc7: {  	[dreg:$0x1] =	wrdreg $0xFFFFFFFF  }
0xc8: {  	_ =	task.clear_ibuf [dreg:s8], $0x2FFFF;
	_ =	strace $0x9FFFFFFF  }
0xc9: {  	(tm) =	ssettm $0x7FFFFFFF  }
tec
execute0_lowered:
.L_overlay_start_1:
0x0: {  	(tag) =	ssettag $0x1  }
0x1: {  	s1 =	srdreg.scid;
	s0 =	stileid.u32  }
0x2: {  	s2 =	rddreg [dreg:$0x0];
	s16 =	sand.u32 $0x1, s1;
	s26 =	sshll.u32 s0, $0x1  }
0x3: {  	s15 =	rddreg [dreg:$0x1];
	s8 =	sor.u32 s16, s26  }
0x4: {  	s9 =	rddreg [dreg:$0x2];
	s18 =	smul.u32 $0x1388, s8  }
0x5: {  	s3 =	simm.s32 $0x0;
	s1 =	rddreg [dreg:$0x3]  }
0x6: {  	[smem:$0x7FF] =	sst s3;
	s4 =	sshrl.u32 s18, $0x3  }
0x7: {  	_ =	strace $0x80000047;
	s5 =	sadd.s32 s15, s4;
	s4 =	simm.s32 $0x2  }
0x8: {  	[tilespmem:s3], [sflag:$0x2] =	stream.linear.gather [hbm4b:s5+s3], $0x3E8, $0x38;
	[tilespmem:$0x4268] =	vst v63  }
0x9: {  	_ =	swait.ge [sflag:s4], $0x3E8  }
0xa: {  	[sflag:s4] =	ssyncset.done $0x0  }
0xb: {  	s6 =	simm.s32 $0x3E8;
	s7 =	simm.s32 $0x1;
	[sflag:s4] =	ssyncadd.s32 $0xFFFFFC18  }
0xc: {  	[tilespmem:s6], [sflag:$0x1] =	stream.indirect.gather [hbm4b:s2+s6], $0x10, s3, s6, $0xb8;
	[tilespmem:$0x4268] =	vst v63  }
0xd: {  	s8 =	smul.u32 $0x2710, s8;
	_ =	swait.ge [sflag:s7], $0x3E80  }
0xe: {  	s17 =	sadd.s32 $0x2DA00, s9;
	[sflag:s7] =	ssyncset.done $0x0  }
0xf: {  	s8 =	sadd.s32 s17, s8;
	[sflag:s7] =	ssyncadd.s32 $0xFFFFC180  }
0x10: {  	[hbm4b:s8+s3] =	stream.linear.scatter [tilespmem:s6], [sflag:$0x2], $0x3E80, $0x38;
	[tilespmem:$0x4268] =	vst v63  }
0x11: {  	s10 =	sadd.s32 $0x3E8, s18;
	_ =	swait.ge [sflag:s4], $0x3E80  }
0x12: {  	s28 =	sshrl.u32 s10, $0x3;
	[sflag:s4] =	ssyncset.done $0x0  }
0x13: {  	s9 =	sadd.s32 s15, s28;
	[sflag:s4] =	ssyncadd.s32 $0xFFFFC180  }
0x14: {  	[tilespmem:s3], [sflag:$0x2] =	stream.linear.gather [hbm4b:s9+s3], $0x3E8, $0x38;
	[tilespmem:$0x4268] =	vst v63  }
0x15: {  	_ =	swait.ge [sflag:s4], $0x3E8  }
0x16: {  	[sflag:s4] =	ssyncset.done $0x0  }
0x17: {  	[sflag:s4] =	ssyncadd.s32 $0xFFFFFC18  }
0x18: {  	[tilespmem:s6], [sflag:$0x1] =	stream.indirect.gather [hbm4b:s2+s6], $0x10, s3, s6, $0xb8;
	[tilespmem:$0x4268] =	vst v63  }
0x19: {  	_ =	swait.ge [sflag:s7], $0x3E80  }
0x1a: {  	s10 =	sshll.u32 s10, $0x1;
	[sflag:s7] =	ssyncset.done $0x0  }
0x1b: {  	s10 =	sadd.s32 s17, s10;
	[sflag:s7] =	ssyncadd.s32 $0xFFFFC180  }
0x1c: {  	[hbm4b:s10+s3] =	stream.linear.scatter [tilespmem:s6], [sflag:$0x2], $0x3E80, $0x38;
	[tilespmem:$0x4268] =	vst v63  }
0x1d: {  	s12 =	sadd.s32 $0x7D0, s18;
	_ =	swait.ge [sflag:s4], $0x3E80  }
0x1e: {  	s11 =	sshrl.u32 s12, $0x3;
	[sflag:s4] =	ssyncset.done $0x0  }
0x1f: {  	s11 =	sadd.s32 s15, s11;
	[sflag:s4] =	ssyncadd.s32 $0xFFFFC180  }
0x20: {  	[tilespmem:s3], [sflag:$0x2] =	stream.linear.gather [hbm4b:s11+s3], $0x3E8, $0x38;
	[tilespmem:$0x4268] =	vst v63  }
0x21: {  	_ =	swait.ge [sflag:s4], $0x3E8  }
0x22: {  	[sflag:s4] =	ssyncset.done $0x0  }
0x23: {  	[sflag:s4] =	ssyncadd.s32 $0xFFFFFC18  }
0x24: {  	[tilespmem:s6], [sflag:$0x1] =	stream.indirect.gather [hbm4b:s2+s6], $0x10, s3, s6, $0xb8;
	[tilespmem:$0x4268] =	vst v63  }
0x25: {  	_ =	swait.ge [sflag:s7], $0x3E80  }
0x26: {  	s12 =	sshll.u32 s12, $0x1;
	[sflag:s7] =	ssyncset.done $0x0  }
0x27: {  	s12 =	sadd.s32 s17, s12;
	[sflag:s7] =	ssyncadd.s32 $0xFFFFC180  }
0x28: {  	[hbm4b:s12+s3] =	stream.linear.scatter [tilespmem:s6], [sflag:$0x2], $0x3E80, $0x38;
	[tilespmem:$0x4268] =	vst v63  }
0x29: {  	s14 =	sadd.s32 $0xBB8, s18;
	_ =	swait.ge [sflag:s4], $0x3E80  }
0x2a: {  	s13 =	sshrl.u32 s14, $0x3;
	[sflag:s4] =	ssyncset.done $0x0  }
0x2b: {  	s13 =	sadd.s32 s15, s13;
	[sflag:s4] =	ssyncadd.s32 $0xFFFFC180  }
0x2c: {  	[tilespmem:s3], [sflag:$0x2] =	stream.linear.gather [hbm4b:s13+s3], $0x3E8, $0x38;
	[tilespmem:$0x4268] =	vst v63  }
0x2d: {  	_ =	swait.ge [sflag:s4], $0x3E8  }
0x2e: {  	[sflag:s4] =	ssyncset.done $0x0  }
0x2f: {  	[sflag:s4] =	ssyncadd.s32 $0xFFFFFC18  }
0x30: {  	[tilespmem:s6], [sflag:$0x1] =	stream.indirect.gather [hbm4b:s2+s6], $0x10, s3, s6, $0xb8;
	[tilespmem:$0x4268] =	vst v63  }
0x31: {  	_ =	swait.ge [sflag:s7], $0x3E80  }
0x32: {  	s14 =	sshll.u32 s14, $0x1;
	[sflag:s7] =	ssyncset.done $0x0  }
0x33: {  	s14 =	sadd.s32 s17, s14;
	[sflag:s7] =	ssyncadd.s32 $0xFFFFC180  }
0x34: {  	[hbm4b:s14+s3] =	stream.linear.scatter [tilespmem:s6], [sflag:$0x2], $0x3E80, $0x38;
	[tilespmem:$0x4268] =	vst v63  }
0x35: {  	s18 =	sadd.s32 $0xFA0, s18;
	_ =	swait.ge [sflag:s4], $0x3E80  }
0x36: {  	s19 =	sshrl.u32 s18, $0x3;
	[sflag:s4] =	ssyncset.done $0x0  }
0x37: {  	s16 =	ssub.s32 $0x2, s16;
	s15 =	sadd.s32 s15, s19;
	[sflag:s4] =	ssyncadd.s32 $0xFFFFC180  }
0x38: {  	[tilespmem:s3], [sflag:$0x2] =	stream.linear.gather [hbm4b:s15+s3], $0x3E8, $0x38;
	[tilespmem:$0x4268] =	vst v63  }
0x39: {  	s29 =	sshrl.u32 s16, $0x1;
	_ =	swait.ge [sflag:s4], $0x3E8  }
0x3a: {  	s19 =	ssub.s32 s16, s29;
	[sflag:s4] =	ssyncset.done $0x0  }
0x3b: {  	s31 =	smax.u32 s19, $0x1;
	[sflag:s4] =	ssyncadd.s32 $0xFFFFFC18  }
0x3c: {  	[tilespmem:s6], [sflag:$0x1] =	stream.indirect.gather [hbm4b:s2+s6], $0x10, s3, s6, $0xb8;
	[tilespmem:$0x4268] =	vst v63  }
0x3d: {  	p0 =	sne.s32 s31, $0x1;
	_ =	swait.ge [sflag:s7], $0x3E80  }
.Ltmp0:
0x3e: {  	s30 =	sshll.u32 s18, $0x1;
	[sflag:s7] =	ssyncset.done $0x0;
	(pc) =	sbr.rel @!p0 .LBB2_2-.Ltmp0, $4  }
0x3f: {  	s16 =	sadd.s32 s17, s30;
	[sflag:s7] =	ssyncadd.s32 $0xFFFFC180  }
0x40: {  	[hbm4b:s16+s3] =	stream.linear.scatter [tilespmem:s6], [sflag:$0x2], $0x3E80, $0x38;
	[tilespmem:$0x4268] =	vst v63  }
0x41: {  	_ =	swait.ge [sflag:s4], $0x3E80  }
0x42: {  	s17 =	sadd.s32 $0xFFFFFFFF, s31;
	[sflag:s4] =	ssyncset.done $0x0  }
.LBB2_1:
0x43: {  	p0 =	sne.s32 s17, $0x1;
	s17 =	sadd.s32 $0xFFFFFFFF, s17;
	[sflag:s4] =	ssyncadd.s32 $0xFFFFC180  }
0x44: {  	[tilespmem:s3], [sflag:$0x2] =	stream.linear.gather [hbm4b:s5+s3], $0x3E8, $0x38;
	[tilespmem:$0x4268] =	vst v63  }
0x45: {  	_ =	swait.ge [sflag:s4], $0x3E8  }
0x46: {  	[sflag:s4] =	ssyncset.done $0x0  }
0x47: {  	[sflag:s4] =	ssyncadd.s32 $0xFFFFFC18  }
0x48: {  	[tilespmem:s6], [sflag:$0x1] =	stream.indirect.gather [hbm4b:s2+s6], $0x10, s3, s6, $0xb8;
	[tilespmem:$0x4268] =	vst v63  }
0x49: {  	_ =	swait.ge [sflag:s7], $0x3E80  }
0x4a: {  	[sflag:s7] =	ssyncset.done $0x0  }
0x4b: {  	[sflag:s7] =	ssyncadd.s32 $0xFFFFC180  }
0x4c: {  	[hbm4b:s8+s3] =	stream.linear.scatter [tilespmem:s6], [sflag:$0x2], $0x3E80, $0x38;
	[tilespmem:$0x4268] =	vst v63  }
0x4d: {  	_ =	swait.ge [sflag:s4], $0x3E80  }
0x4e: {  	[sflag:s4] =	ssyncset.done $0x0  }
0x4f: {  	[sflag:s4] =	ssyncadd.s32 $0xFFFFC180  }
0x50: {  	[tilespmem:s3], [sflag:$0x2] =	stream.linear.gather [hbm4b:s9+s3], $0x3E8, $0x38;
	[tilespmem:$0x4268] =	vst v63  }
0x51: {  	_ =	swait.ge [sflag:s4], $0x3E8  }
0x52: {  	[sflag:s4] =	ssyncset.done $0x0  }
0x53: {  	[sflag:s4] =	ssyncadd.s32 $0xFFFFFC18  }
0x54: {  	[tilespmem:s6], [sflag:$0x1] =	stream.indirect.gather [hbm4b:s2+s6], $0x10, s3, s6, $0xb8;
	[tilespmem:$0x4268] =	vst v63  }
0x55: {  	_ =	swait.ge [sflag:s7], $0x3E80  }
0x56: {  	[sflag:s7] =	ssyncset.done $0x0  }
0x57: {  	[sflag:s7] =	ssyncadd.s32 $0xFFFFC180  }
0x58: {  	[hbm4b:s10+s3] =	stream.linear.scatter [tilespmem:s6], [sflag:$0x2], $0x3E80, $0x38;
	[tilespmem:$0x4268] =	vst v63  }
0x59: {  	_ =	swait.ge [sflag:s4], $0x3E80  }
0x5a: {  	[sflag:s4] =	ssyncset.done $0x0  }
0x5b: {  	[sflag:s4] =	ssyncadd.s32 $0xFFFFC180  }
0x5c: {  	[tilespmem:s3], [sflag:$0x2] =	stream.linear.gather [hbm4b:s11+s3], $0x3E8, $0x38;
	[tilespmem:$0x4268] =	vst v63  }
0x5d: {  	_ =	swait.ge [sflag:s4], $0x3E8  }
0x5e: {  	[sflag:s4] =	ssyncset.done $0x0  }
0x5f: {  	[sflag:s4] =	ssyncadd.s32 $0xFFFFFC18  }
0x60: {  	[tilespmem:s6], [sflag:$0x1] =	stream.indirect.gather [hbm4b:s2+s6], $0x10, s3, s6, $0xb8;
	[tilespmem:$0x4268] =	vst v63  }
0x61: {  	_ =	swait.ge [sflag:s7], $0x3E80  }
0x62: {  	[sflag:s7] =	ssyncset.done $0x0  }
0x63: {  	[sflag:s7] =	ssyncadd.s32 $0xFFFFC180  }
0x64: {  	[hbm4b:s12+s3] =	stream.linear.scatter [tilespmem:s6], [sflag:$0x2], $0x3E80, $0x38;
	[tilespmem:$0x4268] =	vst v63  }
0x65: {  	_ =	swait.ge [sflag:s4], $0x3E80  }
0x66: {  	[sflag:s4] =	ssyncset.done $0x0  }
0x67: {  	[sflag:s4] =	ssyncadd.s32 $0xFFFFC180  }
0x68: {  	[tilespmem:s3], [sflag:$0x2] =	stream.linear.gather [hbm4b:s13+s3], $0x3E8, $0x38;
	[tilespmem:$0x4268] =	vst v63  }
0x69: {  	_ =	swait.ge [sflag:s4], $0x3E8  }
0x6a: {  	[sflag:s4] =	ssyncset.done $0x0  }
0x6b: {  	[sflag:s4] =	ssyncadd.s32 $0xFFFFFC18  }
0x6c: {  	[tilespmem:s6], [sflag:$0x1] =	stream.indirect.gather [hbm4b:s2+s6], $0x10, s3, s6, $0xb8;
	[tilespmem:$0x4268] =	vst v63  }
0x6d: {  	_ =	swait.ge [sflag:s7], $0x3E80  }
0x6e: {  	[sflag:s7] =	ssyncset.done $0x0  }
0x6f: {  	[sflag:s7] =	ssyncadd.s32 $0xFFFFC180  }
0x70: {  	[hbm4b:s14+s3] =	stream.linear.scatter [tilespmem:s6], [sflag:$0x2], $0x3E80, $0x38;
	[tilespmem:$0x4268] =	vst v63  }
0x71: {  	_ =	swait.ge [sflag:s4], $0x3E80  }
0x72: {  	[sflag:s4] =	ssyncset.done $0x0  }
0x73: {  	[sflag:s4] =	ssyncadd.s32 $0xFFFFC180  }
0x74: {  	[tilespmem:s3], [sflag:$0x2] =	stream.linear.gather [hbm4b:s15+s3], $0x3E8, $0x38;
	[tilespmem:$0x4268] =	vst v63  }
0x75: {  	_ =	swait.ge [sflag:s4], $0x3E8  }
0x76: {  	[sflag:s4] =	ssyncset.done $0x0  }
0x77: {  	[sflag:s4] =	ssyncadd.s32 $0xFFFFFC18  }
0x78: {  	[tilespmem:s6], [sflag:$0x1] =	stream.indirect.gather [hbm4b:s2+s6], $0x10, s3, s6, $0xb8;
	[tilespmem:$0x4268] =	vst v63  }
0x79: {  	_ =	swait.ge [sflag:s7], $0x3E80  }
.Ltmp1:
0x7a: {  	[sflag:s7] =	ssyncset.done $0x0;
	(pc) =	sbr.rel @p0 .LBB2_1-.Ltmp1, $4  }
0x7b: {  	[sflag:s7] =	ssyncadd.s32 $0xFFFFC180  }
0x7c: {  	[hbm4b:s16+s3] =	stream.linear.scatter [tilespmem:s6], [sflag:$0x2], $0x3E80, $0x38;
	[tilespmem:$0x4268] =	vst v63  }
0x7d: {  	_ =	swait.ge [sflag:s4], $0x3E80  }
0x7e: {  	[sflag:s4] =	ssyncset.done $0x0  }
.LBB2_2:
0x7f: {  	[sflag:s4] =	ssyncadd.s32 $0xFFFFC180  }
0x80: {  	_ =	sfence.sel $0x180000  }
0x81: {  	[bflag:$0x0] =	sbarrier.arrive $0xFFFF  }
0x82: {  	p0 =	sne.s32 s0, $0x0;
	_ =	strace $0x90000047  }
0x83: {  	s0 =	sadd.s32 @!p0 $0x100000, s1;
	[bflag:$0x2] =	sbarrier.arrive $0xFFFF  }
0x84: {  	[sflag:s0] =	ssyncadd.tile.s32 @!p0 $0x1;
	_ =	shalt  }
.Lfunc_end2:
_tile_overlayer_lowered:
.L_overlay_start_2:
0x85: {  	(tag) =	ssettag $0x2  }
0x86: {  	s0 =	rddreg [dreg:$0x0];
	s2 =	stileid.u32  }
0x87: {  	s1 =	rddreg [dreg:$0x1];
	p0 =	sne.s32 s2, $0x0  }
0x88: {  	s3 =	rddreg [dreg:$0x2];
	[bflag:$0x3] =	sbarrier.arrive $0xFFFF;
	s2 =	simm.s32 @!p0 $0x1C02  }
0x89: {  	[timem:s3], [sflag:s2] =	dma.local @!p0 [hbm:s0], s1  }
0x8a: {  	s0 =	simm.s32 @!p0 $0x2  }
0x8b: {  	_ =	swait.ge @!p0 [sflag:s0], s1  }
0x8c: {  	s1 =	ssub.s32 @!p0 $0x0, s1;
	[sflag:s0] =	ssyncset.done @!p0 $0x0  }
0x8d: {  	[sflag:s0] =	ssyncadd.s32 @!p0 s1  }
0x8e: {  	[bflag:$0x3] =	sbarrier.arrive $0xFFFF  }
0x8f: {  	_ =	shalt  }

</sc_bundles>
